<compile_context>
chip_gen: v7x
topology: tpu7x:2x2x1
jax: 0.10.2.dev20260603
libtpu: 0.0.44.dev20260713+nightly
codegen_flags: <defaults>
</compile_context>

<pallas_src>
import functools

import jax
import jax.numpy as jnp
from jax import lax
from jax.experimental import pallas as pl
from jax.experimental.pallas import tpu as pltpu
from jax.experimental.pallas import tpu_sc as plsc

_CHUNK = 128
_LANES = 16


def _make_gather(D, B, n_workers, n_cores):
    b_per_w = B // n_workers
    n_chunks = b_per_w // _CHUNK
    groups_per_chunk = _CHUNK // _LANES
    per_quad = 128 // D
    mesh = plsc.VectorSubcoreMesh(core_axis_name="c", subcore_axis_name="s")

    @functools.partial(
        pl.kernel,
        mesh=mesh,
        out_type=jax.ShapeDtypeStruct((B, D), jnp.float32),
        scratch_types=[
            pltpu.VMEM((b_per_w,), jnp.int32),
            pltpu.VMEM((n_chunks, _CHUNK), jnp.int32),
            pltpu.VMEM((_CHUNK, 128), jnp.float32),
            pltpu.VMEM((b_per_w, D), jnp.float32),
            pltpu.SemaphoreType.DMA,
        ],
    )
    def gather_kernel(idx_hbm, table_hbm, out_hbm, idx_v, t_v, grp_v, rows_v, sem):
        wid = lax.axis_index("s") * n_cores + lax.axis_index("c")
        base = wid * b_per_w
        pltpu.sync_copy(idx_hbm.at[wid], idx_v)

        for c in range(n_chunks):
            def build(g, carry):
                iv = idx_v[pl.ds(c * _CHUNK + g * _LANES, _LANES)]
                t_v[c, pl.ds(g * _LANES, _LANES)] = lax.shift_right_logical(
                    iv, 2
                )
                return carry

            lax.fori_loop(0, groups_per_chunk, build, 0)

        lane_iota = lax.broadcasted_iota(jnp.int32, (_LANES,), 0)

        for c in range(n_chunks):
            pltpu.async_copy(table_hbm.at[t_v.at[c]], grp_v, sem).wait()

            def compact(g, carry):
                gbase = g * _LANES
                iv = idx_v[pl.ds(c * _CHUNK + gbase, _LANES)]
                for j in range(_LANES):
                    b = gbase + j
                    off = lax.mul(
                        lax.bitwise_and(iv[j], per_quad - 1), jnp.int32(D)
                    )
                    for h in range(D // _LANES):
                        val = grp_v[b, pl.ds(off + h * _LANES, _LANES)]
                        rows_v[
                            c * _CHUNK + b, pl.ds(h * _LANES, _LANES)
                        ] = val
                return carry

            lax.fori_loop(0, groups_per_chunk, compact, 0)

        pltpu.sync_copy(rows_v, out_hbm.at[pl.ds(base, b_per_w)])

    return gather_kernel


def kernel(instruction_ids, embedding_table):
    (B,) = instruction_ids.shape
    V, D = embedding_table.shape
    table_q = embedding_table.reshape(V * D // 128, 128)
    info = plsc.get_sparse_core_info()
    n_workers = info.num_cores * info.num_subcores
    b_per_w = B // n_workers
    idx = instruction_ids.astype(jnp.int32).reshape(n_workers, b_per_w)
    fn = _make_gather(D, B, n_workers, info.num_cores)
    return fn(idx, table_q)

# --- scband reference (transcript-rebuilt; emitter-appended) ---
"""Pipeline reference for scband-language-encoder-18622978195487 (READ-ONLY COPY).

The authoritative reference and input builder live on the scoring server;
editing this copy changes nothing except your own understanding.
"""

import jax, jax.numpy as jnp
import numpy as np

NUM_INSTRUCTIONS = 1000000
LANG_DIM = 32
BATCH = 16384


def setup_inputs(seed: int = 0) -> dict:
    key = jax.random.key(seed)
    k_idx, k_tab = jax.random.split(key)
    instruction_ids = jax.random.randint(k_idx, (BATCH,), 0, NUM_INSTRUCTIONS, dtype=jnp.int64 if jax.config.jax_enable_x64 else jnp.int32)
    # nn.Embedding default init: N(0, 1)
    embedding_table = jax.random.normal(k_tab, (NUM_INSTRUCTIONS, LANG_DIM), dtype=jnp.float32)
    return {"instruction_ids": instruction_ids, "embedding_table": embedding_table}


def reference(instruction_ids, embedding_table):
    # nn.Embedding forward: row gather from the table
    return jnp.take(embedding_table, instruction_ids, axis=0)

if __name__ == "__main__":
    import jax
    _d = setup_inputs()
    print(jax.jit(kernel)(*tuple(_d.values())))

</pallas_src>

<mosaic_0001>
#map = affine_map<(d0, d1) -> (0, 0)>
module attributes {stable_mosaic.version = 14 : i64} {
  func.func @gather_kernel(%arg0: i32, %arg1: i32, %arg2: memref<32x512xi32, #tpu.memory_space<hbm>>, %arg3: memref<250000x128xf32, #tpu.memory_space<hbm>>, %arg4: memref<16384x32xf32, #tpu.memory_space<hbm>>, %arg5: memref<512xi32, #tpu.memory_space<vmem>>, %arg6: memref<4x128xi32, #tpu.memory_space<vmem>>, %arg7: memref<128x128xf32, #tpu.memory_space<vmem>>, %arg8: memref<512x32xf32, #tpu.memory_space<vmem>>, %arg9: memref<!tpu.dma_semaphore, #tpu.memory_space<semaphore_mem>>) attributes {dimension_semantics = [#tpu.dimension_semantics<core_parallel>, #tpu.dimension_semantics<subcore_parallel>], iteration_bounds = array<i64: 2, 16>, scalar_prefetch = 0 : i64, scratch_operands = 5 : i64, tpu.core_type = #tpu.core_type<sc_vector_subcore>, window_params = [{transform_indices = #map}, {transform_indices = #map}, {transform_indices = #map}]} {
    %mul3A = arith.constant 2 : i32
    %mul3A_0 = arith.muli %arg1, %mul3A : i32
    %add3A = arith.addi %mul3A_0, %arg0 : i32
    %mul3A_1 = arith.constant 512 : i32
    %mul3A_2 = arith.muli %add3A, %mul3A_1 : i32
    "tpu.region"() ({
      %run_scoped3A = tpu.sem_alloc : memref<!tpu.dma_semaphore, #tpu.memory_space<semaphore_mem>>
      %dma_start3A_104 = arith.constant 0 : i32
      %dma_start3A_105 = tpu.memref_slice %arg2[%add3A, %dma_start3A_104] : memref<32x512xi32, #tpu.memory_space<hbm>> -> memref<1x512xi32, #tpu.memory_space<hbm>>
      %dma_start3A_106 = tpu.memref_squeeze %dma_start3A_105 : memref<1x512xi32, #tpu.memory_space<hbm>> -> memref<512xi32, #tpu.memory_space<hbm>>
      %dma_start3A_107 = arith.constant 0 : i32
      %dma_start3A_108 = tpu.memref_slice %arg2[%add3A, %dma_start3A_107] : memref<32x512xi32, #tpu.memory_space<hbm>> -> memref<1x512xi32, #tpu.memory_space<hbm>>
      %dma_start3A_109 = tpu.memref_squeeze %dma_start3A_108 : memref<1x512xi32, #tpu.memory_space<hbm>> -> memref<512xi32, #tpu.memory_space<hbm>>
      tpu.enqueue_dma source(%dma_start3A_109 : memref<512xi32, #tpu.memory_space<hbm>>) target(%arg5 : memref<512xi32, #tpu.memory_space<vmem>>) target_semaphore(%run_scoped3A : memref<!tpu.dma_semaphore, #tpu.memory_space<semaphore_mem>>)
      %dma_wait3A_110 = arith.constant 0 : i32
      %dma_wait3A_111 = tpu.memref_slice %arg2[%add3A, %dma_wait3A_110] : memref<32x512xi32, #tpu.memory_space<hbm>> -> memref<1x512xi32, #tpu.memory_space<hbm>>
      %dma_wait3A_112 = tpu.memref_squeeze %dma_wait3A_111 : memref<1x512xi32, #tpu.memory_space<hbm>> -> memref<512xi32, #tpu.memory_space<hbm>>
      %dma_wait3A_113 = arith.constant 0 : i32
      %dma_wait3A_114 = tpu.memref_slice %arg2[%add3A, %dma_wait3A_113] : memref<32x512xi32, #tpu.memory_space<hbm>> -> memref<1x512xi32, #tpu.memory_space<hbm>>
      %dma_wait3A_115 = tpu.memref_squeeze %dma_wait3A_114 : memref<1x512xi32, #tpu.memory_space<hbm>> -> memref<512xi32, #tpu.memory_space<hbm>>
      tpu.wait_dma2 semaphore(%run_scoped3A : memref<!tpu.dma_semaphore, #tpu.memory_space<semaphore_mem>>) src(%dma_wait3A_115 : memref<512xi32, #tpu.memory_space<hbm>>) dst(%arg5 : memref<512xi32, #tpu.memory_space<vmem>>)
      tpu.yield
    }) : () -> ()
    %scan3A = arith.constant 0 : i32
    %scan3A_3 = arith.constant 0 : i32
    %scan3A_4 = arith.constant 8 : i32
    %scan3A_5 = arith.addi %scan3A_3, %scan3A_4 : i32
    %scan3A_6 = arith.constant 1 : i32
    scf.for %scan3A_104 = %scan3A_3 to %scan3A_5 step %scan3A_6  : i32 {
      %mul3A_105 = arith.constant 16 : i32
      %mul3A_106 = arith.muli %scan3A_104, %mul3A_105 : i32
      %add3A_107 = arith.constant 0 : i32
      %add3A_108 = arith.addi %add3A_107, %mul3A_106 : i32
      %get3A = arith.index_cast %add3A_108 : i32 to index
      %get3A_109 = tpu.vector_load %arg5[%get3A] {strides = array<i32>} : memref<512xi32, #tpu.memory_space<vmem>>, vector<16xi32>,
      %get3A_110 = vector.shape_cast %get3A_109 : vector<16xi32> to vector<16xi32>
      %shift_right_logical3A = arith.constant 2 : i32
      %shift_right_logical3A_111 = vector.broadcast %shift_right_logical3A : i32 to vector<16xi32>
      %shift_right_logical3A_112 = arith.shrui %get3A_110, %shift_right_logical3A_111 : vector<16xi32>
      %mul3A_113 = arith.constant 16 : i32
      %mul3A_114 = arith.muli %scan3A_104, %mul3A_113 : i32
      %swap3A = arith.constant 0 : i32
      %swap3A_115 = arith.index_cast %swap3A : i32 to index
      %swap3A_116 = arith.index_cast %mul3A_114 : i32 to index
      %swap3A_117 = tpu.vector_load %arg6[%swap3A_115, %swap3A_116] {strides = array<i32>} : memref<4x128xi32, #tpu.memory_space<vmem>>, vector<1x16xi32>,
      %swap3A_118 = vector.shape_cast %swap3A_117 : vector<1x16xi32> to vector<16xi32>
      %swap3A_119 = vector.shape_cast %shift_right_logical3A_112 : vector<16xi32> to vector<1x16xi32>
      tpu.vector_store %arg6[%swap3A_115, %swap3A_116], %swap3A_119 {strides = array<i32>} : memref<4x128xi32, #tpu.memory_space<vmem>>, vector<1x16xi32>,
    }
    %scan3A_7 = arith.constant 8 : i32
    %scan3A_8 = arith.constant 0 : i32
    %scan3A_9 = arith.constant 0 : i32
    %scan3A_10 = arith.constant 8 : i32
    %scan3A_11 = arith.addi %scan3A_9, %scan3A_10 : i32
    %scan3A_12 = arith.constant 1 : i32
    scf.for %scan3A_104 = %scan3A_9 to %scan3A_11 step %scan3A_12  : i32 {
      %mul3A_105 = arith.constant 16 : i32
      %mul3A_106 = arith.muli %scan3A_104, %mul3A_105 : i32
      %add3A_107 = arith.constant 128 : i32
      %add3A_108 = arith.addi %add3A_107, %mul3A_106 : i32
      %get3A = arith.index_cast %add3A_108 : i32 to index
      %get3A_109 = tpu.vector_load %arg5[%get3A] {strides = array<i32>} : memref<512xi32, #tpu.memory_space<vmem>>, vector<16xi32>,
      %get3A_110 = vector.shape_cast %get3A_109 : vector<16xi32> to vector<16xi32>
      %shift_right_logical3A = arith.constant 2 : i32
      %shift_right_logical3A_111 = vector.broadcast %shift_right_logical3A : i32 to vector<16xi32>
      %shift_right_logical3A_112 = arith.shrui %get3A_110, %shift_right_logical3A_111 : vector<16xi32>
      %mul3A_113 = arith.constant 16 : i32
      %mul3A_114 = arith.muli %scan3A_104, %mul3A_113 : i32
      %swap3A = arith.constant 1 : i32
      %swap3A_115 = arith.index_cast %swap3A : i32 to index
      %swap3A_116 = arith.index_cast %mul3A_114 : i32 to index
      %swap3A_117 = tpu.vector_load %arg6[%swap3A_115, %swap3A_116] {strides = array<i32>} : memref<4x128xi32, #tpu.memory_space<vmem>>, vector<1x16xi32>,
      %swap3A_118 = vector.shape_cast %swap3A_117 : vector<1x16xi32> to vector<16xi32>
      %swap3A_119 = vector.shape_cast %shift_right_logical3A_112 : vector<16xi32> to vector<1x16xi32>
      tpu.vector_store %arg6[%swap3A_115, %swap3A_116], %swap3A_119 {strides = array<i32>} : memref<4x128xi32, #tpu.memory_space<vmem>>, vector<1x16xi32>,
    }
    %scan3A_13 = arith.constant 8 : i32
    %scan3A_14 = arith.constant 0 : i32
    %scan3A_15 = arith.constant 0 : i32
    %scan3A_16 = arith.constant 8 : i32
    %scan3A_17 = arith.addi %scan3A_15, %scan3A_16 : i32
    %scan3A_18 = arith.constant 1 : i32
    scf.for %scan3A_104 = %scan3A_15 to %scan3A_17 step %scan3A_18  : i32 {
      %mul3A_105 = arith.constant 16 : i32
      %mul3A_106 = arith.muli %scan3A_104, %mul3A_105 : i32
      %add3A_107 = arith.constant 256 : i32
      %add3A_108 = arith.addi %add3A_107, %mul3A_106 : i32
      %get3A = arith.index_cast %add3A_108 : i32 to index
      %get3A_109 = tpu.vector_load %arg5[%get3A] {strides = array<i32>} : memref<512xi32, #tpu.memory_space<vmem>>, vector<16xi32>,
      %get3A_110 = vector.shape_cast %get3A_109 : vector<16xi32> to vector<16xi32>
      %shift_right_logical3A = arith.constant 2 : i32
      %shift_right_logical3A_111 = vector.broadcast %shift_right_logical3A : i32 to vector<16xi32>
      %shift_right_logical3A_112 = arith.shrui %get3A_110, %shift_right_logical3A_111 : vector<16xi32>
      %mul3A_113 = arith.constant 16 : i32
      %mul3A_114 = arith.muli %scan3A_104, %mul3A_113 : i32
      %swap3A = arith.constant 2 : i32
      %swap3A_115 = arith.index_cast %swap3A : i32 to index
      %swap3A_116 = arith.index_cast %mul3A_114 : i32 to index
      %swap3A_117 = tpu.vector_load %arg6[%swap3A_115, %swap3A_116] {strides = array<i32>} : memref<4x128xi32, #tpu.memory_space<vmem>>, vector<1x16xi32>,
      %swap3A_118 = vector.shape_cast %swap3A_117 : vector<1x16xi32> to vector<16xi32>
      %swap3A_119 = vector.shape_cast %shift_right_logical3A_112 : vector<16xi32> to vector<1x16xi32>
      tpu.vector_store %arg6[%swap3A_115, %swap3A_116], %swap3A_119 {strides = array<i32>} : memref<4x128xi32, #tpu.memory_space<vmem>>, vector<1x16xi32>,
    }
    %scan3A_19 = arith.constant 8 : i32
    %scan3A_20 = arith.constant 0 : i32
    %scan3A_21 = arith.constant 0 : i32
    %scan3A_22 = arith.constant 8 : i32
    %scan3A_23 = arith.addi %scan3A_21, %scan3A_22 : i32
    %scan3A_24 = arith.constant 1 : i32
    scf.for %scan3A_104 = %scan3A_21 to %scan3A_23 step %scan3A_24  : i32 {
      %mul3A_105 = arith.constant 16 : i32
      %mul3A_106 = arith.muli %scan3A_104, %mul3A_105 : i32
      %add3A_107 = arith.constant 384 : i32
      %add3A_108 = arith.addi %add3A_107, %mul3A_106 : i32
      %get3A = arith.index_cast %add3A_108 : i32 to index
      %get3A_109 = tpu.vector_load %arg5[%get3A] {strides = array<i32>} : memref<512xi32, #tpu.memory_space<vmem>>, vector<16xi32>,
      %get3A_110 = vector.shape_cast %get3A_109 : vector<16xi32> to vector<16xi32>
      %shift_right_logical3A = arith.constant 2 : i32
      %shift_right_logical3A_111 = vector.broadcast %shift_right_logical3A : i32 to vector<16xi32>
      %shift_right_logical3A_112 = arith.shrui %get3A_110, %shift_right_logical3A_111 : vector<16xi32>
      %mul3A_113 = arith.constant 16 : i32
      %mul3A_114 = arith.muli %scan3A_104, %mul3A_113 : i32
      %swap3A = arith.constant 3 : i32
      %swap3A_115 = arith.index_cast %swap3A : i32 to index
      %swap3A_116 = arith.index_cast %mul3A_114 : i32 to index
      %swap3A_117 = tpu.vector_load %arg6[%swap3A_115, %swap3A_116] {strides = array<i32>} : memref<4x128xi32, #tpu.memory_space<vmem>>, vector<1x16xi32>,
      %swap3A_118 = vector.shape_cast %swap3A_117 : vector<1x16xi32> to vector<16xi32>
      %swap3A_119 = vector.shape_cast %shift_right_logical3A_112 : vector<16xi32> to vector<1x16xi32>
      tpu.vector_store %arg6[%swap3A_115, %swap3A_116], %swap3A_119 {strides = array<i32>} : memref<4x128xi32, #tpu.memory_space<vmem>>, vector<1x16xi32>,
    }
    %scan3A_25 = arith.constant 8 : i32
    %iota3A = tpu.iota {dimensions = array<i32: 0>} : vector<16xi32>
    %dma_start3A = arith.constant 0 : i32
    %dma_start3A_26 = arith.constant 0 : i32
    %dma_start3A_27 = tpu.memref_slice %arg6[%dma_start3A, %dma_start3A_26] : memref<4x128xi32, #tpu.memory_space<vmem>> -> memref<1x128xi32, #tpu.memory_space<vmem>>
    %dma_start3A_28 = tpu.memref_squeeze %dma_start3A_27 : memref<1x128xi32, #tpu.memory_space<vmem>> -> memref<128xi32, #tpu.memory_space<vmem>>
    %dma_start3A_29 = arith.constant 0 : i32
    %dma_start3A_30 = arith.constant 0 : i32
    %dma_start3A_31 = tpu.memref_slice %arg3[%dma_start3A_29, %dma_start3A_30] : memref<250000x128xf32, #tpu.memory_space<hbm>> -> memref<250000x128xf32, #tpu.memory_space<hbm>>
    tpu.enqueue_indirect_dma source(%dma_start3A_31 : memref<250000x128xf32, #tpu.memory_space<hbm>>) target(%arg7 : memref<128x128xf32, #tpu.memory_space<vmem>>) offsets(%dma_start3A_28 : memref<128xi32, #tpu.memory_space<vmem>>) semaphore(%arg9 : memref<!tpu.dma_semaphore, #tpu.memory_space<semaphore_mem>>)
    %dma_wait3A = arith.constant 0 : i32
    %dma_wait3A_32 = arith.constant 0 : i32
    %dma_wait3A_33 = tpu.memref_slice %arg6[%dma_wait3A, %dma_wait3A_32] : memref<4x128xi32, #tpu.memory_space<vmem>> -> memref<1x128xi32, #tpu.memory_space<vmem>>
    %dma_wait3A_34 = tpu.memref_squeeze %dma_wait3A_33 : memref<1x128xi32, #tpu.memory_space<vmem>> -> memref<128xi32, #tpu.memory_space<vmem>>
    %dma_wait3A_35 = arith.constant 0 : i32
    %dma_wait3A_36 = arith.constant 0 : i32
    %dma_wait3A_37 = tpu.memref_slice %arg3[%dma_wait3A_35, %dma_wait3A_36] : memref<250000x128xf32, #tpu.memory_space<hbm>> -> memref<250000x128xf32, #tpu.memory_space<hbm>>
    tpu.wait_indirect_dma semaphore(%arg9 : memref<!tpu.dma_semaphore, #tpu.memory_space<semaphore_mem>>) src(%dma_wait3A_37 : memref<250000x128xf32, #tpu.memory_space<hbm>>) dst(%arg7 : memref<128x128xf32, #tpu.memory_space<vmem>>)
    %scan3A_38 = arith.constant 0 : i32
    %scan3A_39 = arith.constant 0 : i32
    %scan3A_40 = arith.constant 8 : i32
    %scan3A_41 = arith.addi %scan3A_39, %scan3A_40 : i32
    %scan3A_42 = arith.constant 1 : i32
    scf.for %scan3A_104 = %scan3A_39 to %scan3A_41 step %scan3A_42  : i32 {
      %mul3A_105 = arith.constant 16 : i32
      %mul3A_106 = arith.muli %scan3A_104, %mul3A_105 : i32
      %add3A_107 = arith.constant 0 : i32
      %add3A_108 = arith.addi %add3A_107, %mul3A_106 : i32
      %get3A = arith.index_cast %add3A_108 : i32 to index
      %get3A_109 = tpu.vector_load %arg5[%get3A] {strides = array<i32>} : memref<512xi32, #tpu.memory_space<vmem>>, vector<16xi32>,
      %get3A_110 = vector.shape_cast %get3A_109 : vector<16xi32> to vector<16xi32>
      %add3A_111 = arith.constant 0 : i32
      %add3A_112 = arith.addi %mul3A_106, %add3A_111 : i32
      %slice3A = vector.extract_strided_slice %get3A_110 {offsets = [0], sizes = [1], strides = [1]} : vector<16xi32> to vector<1xi32>
      %squeeze3A = vector.extract %slice3A[0] : i32 from vector<1xi32>
      %and3A = arith.constant 3 : i32
      %and3A_113 = arith.andi %squeeze3A, %and3A : i32
      %mul3A_114 = arith.constant 32 : i32
      %mul3A_115 = arith.muli %and3A_113, %mul3A_114 : i32
      %add3A_116 = arith.constant 0 : i32
      %add3A_117 = arith.addi %mul3A_115, %add3A_116 : i32
      %get3A_118 = arith.index_cast %add3A_112 : i32 to index
      %get3A_119 = arith.index_cast %add3A_117 : i32 to index
      %get3A_120 = tpu.vector_load %arg7[%get3A_118, %get3A_119] {strides = array<i32>} : memref<128x128xf32, #tpu.memory_space<vmem>>, vector<1x16xf32>,
      %get3A_121 = vector.shape_cast %get3A_120 : vector<1x16xf32> to vector<16xf32>
      %add3A_122 = arith.constant 0 : i32
      %add3A_123 = arith.addi %add3A_122, %add3A_112 : i32
      %swap3A = arith.index_cast %add3A_123 : i32 to index
      %swap3A_124 = arith.constant 0 : index
      %swap3A_125 = tpu.vector_load %arg8[%swap3A, %swap3A_124] {strides = array<i32>} : memref<512x32xf32, #tpu.memory_space<vmem>>, vector<1x16xf32>,
      %swap3A_126 = vector.shape_cast %swap3A_125 : vector<1x16xf32> to vector<16xf32>
      %swap3A_127 = vector.shape_cast %get3A_121 : vector<16xf32> to vector<1x16xf32>
      tpu.vector_store %arg8[%swap3A, %swap3A_124], %swap3A_127 {strides = array<i32>} : memref<512x32xf32, #tpu.memory_space<vmem>>, vector<1x16xf32>,
      %add3A_128 = arith.constant 16 : i32
      %add3A_129 = arith.addi %mul3A_115, %add3A_128 : i32
      %get3A_130 = arith.index_cast %add3A_112 : i32 to index
      %get3A_131 = arith.index_cast %add3A_129 : i32 to index
      %get3A_132 = tpu.vector_load %arg7[%get3A_130, %get3A_131] {strides = array<i32>} : memref<128x128xf32, #tpu.memory_space<vmem>>, vector<1x16xf32>,
      %get3A_133 = vector.shape_cast %get3A_132 : vector<1x16xf32> to vector<16xf32>
      %add3A_134 = arith.constant 0 : i32
      %add3A_135 = arith.addi %add3A_134, %add3A_112 : i32
      %swap3A_136 = arith.index_cast %add3A_135 : i32 to index
      %swap3A_137 = arith.constant 16 : index
      %swap3A_138 = tpu.vector_load %arg8[%swap3A_136, %swap3A_137] {strides = array<i32>} : memref<512x32xf32, #tpu.memory_space<vmem>>, vector<1x16xf32>,
      %swap3A_139 = vector.shape_cast %swap3A_138 : vector<1x16xf32> to vector<16xf32>
      %swap3A_140 = vector.shape_cast %get3A_133 : vector<16xf32> to vector<1x16xf32>
      tpu.vector_store %arg8[%swap3A_136, %swap3A_137], %swap3A_140 {strides = array<i32>} : memref<512x32xf32, #tpu.memory_space<vmem>>, vector<1x16xf32>,
      %add3A_141 = arith.constant 1 : i32
      %add3A_142 = arith.addi %mul3A_106, %add3A_141 : i32
      %slice3A_143 = vector.extract_strided_slice %get3A_110 {offsets = [1], sizes = [1], strides = [1]} : vector<16xi32> to vector<1xi32>
      %squeeze3A_144 = vector.extract %slice3A_143[0] : i32 from vector<1xi32>
      %and3A_145 = arith.constant 3 : i32
      %and3A_146 = arith.andi %squeeze3A_144, %and3A_145 : i32
      %mul3A_147 = arith.constant 32 : i32
      %mul3A_148 = arith.muli %and3A_146, %mul3A_147 : i32
      %add3A_149 = arith.constant 0 : i32
      %add3A_150 = arith.addi %mul3A_148, %add3A_149 : i32
      %get3A_151 = arith.index_cast %add3A_142 : i32 to index
      %get3A_152 = arith.index_cast %add3A_150 : i32 to index
      %get3A_153 = tpu.vector_load %arg7[%get3A_151, %get3A_152] {strides = array<i32>} : memref<128x128xf32, #tpu.memory_space<vmem>>, vector<1x16xf32>,
      %get3A_154 = vector.shape_cast %get3A_153 : vector<1x16xf32> to vector<16xf32>
      %add3A_155 = arith.constant 0 : i32
      %add3A_156 = arith.addi %add3A_155, %add3A_142 : i32
      %swap3A_157 = arith.index_cast %add3A_156 : i32 to index
      %swap3A_158 = arith.constant 0 : index
      %swap3A_159 = tpu.vector_load %arg8[%swap3A_157, %swap3A_158] {strides = array<i32>} : memref<512x32xf32, #tpu.memory_space<vmem>>, vector<1x16xf32>,
      %swap3A_160 = vector.shape_cast %swap3A_159 : vector<1x16xf32> to vector<16xf32>
      %swap3A_161 = vector.shape_cast %get3A_154 : vector<16xf32> to vector<1x16xf32>
      tpu.vector_store %arg8[%swap3A_157, %swap3A_158], %swap3A_161 {strides = array<i32>} : memref<512x32xf32, #tpu.memory_space<vmem>>, vector<1x16xf32>,
      %add3A_162 = arith.constant 16 : i32
      %add3A_163 = arith.addi %mul3A_148, %add3A_162 : i32
      %get3A_164 = arith.index_cast %add3A_142 : i32 to index
      %get3A_165 = arith.index_cast %add3A_163 : i32 to index
      %get3A_166 = tpu.vector_load %arg7[%get3A_164, %get3A_165] {strides = array<i32>} : memref<128x128xf32, #tpu.memory_space<vmem>>, vector<1x16xf32>,
      %get3A_167 = vector.shape_cast %get3A_166 : vector<1x16xf32> to vector<16xf32>
      %add3A_168 = arith.constant 0 : i32
      %add3A_169 = arith.addi %add3A_168, %add3A_142 : i32
      %swap3A_170 = arith.index_cast %add3A_169 : i32 to index
      %swap3A_171 = arith.constant 16 : index
      %swap3A_172 = tpu.vector_load %arg8[%swap3A_170, %swap3A_171] {strides = array<i32>} : memref<512x32xf32, #tpu.memory_space<vmem>>, vector<1x16xf32>,
      %swap3A_173 = vector.shape_cast %swap3A_172 : vector<1x16xf32> to vector<16xf32>
      %swap3A_174 = vector.shape_cast %get3A_167 : vector<16xf32> to vector<1x16xf32>
      tpu.vector_store %arg8[%swap3A_170, %swap3A_171], %swap3A_174 {strides = array<i32>} : memref<512x32xf32, #tpu.memory_space<vmem>>, vector<1x16xf32>,
      %add3A_175 = arith.constant 2 : i32
      %add3A_176 = arith.addi %mul3A_106, %add3A_175 : i32
      %slice3A_177 = vector.extract_strided_slice %get3A_110 {offsets = [2], sizes = [1], strides = [1]} : vector<16xi32> to vector<1xi32>
      %squeeze3A_178 = vector.extract %slice3A_177[0] : i32 from vector<1xi32>
      %and3A_179 = arith.constant 3 : i32
      %and3A_180 = arith.andi %squeeze3A_178, %and3A_179 : i32
      %mul3A_181 = arith.constant 32 : i32
      %mul3A_182 = arith.muli %and3A_180, %mul3A_181 : i32
      %add3A_183 = arith.constant 0 : i32
      %add3A_184 = arith.addi %mul3A_182, %add3A_183 : i32
      %get3A_185 = arith.index_cast %add3A_176 : i32 to index
      %get3A_186 = arith.index_cast %add3A_184 : i32 to index
      %get3A_187 = tpu.vector_load %arg7[%get3A_185, %get3A_186] {strides = array<i32>} : memref<128x128xf32, #tpu.memory_space<vmem>>, vector<1x16xf32>,
      %get3A_188 = vector.shape_cast %get3A_187 : vector<1x16xf32> to vector<16xf32>
      %add3A_189 = arith.constant 0 : i32
      %add3A_190 = arith.addi %add3A_189, %add3A_176 : i32
      %swap3A_191 = arith.index_cast %add3A_190 : i32 to index
      %swap3A_192 = arith.constant 0 : index
      %swap3A_193 = tpu.vector_load %arg8[%swap3A_191, %swap3A_192] {strides = array<i32>} : memref<512x32xf32, #tpu.memory_space<vmem>>, vector<1x16xf32>,
      %swap3A_194 = vector.shape_cast %swap3A_193 : vector<1x16xf32> to vector<16xf32>
      %swap3A_195 = vector.shape_cast %get3A_188 : vector<16xf32> to vector<1x16xf32>
      tpu.vector_store %arg8[%swap3A_191, %swap3A_192], %swap3A_195 {strides = array<i32>} : memref<512x32xf32, #tpu.memory_space<vmem>>, vector<1x16xf32>,
      %add3A_196 = arith.constant 16 : i32
      %add3A_197 = arith.addi %mul3A_182, %add3A_196 : i32
      %get3A_198 = arith.index_cast %add3A_176 : i32 to index
      %get3A_199 = arith.index_cast %add3A_197 : i32 to index
      %get3A_200 = tpu.vector_load %arg7[%get3A_198, %get3A_199] {strides = array<i32>} : memref<128x128xf32, #tpu.memory_space<vmem>>, vector<1x16xf32>,
      %get3A_201 = vector.shape_cast %get3A_200 : vector<1x16xf32> to vector<16xf32>
      %add3A_202 = arith.constant 0 : i32
      %add3A_203 = arith.addi %add3A_202, %add3A_176 : i32
      %swap3A_204 = arith.index_cast %add3A_203 : i32 to index
      %swap3A_205 = arith.constant 16 : index
      %swap3A_206 = tpu.vector_load %arg8[%swap3A_204, %swap3A_205] {strides = array<i32>} : memref<512x32xf32, #tpu.memory_space<vmem>>, vector<1x16xf32>,
      %swap3A_207 = vector.shape_cast %swap3A_206 : vector<1x16xf32> to vector<16xf32>
      %swap3A_208 = vector.shape_cast %get3A_201 : vector<16xf32> to vector<1x16xf32>
      tpu.vector_store %arg8[%swap3A_204, %swap3A_205], %swap3A_208 {strides = array<i32>} : memref<512x32xf32, #tpu.memory_space<vmem>>, vector<1x16xf32>,
      %add3A_209 = arith.constant 3 : i32
      %add3A_210 = arith.addi %mul3A_106, %add3A_209 : i32
      %slice3A_211 = vector.extract_strided_slice %get3A_110 {offsets = [3], sizes = [1], strides = [1]} : vector<16xi32> to vector<1xi32>
      %squeeze3A_212 = vector.extract %slice3A_211[0] : i32 from vector<1xi32>
      %and3A_213 = arith.constant 3 : i32
      %and3A_214 = arith.andi %squeeze3A_212, %and3A_213 : i32
      %mul3A_215 = arith.constant 32 : i32
      %mul3A_216 = arith.muli %and3A_214, %mul3A_215 : i32
      %add3A_217 = arith.constant 0 : i32
      %add3A_218 = arith.addi %mul3A_216, %add3A_217 : i32
      %get3A_219 = arith.index_cast %add3A_210 : i32 to index
      %get3A_220 = arith.index_cast %add3A_218 : i32 to index
      %get3A_221 = tpu.vector_load %arg7[%get3A_219, %get3A_220] {strides = array<i32>} : memref<128x128xf32, #tpu.memory_space<vmem>>, vector<1x16xf32>,
      %get3A_222 = vector.shape_cast %get3A_221 : vector<1x16xf32> to vector<16xf32>
      %add3A_223 = arith.constant 0 : i32
      %add3A_224 = arith.addi %add3A_223, %add3A_210 : i32
      %swap3A_225 = arith.index_cast %add3A_224 : i32 to index
      %swap3A_226 = arith.constant 0 : index
      %swap3A_227 = tpu.vector_load %arg8[%swap3A_225, %swap3A_226] {strides = array<i32>} : memref<512x32xf32, #tpu.memory_space<vmem>>, vector<1x16xf32>,
      %swap3A_228 = vector.shape_cast %swap3A_227 : vector<1x16xf32> to vector<16xf32>
      %swap3A_229 = vector.shape_cast %get3A_222 : vector<16xf32> to vector<1x16xf32>
      tpu.vector_store %arg8[%swap3A_225, %swap3A_226], %swap3A_229 {strides = array<i32>} : memref<512x32xf32, #tpu.memory_space<vmem>>, vector<1x16xf32>,
      %add3A_230 = arith.constant 16 : i32
      %add3A_231 = arith.addi %mul3A_216, %add3A_230 : i32
      %get3A_232 = arith.index_cast %add3A_210 : i32 to index
      %get3A_233 = arith.index_cast %add3A_231 : i32 to index
      %get3A_234 = tpu.vector_load %arg7[%get3A_232, %get3A_233] {strides = array<i32>} : memref<128x128xf32, #tpu.memory_space<vmem>>, vector<1x16xf32>,
      %get3A_235 = vector.shape_cast %get3A_234 : vector<1x16xf32> to vector<16xf32>
      %add3A_236 = arith.constant 0 : i32
      %add3A_237 = arith.addi %add3A_236, %add3A_210 : i32
      %swap3A_238 = arith.index_cast %add3A_237 : i32 to index
      %swap3A_239 = arith.constant 16 : index
      %swap3A_240 = tpu.vector_load %arg8[%swap3A_238, %swap3A_239] {strides = array<i32>} : memref<512x32xf32, #tpu.memory_space<vmem>>, vector<1x16xf32>,
      %swap3A_241 = vector.shape_cast %swap3A_240 : vector<1x16xf32> to vector<16xf32>
      %swap3A_242 = vector.shape_cast %get3A_235 : vector<16xf32> to vector<1x16xf32>
      tpu.vector_store %arg8[%swap3A_238, %swap3A_239], %swap3A_242 {strides = array<i32>} : memref<512x32xf32, #tpu.memory_space<vmem>>, vector<1x16xf32>,
      %add3A_243 = arith.constant 4 : i32
      %add3A_244 = arith.addi %mul3A_106, %add3A_243 : i32
      %slice3A_245 = vector.extract_strided_slice %get3A_110 {offsets = [4], sizes = [1], strides = [1]} : vector<16xi32> to vector<1xi32>
      %squeeze3A_246 = vector.extract %slice3A_245[0] : i32 from vector<1xi32>
      %and3A_247 = arith.constant 3 : i32
      %and3A_248 = arith.andi %squeeze3A_246, %and3A_247 : i32
      %mul3A_249 = arith.constant 32 : i32
      %mul3A_250 = arith.muli %and3A_248, %mul3A_249 : i32
      %add3A_251 = arith.constant 0 : i32
      %add3A_252 = arith.addi %mul3A_250, %add3A_251 : i32
      %get3A_253 = arith.index_cast %add3A_244 : i32 to index
      %get3A_254 = arith.index_cast %add3A_252 : i32 to index
      %get3A_255 = tpu.vector_load %arg7[%get3A_253, %get3A_254] {strides = array<i32>} : memref<128x128xf32, #tpu.memory_space<vmem>>, vector<1x16xf32>,
      %get3A_256 = vector.shape_cast %get3A_255 : vector<1x16xf32> to vector<16xf32>
      %add3A_257 = arith.constant 0 : i32
      %add3A_258 = arith.addi %add3A_257, %add3A_244 : i32
      %swap3A_259 = arith.index_cast %add3A_258 : i32 to index
      %swap3A_260 = arith.constant 0 : index
      %swap3A_261 = tpu.vector_load %arg8[%swap3A_259, %swap3A_260] {strides = array<i32>} : memref<512x32xf32, #tpu.memory_space<vmem>>, vector<1x16xf32>,
      %swap3A_262 = vector.shape_cast %swap3A_261 : vector<1x16xf32> to vector<16xf32>
      %swap3A_263 = vector.shape_cast %get3A_256 : vector<16xf32> to vector<1x16xf32>
      tpu.vector_store %arg8[%swap3A_259, %swap3A_260], %swap3A_263 {strides = array<i32>} : memref<512x32xf32, #tpu.memory_space<vmem>>, vector<1x16xf32>,
      %add3A_264 = arith.constant 16 : i32
      %add3A_265 = arith.addi %mul3A_250, %add3A_264 : i32
      %get3A_266 = arith.index_cast %add3A_244 : i32 to index
      %get3A_267 = arith.index_cast %add3A_265 : i32 to index
      %get3A_268 = tpu.vector_load %arg7[%get3A_266, %get3A_267] {strides = array<i32>} : memref<128x128xf32, #tpu.memory_space<vmem>>, vector<1x16xf32>,
      %get3A_269 = vector.shape_cast %get3A_268 : vector<1x16xf32> to vector<16xf32>
      %add3A_270 = arith.constant 0 : i32
      %add3A_271 = arith.addi %add3A_270, %add3A_244 : i32
      %swap3A_272 = arith.index_cast %add3A_271 : i32 to index
      %swap3A_273 = arith.constant 16 : index
      %swap3A_274 = tpu.vector_load %arg8[%swap3A_272, %swap3A_273] {strides = array<i32>} : memref<512x32xf32, #tpu.memory_space<vmem>>, vector<1x16xf32>,
      %swap3A_275 = vector.shape_cast %swap3A_274 : vector<1x16xf32> to vector<16xf32>
      %swap3A_276 = vector.shape_cast %get3A_269 : vector<16xf32> to vector<1x16xf32>
      tpu.vector_store %arg8[%swap3A_272, %swap3A_273], %swap3A_276 {strides = array<i32>} : memref<512x32xf32, #tpu.memory_space<vmem>>, vector<1x16xf32>,
      %add3A_277 = arith.constant 5 : i32
      %add3A_278 = arith.addi %mul3A_106, %add3A_277 : i32
      %slice3A_279 = vector.extract_strided_slice %get3A_110 {offsets = [5], sizes = [1], strides = [1]} : vector<16xi32> to vector<1xi32>
      %squeeze3A_280 = vector.extract %slice3A_279[0] : i32 from vector<1xi32>
      %and3A_281 = arith.constant 3 : i32
      %and3A_282 = arith.andi %squeeze3A_280, %and3A_281 : i32
      %mul3A_283 = arith.constant 32 : i32
      %mul3A_284 = arith.muli %and3A_282, %mul3A_283 : i32
      %add3A_285 = arith.constant 0 : i32
      %add3A_286 = arith.addi %mul3A_284, %add3A_285 : i32
      %get3A_287 = arith.index_cast %add3A_278 : i32 to index
      %get3A_288 = arith.index_cast %add3A_286 : i32 to index
      %get3A_289 = tpu.vector_load %arg7[%get3A_287, %get3A_288] {strides = array<i32>} : memref<128x128xf32, #tpu.memory_space<vmem>>, vector<1x16xf32>,
      %get3A_290 = vector.shape_cast %get3A_289 : vector<1x16xf32> to vector<16xf32>
      %add3A_291 = arith.constant 0 : i32
      %add3A_292 = arith.addi %add3A_291, %add3A_278 : i32
      %swap3A_293 = arith.index_cast %add3A_292 : i32 to index
      %swap3A_294 = arith.constant 0 : index
      %swap3A_295 = tpu.vector_load %arg8[%swap3A_293, %swap3A_294] {strides = array<i32>} : memref<512x32xf32, #tpu.memory_space<vmem>>, vector<1x16xf32>,
      %swap3A_296 = vector.shape_cast %swap3A_295 : vector<1x16xf32> to vector<16xf32>
      %swap3A_297 = vector.shape_cast %get3A_290 : vector<16xf32> to vector<1x16xf32>
      tpu.vector_store %arg8[%swap3A_293, %swap3A_294], %swap3A_297 {strides = array<i32>} : memref<512x32xf32, #tpu.memory_space<vmem>>, vector<1x16xf32>,
      %add3A_298 = arith.constant 16 : i32
      %add3A_299 = arith.addi %mul3A_284, %add3A_298 : i32
      %get3A_300 = arith.index_cast %add3A_278 : i32 to index
      %get3A_301 = arith.index_cast %add3A_299 : i32 to index
      %get3A_302 = tpu.vector_load %arg7[%get3A_300, %get3A_301] {strides = array<i32>} : memref<128x128xf32, #tpu.memory_space<vmem>>, vector<1x16xf32>,
      %get3A_303 = vector.shape_cast %get3A_302 : vector<1x16xf32> to vector<16xf32>
      %add3A_304 = arith.constant 0 : i32
      %add3A_305 = arith.addi %add3A_304, %add3A_278 : i32
      %swap3A_306 = arith.index_cast %add3A_305 : i32 to index
      %swap3A_307 = arith.constant 16 : index
      %swap3A_308 = tpu.vector_load %arg8[%swap3A_306, %swap3A_307] {strides = array<i32>} : memref<512x32xf32, #tpu.memory_space<vmem>>, vector<1x16xf32>,
      %swap3A_309 = vector.shape_cast %swap3A_308 : vector<1x16xf32> to vector<16xf32>
      %swap3A_310 = vector.shape_cast %get3A_303 : vector<16xf32> to vector<1x16xf32>
      tpu.vector_store %arg8[%swap3A_306, %swap3A_307], %swap3A_310 {strides = array<i32>} : memref<512x32xf32, #tpu.memory_space<vmem>>, vector<1x16xf32>,
      %add3A_311 = arith.constant 6 : i32
      %add3A_312 = arith.addi %mul3A_106, %add3A_311 : i32
      %slice3A_313 = vector.extract_strided_slice %get3A_110 {offsets = [6], sizes = [1], strides = [1]} : vector<16xi32> to vector<1xi32>
      %squeeze3A_314 = vector.extract %slice3A_313[0] : i32 from vector<1xi32>
      %and3A_315 = arith.constant 3 : i32
      %and3A_316 = arith.andi %squeeze3A_314, %and3A_315 : i32
      %mul3A_317 = arith.constant 32 : i32
      %mul3A_318 = arith.muli %and3A_316, %mul3A_317 : i32
      %add3A_319 = arith.constant 0 : i32
      %add3A_320 = arith.addi %mul3A_318, %add3A_319 : i32
      %get3A_321 = arith.index_cast %add3A_312 : i32 to index
      %get3A_322 = arith.index_cast %add3A_320 : i32 to index
      %get3A_323 = tpu.vector_load %arg7[%get3A_321, %get3A_322] {strides = array<i32>} : memref<128x128xf32, #tpu.memory_space<vmem>>, vector<1x16xf32>,
      %get3A_324 = vector.shape_cast %get3A_323 : vector<1x16xf32> to vector<16xf32>
      %add3A_325 = arith.constant 0 : i32
      %add3A_326 = arith.addi %add3A_325, %add3A_312 : i32
      %swap3A_327 = arith.index_cast %add3A_326 : i32 to index
      %swap3A_328 = arith.constant 0 : index
      %swap3A_329 = tpu.vector_load %arg8[%swap3A_327, %swap3A_328] {strides = array<i32>} : memref<512x32xf32, #tpu.memory_space<vmem>>, vector<1x16xf32>,
      %swap3A_330 = vector.shape_cast %swap3A_329 : vector<1x16xf32> to vector<16xf32>
      %swap3A_331 = vector.shape_cast %get3A_324 : vector<16xf32> to vector<1x16xf32>
      tpu.vector_store %arg8[%swap3A_327, %swap3A_328], %swap3A_331 {strides = array<i32>} : memref<512x32xf32, #tpu.memory_space<vmem>>, vector<1x16xf32>,
      %add3A_332 = arith.constant 16 : i32
      %add3A_333 = arith.addi %mul3A_318, %add3A_332 : i32
      %get3A_334 = arith.index_cast %add3A_312 : i32 to index
      %get3A_335 = arith.index_cast %add3A_333 : i32 to index
      %get3A_336 = tpu.vector_load %arg7[%get3A_334, %get3A_335] {strides = array<i32>} : memref<128x128xf32, #tpu.memory_space<vmem>>, vector<1x16xf32>,
      %get3A_337 = vector.shape_cast %get3A_336 : vector<1x16xf32> to vector<16xf32>
      %add3A_338 = arith.constant 0 : i32
      %add3A_339 = arith.addi %add3A_338, %add3A_312 : i32
      %swap3A_340 = arith.index_cast %add3A_339 : i32 to index
      %swap3A_341 = arith.constant 16 : index
      %swap3A_342 = tpu.vector_load %arg8[%swap3A_340, %swap3A_341] {strides = array<i32>} : memref<512x32xf32, #tpu.memory_space<vmem>>, vector<1x16xf32>,
      %swap3A_343 = vector.shape_cast %swap3A_342 : vector<1x16xf32> to vector<16xf32>
      %swap3A_344 = vector.shape_cast %get3A_337 : vector<16xf32> to vector<1x16xf32>
      tpu.vector_store %arg8[%swap3A_340, %swap3A_341], %swap3A_344 {strides = array<i32>} : memref<512x32xf32, #tpu.memory_space<vmem>>, vector<1x16xf32>,
      %add3A_345 = arith.constant 7 : i32
      %add3A_346 = arith.addi %mul3A_106, %add3A_345 : i32
      %slice3A_347 = vector.extract_strided_slice %get3A_110 {offsets = [7], sizes = [1], strides = [1]} : vector<16xi32> to vector<1xi32>
      %squeeze3A_348 = vector.extract %slice3A_347[0] : i32 from vector<1xi32>
      %and3A_349 = arith.constant 3 : i32
      %and3A_350 = arith.andi %squeeze3A_348, %and3A_349 : i32
      %mul3A_351 = arith.constant 32 : i32
      %mul3A_352 = arith.muli %and3A_350, %mul3A_351 : i32
      %add3A_353 = arith.constant 0 : i32
      %add3A_354 = arith.addi %mul3A_352, %add3A_353 : i32
      %get3A_355 = arith.index_cast %add3A_346 : i32 to index
      %get3A_356 = arith.index_cast %add3A_354 : i32 to index
      %get3A_357 = tpu.vector_load %arg7[%get3A_355, %get3A_356] {strides = array<i32>} : memref<128x128xf32, #tpu.memory_space<vmem>>, vector<1x16xf32>,
      %get3A_358 = vector.shape_cast %get3A_357 : vector<1x16xf32> to vector<16xf32>
      %add3A_359 = arith.constant 0 : i32
      %add3A_360 = arith.addi %add3A_359, %add3A_346 : i32
      %swap3A_361 = arith.index_cast %add3A_360 : i32 to index
      %swap3A_362 = arith.constant 0 : index
      %swap3A_363 = tpu.vector_load %arg8[%swap3A_361, %swap3A_362] {strides = array<i32>} : memref<512x32xf32, #tpu.memory_space<vmem>>, vector<1x16xf32>,
      %swap3A_364 = vector.shape_cast %swap3A_363 : vector<1x16xf32> to vector<16xf32>
      %swap3A_365 = vector.shape_cast %get3A_358 : vector<16xf32> to vector<1x16xf32>
      tpu.vector_store %arg8[%swap3A_361, %swap3A_362], %swap3A_365 {strides = array<i32>} : memref<512x32xf32, #tpu.memory_space<vmem>>, vector<1x16xf32>,
      %add3A_366 = arith.constant 16 : i32
      %add3A_367 = arith.addi %mul3A_352, %add3A_366 : i32
      %get3A_368 = arith.index_cast %add3A_346 : i32 to index
      %get3A_369 = arith.index_cast %add3A_367 : i32 to index
      %get3A_370 = tpu.vector_load %arg7[%get3A_368, %get3A_369] {strides = array<i32>} : memref<128x128xf32, #tpu.memory_space<vmem>>, vector<1x16xf32>,
      %get3A_371 = vector.shape_cast %get3A_370 : vector<1x16xf32> to vector<16xf32>
      %add3A_372 = arith.constant 0 : i32
      %add3A_373 = arith.addi %add3A_372, %add3A_346 : i32
      %swap3A_374 = arith.index_cast %add3A_373 : i32 to index
      %swap3A_375 = arith.constant 16 : index
      %swap3A_376 = tpu.vector_load %arg8[%swap3A_374, %swap3A_375] {strides = array<i32>} : memref<512x32xf32, #tpu.memory_space<vmem>>, vector<1x16xf32>,
      %swap3A_377 = vector.shape_cast %swap3A_376 : vector<1x16xf32> to vector<16xf32>
      %swap3A_378 = vector.shape_cast %get3A_371 : vector<16xf32> to vector<1x16xf32>
      tpu.vector_store %arg8[%swap3A_374, %swap3A_375], %swap3A_378 {strides = array<i32>} : memref<512x32xf32, #tpu.memory_space<vmem>>, vector<1x16xf32>,
      %add3A_379 = arith.constant 8 : i32
      %add3A_380 = arith.addi %mul3A_106, %add3A_379 : i32
      %slice3A_381 = vector.extract_strided_slice %get3A_110 {offsets = [8], sizes = [1], strides = [1]} : vector<16xi32> to vector<1xi32>
      %squeeze3A_382 = vector.extract %slice3A_381[0] : i32 from vector<1xi32>
      %and3A_383 = arith.constant 3 : i32
      %and3A_384 = arith.andi %squeeze3A_382, %and3A_383 : i32
      %mul3A_385 = arith.constant 32 : i32
      %mul3A_386 = arith.muli %and3A_384, %mul3A_385 : i32
      %add3A_387 = arith.constant 0 : i32
      %add3A_388 = arith.addi %mul3A_386, %add3A_387 : i32
      %get3A_389 = arith.index_cast %add3A_380 : i32 to index
      %get3A_390 = arith.index_cast %add3A_388 : i32 to index
      %get3A_391 = tpu.vector_load %arg7[%get3A_389, %get3A_390] {strides = array<i32>} : memref<128x128xf32, #tpu.memory_space<vmem>>, vector<1x16xf32>,
      %get3A_392 = vector.shape_cast %get3A_391 : vector<1x16xf32> to vector<16xf32>
      %add3A_393 = arith.constant 0 : i32
      %add3A_394 = arith.addi %add3A_393, %add3A_380 : i32
      %swap3A_395 = arith.index_cast %add3A_394 : i32 to index
      %swap3A_396 = arith.constant 0 : index
      %swap3A_397 = tpu.vector_load %arg8[%swap3A_395, %swap3A_396] {strides = array<i32>} : memref<512x32xf32, #tpu.memory_space<vmem>>, vector<1x16xf32>,
      %swap3A_398 = vector.shape_cast %swap3A_397 : vector<1x16xf32> to vector<16xf32>
      %swap3A_399 = vector.shape_cast %get3A_392 : vector<16xf32> to vector<1x16xf32>
      tpu.vector_store %arg8[%swap3A_395, %swap3A_396], %swap3A_399 {strides = array<i32>} : memref<512x32xf32, #tpu.memory_space<vmem>>, vector<1x16xf32>,
      %add3A_400 = arith.constant 16 : i32
      %add3A_401 = arith.addi %mul3A_386, %add3A_400 : i32
      %get3A_402 = arith.index_cast %add3A_380 : i32 to index
      %get3A_403 = arith.index_cast %add3A_401 : i32 to index
      %get3A_404 = tpu.vector_load %arg7[%get3A_402, %get3A_403] {strides = array<i32>} : memref<128x128xf32, #tpu.memory_space<vmem>>, vector<1x16xf32>,
      %get3A_405 = vector.shape_cast %get3A_404 : vector<1x16xf32> to vector<16xf32>
      %add3A_406 = arith.constant 0 : i32
      %add3A_407 = arith.addi %add3A_406, %add3A_380 : i32
      %swap3A_408 = arith.index_cast %add3A_407 : i32 to index
      %swap3A_409 = arith.constant 16 : index
      %swap3A_410 = tpu.vector_load %arg8[%swap3A_408, %swap3A_409] {strides = array<i32>} : memref<512x32xf32, #tpu.memory_space<vmem>>, vector<1x16xf32>,
      %swap3A_411 = vector.shape_cast %swap3A_410 : vector<1x16xf32> to vector<16xf32>
      %swap3A_412 = vector.shape_cast %get3A_405 : vector<16xf32> to vector<1x16xf32>
      tpu.vector_store %arg8[%swap3A_408, %swap3A_409], %swap3A_412 {strides = array<i32>} : memref<512x32xf32, #tpu.memory_space<vmem>>, vector<1x16xf32>,
      %add3A_413 = arith.constant 9 : i32
      %add3A_414 = arith.addi %mul3A_106, %add3A_413 : i32
      %slice3A_415 = vector.extract_strided_slice %get3A_110 {offsets = [9], sizes = [1], strides = [1]} : vector<16xi32> to vector<1xi32>
      %squeeze3A_416 = vector.extract %slice3A_415[0] : i32 from vector<1xi32>
      %and3A_417 = arith.constant 3 : i32
      %and3A_418 = arith.andi %squeeze3A_416, %and3A_417 : i32
      %mul3A_419 = arith.constant 32 : i32
      %mul3A_420 = arith.muli %and3A_418, %mul3A_419 : i32
      %add3A_421 = arith.constant 0 : i32
      %add3A_422 = arith.addi %mul3A_420, %add3A_421 : i32
      %get3A_423 = arith.index_cast %add3A_414 : i32 to index
      %get3A_424 = arith.index_cast %add3A_422 : i32 to index
      %get3A_425 = tpu.vector_load %arg7[%get3A_423, %get3A_424] {strides = array<i32>} : memref<128x128xf32, #tpu.memory_space<vmem>>, vector<1x16xf32>,
      %get3A_426 = vector.shape_cast %get3A_425 : vector<1x16xf32> to vector<16xf32>
      %add3A_427 = arith.constant 0 : i32
      %add3A_428 = arith.addi %add3A_427, %add3A_414 : i32
      %swap3A_429 = arith.index_cast %add3A_428 : i32 to index
      %swap3A_430 = arith.constant 0 : index
      %swap3A_431 = tpu.vector_load %arg8[%swap3A_429, %swap3A_430] {strides = array<i32>} : memref<512x32xf32, #tpu.memory_space<vmem>>, vector<1x16xf32>,
      %swap3A_432 = vector.shape_cast %swap3A_431 : vector<1x16xf32> to vector<16xf32>
      %swap3A_433 = vector.shape_cast %get3A_426 : vector<16xf32> to vector<1x16xf32>
      tpu.vector_store %arg8[%swap3A_429, %swap3A_430], %swap3A_433 {strides = array<i32>} : memref<512x32xf32, #tpu.memory_space<vmem>>, vector<1x16xf32>,
      %add3A_434 = arith.constant 16 : i32
      %add3A_435 = arith.addi %mul3A_420, %add3A_434 : i32
      %get3A_436 = arith.index_cast %add3A_414 : i32 to index
      %get3A_437 = arith.index_cast %add3A_435 : i32 to index
      %get3A_438 = tpu.vector_load %arg7[%get3A_436, %get3A_437] {strides = array<i32>} : memref<128x128xf32, #tpu.memory_space<vmem>>, vector<1x16xf32>,
      %get3A_439 = vector.shape_cast %get3A_438 : vector<1x16xf32> to vector<16xf32>
      %add3A_440 = arith.constant 0 : i32
      %add3A_441 = arith.addi %add3A_440, %add3A_414 : i32
      %swap3A_442 = arith.index_cast %add3A_441 : i32 to index
      %swap3A_443 = arith.constant 16 : index
      %swap3A_444 = tpu.vector_load %arg8[%swap3A_442, %swap3A_443] {strides = array<i32>} : memref<512x32xf32, #tpu.memory_space<vmem>>, vector<1x16xf32>,
      %swap3A_445 = vector.shape_cast %swap3A_444 : vector<1x16xf32> to vector<16xf32>
      %swap3A_446 = vector.shape_cast %get3A_439 : vector<16xf32> to vector<1x16xf32>
      tpu.vector_store %arg8[%swap3A_442, %swap3A_443], %swap3A_446 {strides = array<i32>} : memref<512x32xf32, #tpu.memory_space<vmem>>, vector<1x16xf32>,
      %add3A_447 = arith.constant 10 : i32
      %add3A_448 = arith.addi %mul3A_106, %add3A_447 : i32
      %slice3A_449 = vector.extract_strided_slice %get3A_110 {offsets = [10], sizes = [1], strides = [1]} : vector<16xi32> to vector<1xi32>
      %squeeze3A_450 = vector.extract %slice3A_449[0] : i32 from vector<1xi32>
      %and3A_451 = arith.constant 3 : i32
      %and3A_452 = arith.andi %squeeze3A_450, %and3A_451 : i32
      %mul3A_453 = arith.constant 32 : i32
      %mul3A_454 = arith.muli %and3A_452, %mul3A_453 : i32
      %add3A_455 = arith.constant 0 : i32
      %add3A_456 = arith.addi %mul3A_454, %add3A_455 : i32
      %get3A_457 = arith.index_cast %add3A_448 : i32 to index
      %get3A_458 = arith.index_cast %add3A_456 : i32 to index
      %get3A_459 = tpu.vector_load %arg7[%get3A_457, %get3A_458] {strides = array<i32>} : memref<128x128xf32, #tpu.memory_space<vmem>>, vector<1x16xf32>,
      %get3A_460 = vector.shape_cast %get3A_459 : vector<1x16xf32> to vector<16xf32>
      %add3A_461 = arith.constant 0 : i32
      %add3A_462 = arith.addi %add3A_461, %add3A_448 : i32
      %swap3A_463 = arith.index_cast %add3A_462 : i32 to index
      %swap3A_464 = arith.constant 0 : index
      %swap3A_465 = tpu.vector_load %arg8[%swap3A_463, %swap3A_464] {strides = array<i32>} : memref<512x32xf32, #tpu.memory_space<vmem>>, vector<1x16xf32>,
      %swap3A_466 = vector.shape_cast %swap3A_465 : vector<1x16xf32> to vector<16xf32>
      %swap3A_467 = vector.shape_cast %get3A_460 : vector<16xf32> to vector<1x16xf32>
      tpu.vector_store %arg8[%swap3A_463, %swap3A_464], %swap3A_467 {strides = array<i32>} : memref<512x32xf32, #tpu.memory_space<vmem>>, vector<1x16xf32>,
      %add3A_468 = arith.constant 16 : i32
      %add3A_469 = arith.addi %mul3A_454, %add3A_468 : i32
      %get3A_470 = arith.index_cast %add3A_448 : i32 to index
      %get3A_471 = arith.index_cast %add3A_469 : i32 to index
      %get3A_472 = tpu.vector_load %arg7[%get3A_470, %get3A_471] {strides = array<i32>} : memref<128x128xf32, #tpu.memory_space<vmem>>, vector<1x16xf32>,
      %get3A_473 = vector.shape_cast %get3A_472 : vector<1x16xf32> to vector<16xf32>
      %add3A_474 = arith.constant 0 : i32
      %add3A_475 = arith.addi %add3A_474, %add3A_448 : i32
      %swap3A_476 = arith.index_cast %add3A_475 : i32 to index
      %swap3A_477 = arith.constant 16 : index
      %swap3A_478 = tpu.vector_load %arg8[%swap3A_476, %swap3A_477] {strides = array<i32>} : memref<512x32xf32, #tpu.memory_space<vmem>>, vector<1x16xf32>,
      %swap3A_479 = vector.shape_cast %swap3A_478 : vector<1x16xf32> to vector<16xf32>
      %swap3A_480 = vector.shape_cast %get3A_473 : vector<16xf32> to vector<1x16xf32>
      tpu.vector_store %arg8[%swap3A_476, %swap3A_477], %swap3A_480 {strides = array<i32>} : memref<512x32xf32, #tpu.memory_space<vmem>>, vector<1x16xf32>,
      %add3A_481 = arith.constant 11 : i32
      %add3A_482 = arith.addi %mul3A_106, %add3A_481 : i32
      %slice3A_483 = vector.extract_strided_slice %get3A_110 {offsets = [11], sizes = [1], strides = [1]} : vector<16xi32> to vector<1xi32>
      %squeeze3A_484 = vector.extract %slice3A_483[0] : i32 from vector<1xi32>
      %and3A_485 = arith.constant 3 : i32
      %and3A_486 = arith.andi %squeeze3A_484, %and3A_485 : i32
      %mul3A_487 = arith.constant 32 : i32
      %mul3A_488 = arith.muli %and3A_486, %mul3A_487 : i32
      %add3A_489 = arith.constant 0 : i32
      %add3A_490 = arith.addi %mul3A_488, %add3A_489 : i32
      %get3A_491 = arith.index_cast %add3A_482 : i32 to index
      %get3A_492 = arith.index_cast %add3A_490 : i32 to index
      %get3A_493 = tpu.vector_load %arg7[%get3A_491, %get3A_492] {strides = array<i32>} : memref<128x128xf32, #tpu.memory_space<vmem>>, vector<1x16xf32>,
      %get3A_494 = vector.shape_cast %get3A_493 : vector<1x16xf32> to vector<16xf32>
      %add3A_495 = arith.constant 0 : i32
      %add3A_496 = arith.addi %add3A_495, %add3A_482 : i32
      %swap3A_497 = arith.index_cast %add3A_496 : i32 to index
      %swap3A_498 = arith.constant 0 : index
      %swap3A_499 = tpu.vector_load %arg8[%swap3A_497, %swap3A_498] {strides = array<i32>} : memref<512x32xf32, #tpu.memory_space<vmem>>, vector<1x16xf32>,
      %swap3A_500 = vector.shape_cast %swap3A_499 : vector<1x16xf32> to vector<16xf32>
      %swap3A_501 = vector.shape_cast %get3A_494 : vector<16xf32> to vector<1x16xf32>
      tpu.vector_store %arg8[%swap3A_497, %swap3A_498], %swap3A_501 {strides = array<i32>} : memref<512x32xf32, #tpu.memory_space<vmem>>, vector<1x16xf32>,
      %add3A_502 = arith.constant 16 : i32
      %add3A_503 = arith.addi %mul3A_488, %add3A_502 : i32
      %get3A_504 = arith.index_cast %add3A_482 : i32 to index
      %get3A_505 = arith.index_cast %add3A_503 : i32 to index
      %get3A_506 = tpu.vector_load %arg7[%get3A_504, %get3A_505] {strides = array<i32>} : memref<128x128xf32, #tpu.memory_space<vmem>>, vector<1x16xf32>,
      %get3A_507 = vector.shape_cast %get3A_506 : vector<1x16xf32> to vector<16xf32>
      %add3A_508 = arith.constant 0 : i32
      %add3A_509 = arith.addi %add3A_508, %add3A_482 : i32
      %swap3A_510 = arith.index_cast %add3A_509 : i32 to index
      %swap3A_511 = arith.constant 16 : index
      %swap3A_512 = tpu.vector_load %arg8[%swap3A_510, %swap3A_511] {strides = array<i32>} : memref<512x32xf32, #tpu.memory_space<vmem>>, vector<1x16xf32>,
      %swap3A_513 = vector.shape_cast %swap3A_512 : vector<1x16xf32> to vector<16xf32>
      %swap3A_514 = vector.shape_cast %get3A_507 : vector<16xf32> to vector<1x16xf32>
      tpu.vector_store %arg8[%swap3A_510, %swap3A_511], %swap3A_514 {strides = array<i32>} : memref<512x32xf32, #tpu.memory_space<vmem>>, vector<1x16xf32>,
      %add3A_515 = arith.constant 12 : i32
      %add3A_516 = arith.addi %mul3A_106, %add3A_515 : i32
      %slice3A_517 = vector.extract_strided_slice %get3A_110 {offsets = [12], sizes = [1], strides = [1]} : vector<16xi32> to vector<1xi32>
      %squeeze3A_518 = vector.extract %slice3A_517[0] : i32 from vector<1xi32>
      %and3A_519 = arith.constant 3 : i32
      %and3A_520 = arith.andi %squeeze3A_518, %and3A_519 : i32
      %mul3A_521 = arith.constant 32 : i32
      %mul3A_522 = arith.muli %and3A_520, %mul3A_521 : i32
      %add3A_523 = arith.constant 0 : i32
      %add3A_524 = arith.addi %mul3A_522, %add3A_523 : i32
      %get3A_525 = arith.index_cast %add3A_516 : i32 to index
      %get3A_526 = arith.index_cast %add3A_524 : i32 to index
      %get3A_527 = tpu.vector_load %arg7[%get3A_525, %get3A_526] {strides = array<i32>} : memref<128x128xf32, #tpu.memory_space<vmem>>, vector<1x16xf32>,
      %get3A_528 = vector.shape_cast %get3A_527 : vector<1x16xf32> to vector<16xf32>
      %add3A_529 = arith.constant 0 : i32
      %add3A_530 = arith.addi %add3A_529, %add3A_516 : i32
      %swap3A_531 = arith.index_cast %add3A_530 : i32 to index
      %swap3A_532 = arith.constant 0 : index
      %swap3A_533 = tpu.vector_load %arg8[%swap3A_531, %swap3A_532] {strides = array<i32>} : memref<512x32xf32, #tpu.memory_space<vmem>>, vector<1x16xf32>,
      %swap3A_534 = vector.shape_cast %swap3A_533 : vector<1x16xf32> to vector<16xf32>
      %swap3A_535 = vector.shape_cast %get3A_528 : vector<16xf32> to vector<1x16xf32>
      tpu.vector_store %arg8[%swap3A_531, %swap3A_532], %swap3A_535 {strides = array<i32>} : memref<512x32xf32, #tpu.memory_space<vmem>>, vector<1x16xf32>,
      %add3A_536 = arith.constant 16 : i32
      %add3A_537 = arith.addi %mul3A_522, %add3A_536 : i32
      %get3A_538 = arith.index_cast %add3A_516 : i32 to index
      %get3A_539 = arith.index_cast %add3A_537 : i32 to index
      %get3A_540 = tpu.vector_load %arg7[%get3A_538, %get3A_539] {strides = array<i32>} : memref<128x128xf32, #tpu.memory_space<vmem>>, vector<1x16xf32>,
      %get3A_541 = vector.shape_cast %get3A_540 : vector<1x16xf32> to vector<16xf32>
      %add3A_542 = arith.constant 0 : i32
      %add3A_543 = arith.addi %add3A_542, %add3A_516 : i32
      %swap3A_544 = arith.index_cast %add3A_543 : i32 to index
      %swap3A_545 = arith.constant 16 : index
      %swap3A_546 = tpu.vector_load %arg8[%swap3A_544, %swap3A_545] {strides = array<i32>} : memref<512x32xf32, #tpu.memory_space<vmem>>, vector<1x16xf32>,
      %swap3A_547 = vector.shape_cast %swap3A_546 : vector<1x16xf32> to vector<16xf32>
      %swap3A_548 = vector.shape_cast %get3A_541 : vector<16xf32> to vector<1x16xf32>
      tpu.vector_store %arg8[%swap3A_544, %swap3A_545], %swap3A_548 {strides = array<i32>} : memref<512x32xf32, #tpu.memory_space<vmem>>, vector<1x16xf32>,
      %add3A_549 = arith.constant 13 : i32
      %add3A_550 = arith.addi %mul3A_106, %add3A_549 : i32
      %slice3A_551 = vector.extract_strided_slice %get3A_110 {offsets = [13], sizes = [1], strides = [1]} : vector<16xi32> to vector<1xi32>
      %squeeze3A_552 = vector.extract %slice3A_551[0] : i32 from vector<1xi32>
      %and3A_553 = arith.constant 3 : i32
      %and3A_554 = arith.andi %squeeze3A_552, %and3A_553 : i32
      %mul3A_555 = arith.constant 32 : i32
      %mul3A_556 = arith.muli %and3A_554, %mul3A_555 : i32
      %add3A_557 = arith.constant 0 : i32
      %add3A_558 = arith.addi %mul3A_556, %add3A_557 : i32
      %get3A_559 = arith.index_cast %add3A_550 : i32 to index
      %get3A_560 = arith.index_cast %add3A_558 : i32 to index
      %get3A_561 = tpu.vector_load %arg7[%get3A_559, %get3A_560] {strides = array<i32>} : memref<128x128xf32, #tpu.memory_space<vmem>>, vector<1x16xf32>,
      %get3A_562 = vector.shape_cast %get3A_561 : vector<1x16xf32> to vector<16xf32>
      %add3A_563 = arith.constant 0 : i32
      %add3A_564 = arith.addi %add3A_563, %add3A_550 : i32
      %swap3A_565 = arith.index_cast %add3A_564 : i32 to index
      %swap3A_566 = arith.constant 0 : index
      %swap3A_567 = tpu.vector_load %arg8[%swap3A_565, %swap3A_566] {strides = array<i32>} : memref<512x32xf32, #tpu.memory_space<vmem>>, vector<1x16xf32>,
      %swap3A_568 = vector.shape_cast %swap3A_567 : vector<1x16xf32> to vector<16xf32>
      %swap3A_569 = vector.shape_cast %get3A_562 : vector<16xf32> to vector<1x16xf32>
      tpu.vector_store %arg8[%swap3A_565, %swap3A_566], %swap3A_569 {strides = array<i32>} : memref<512x32xf32, #tpu.memory_space<vmem>>, vector<1x16xf32>,
      %add3A_570 = arith.constant 16 : i32
      %add3A_571 = arith.addi %mul3A_556, %add3A_570 : i32
      %get3A_572 = arith.index_cast %add3A_550 : i32 to index
      %get3A_573 = arith.index_cast %add3A_571 : i32 to index
      %get3A_574 = tpu.vector_load %arg7[%get3A_572, %get3A_573] {strides = array<i32>} : memref<128x128xf32, #tpu.memory_space<vmem>>, vector<1x16xf32>,
      %get3A_575 = vector.shape_cast %get3A_574 : vector<1x16xf32> to vector<16xf32>
      %add3A_576 = arith.constant 0 : i32
      %add3A_577 = arith.addi %add3A_576, %add3A_550 : i32
      %swap3A_578 = arith.index_cast %add3A_577 : i32 to index
      %swap3A_579 = arith.constant 16 : index
      %swap3A_580 = tpu.vector_load %arg8[%swap3A_578, %swap3A_579] {strides = array<i32>} : memref<512x32xf32, #tpu.memory_space<vmem>>, vector<1x16xf32>,
      %swap3A_581 = vector.shape_cast %swap3A_580 : vector<1x16xf32> to vector<16xf32>
      %swap3A_582 = vector.shape_cast %get3A_575 : vector<16xf32> to vector<1x16xf32>
      tpu.vector_store %arg8[%swap3A_578, %swap3A_579], %swap3A_582 {strides = array<i32>} : memref<512x32xf32, #tpu.memory_space<vmem>>, vector<1x16xf32>,
      %add3A_583 = arith.constant 14 : i32
      %add3A_584 = arith.addi %mul3A_106, %add3A_583 : i32
      %slice3A_585 = vector.extract_strided_slice %get3A_110 {offsets = [14], sizes = [1], strides = [1]} : vector<16xi32> to vector<1xi32>
      %squeeze3A_586 = vector.extract %slice3A_585[0] : i32 from vector<1xi32>
      %and3A_587 = arith.constant 3 : i32
      %and3A_588 = arith.andi %squeeze3A_586, %and3A_587 : i32
      %mul3A_589 = arith.constant 32 : i32
      %mul3A_590 = arith.muli %and3A_588, %mul3A_589 : i32
      %add3A_591 = arith.constant 0 : i32
      %add3A_592 = arith.addi %mul3A_590, %add3A_591 : i32
      %get3A_593 = arith.index_cast %add3A_584 : i32 to index
      %get3A_594 = arith.index_cast %add3A_592 : i32 to index
      %get3A_595 = tpu.vector_load %arg7[%get3A_593, %get3A_594] {strides = array<i32>} : memref<128x128xf32, #tpu.memory_space<vmem>>, vector<1x16xf32>,
      %get3A_596 = vector.shape_cast %get3A_595 : vector<1x16xf32> to vector<16xf32>
      %add3A_597 = arith.constant 0 : i32
      %add3A_598 = arith.addi %add3A_597, %add3A_584 : i32
      %swap3A_599 = arith.index_cast %add3A_598 : i32 to index
      %swap3A_600 = arith.constant 0 : index
      %swap3A_601 = tpu.vector_load %arg8[%swap3A_599, %swap3A_600] {strides = array<i32>} : memref<512x32xf32, #tpu.memory_space<vmem>>, vector<1x16xf32>,
      %swap3A_602 = vector.shape_cast %swap3A_601 : vector<1x16xf32> to vector<16xf32>
      %swap3A_603 = vector.shape_cast %get3A_596 : vector<16xf32> to vector<1x16xf32>
      tpu.vector_store %arg8[%swap3A_599, %swap3A_600], %swap3A_603 {strides = array<i32>} : memref<512x32xf32, #tpu.memory_space<vmem>>, vector<1x16xf32>,
      %add3A_604 = arith.constant 16 : i32
      %add3A_605 = arith.addi %mul3A_590, %add3A_604 : i32
      %get3A_606 = arith.index_cast %add3A_584 : i32 to index
      %get3A_607 = arith.index_cast %add3A_605 : i32 to index
      %get3A_608 = tpu.vector_load %arg7[%get3A_606, %get3A_607] {strides = array<i32>} : memref<128x128xf32, #tpu.memory_space<vmem>>, vector<1x16xf32>,
      %get3A_609 = vector.shape_cast %get3A_608 : vector<1x16xf32> to vector<16xf32>
      %add3A_610 = arith.constant 0 : i32
      %add3A_611 = arith.addi %add3A_610, %add3A_584 : i32
      %swap3A_612 = arith.index_cast %add3A_611 : i32 to index
      %swap3A_613 = arith.constant 16 : index
      %swap3A_614 = tpu.vector_load %arg8[%swap3A_612, %swap3A_613] {strides = array<i32>} : memref<512x32xf32, #tpu.memory_space<vmem>>, vector<1x16xf32>,
      %swap3A_615 = vector.shape_cast %swap3A_614 : vector<1x16xf32> to vector<16xf32>
      %swap3A_616 = vector.shape_cast %get3A_609 : vector<16xf32> to vector<1x16xf32>
      tpu.vector_store %arg8[%swap3A_612, %swap3A_613], %swap3A_616 {strides = array<i32>} : memref<512x32xf32, #tpu.memory_space<vmem>>, vector<1x16xf32>,
      %add3A_617 = arith.constant 15 : i32
      %add3A_618 = arith.addi %mul3A_106, %add3A_617 : i32
      %slice3A_619 = vector.extract_strided_slice %get3A_110 {offsets = [15], sizes = [1], strides = [1]} : vector<16xi32> to vector<1xi32>
      %squeeze3A_620 = vector.extract %slice3A_619[0] : i32 from vector<1xi32>
      %and3A_621 = arith.constant 3 : i32
      %and3A_622 = arith.andi %squeeze3A_620, %and3A_621 : i32
      %mul3A_623 = arith.constant 32 : i32
      %mul3A_624 = arith.muli %and3A_622, %mul3A_623 : i32
      %add3A_625 = arith.constant 0 : i32
      %add3A_626 = arith.addi %mul3A_624, %add3A_625 : i32
      %get3A_627 = arith.index_cast %add3A_618 : i32 to index
      %get3A_628 = arith.index_cast %add3A_626 : i32 to index
      %get3A_629 = tpu.vector_load %arg7[%get3A_627, %get3A_628] {strides = array<i32>} : memref<128x128xf32, #tpu.memory_space<vmem>>, vector<1x16xf32>,
      %get3A_630 = vector.shape_cast %get3A_629 : vector<1x16xf32> to vector<16xf32>
      %add3A_631 = arith.constant 0 : i32
      %add3A_632 = arith.addi %add3A_631, %add3A_618 : i32
      %swap3A_633 = arith.index_cast %add3A_632 : i32 to index
      %swap3A_634 = arith.constant 0 : index
      %swap3A_635 = tpu.vector_load %arg8[%swap3A_633, %swap3A_634] {strides = array<i32>} : memref<512x32xf32, #tpu.memory_space<vmem>>, vector<1x16xf32>,
      %swap3A_636 = vector.shape_cast %swap3A_635 : vector<1x16xf32> to vector<16xf32>
      %swap3A_637 = vector.shape_cast %get3A_630 : vector<16xf32> to vector<1x16xf32>
      tpu.vector_store %arg8[%swap3A_633, %swap3A_634], %swap3A_637 {strides = array<i32>} : memref<512x32xf32, #tpu.memory_space<vmem>>, vector<1x16xf32>,
      %add3A_638 = arith.constant 16 : i32
      %add3A_639 = arith.addi %mul3A_624, %add3A_638 : i32
      %get3A_640 = arith.index_cast %add3A_618 : i32 to index
      %get3A_641 = arith.index_cast %add3A_639 : i32 to index
      %get3A_642 = tpu.vector_load %arg7[%get3A_640, %get3A_641] {strides = array<i32>} : memref<128x128xf32, #tpu.memory_space<vmem>>, vector<1x16xf32>,
      %get3A_643 = vector.shape_cast %get3A_642 : vector<1x16xf32> to vector<16xf32>
      %add3A_644 = arith.constant 0 : i32
      %add3A_645 = arith.addi %add3A_644, %add3A_618 : i32
      %swap3A_646 = arith.index_cast %add3A_645 : i32 to index
      %swap3A_647 = arith.constant 16 : index
      %swap3A_648 = tpu.vector_load %arg8[%swap3A_646, %swap3A_647] {strides = array<i32>} : memref<512x32xf32, #tpu.memory_space<vmem>>, vector<1x16xf32>,
      %swap3A_649 = vector.shape_cast %swap3A_648 : vector<1x16xf32> to vector<16xf32>
      %swap3A_650 = vector.shape_cast %get3A_643 : vector<16xf32> to vector<1x16xf32>
      tpu.vector_store %arg8[%swap3A_646, %swap3A_647], %swap3A_650 {strides = array<i32>} : memref<512x32xf32, #tpu.memory_space<vmem>>, vector<1x16xf32>,
    }
    %scan3A_43 = arith.constant 8 : i32
    %dma_start3A_44 = arith.constant 1 : i32
    %dma_start3A_45 = arith.constant 0 : i32
    %dma_start3A_46 = tpu.memref_slice %arg6[%dma_start3A_44, %dma_start3A_45] : memref<4x128xi32, #tpu.memory_space<vmem>> -> memref<1x128xi32, #tpu.memory_space<vmem>>
    %dma_start3A_47 = tpu.memref_squeeze %dma_start3A_46 : memref<1x128xi32, #tpu.memory_space<vmem>> -> memref<128xi32, #tpu.memory_space<vmem>>
    %dma_start3A_48 = arith.constant 0 : i32
    %dma_start3A_49 = arith.constant 0 : i32
    %dma_start3A_50 = tpu.memref_slice %arg3[%dma_start3A_48, %dma_start3A_49] : memref<250000x128xf32, #tpu.memory_space<hbm>> -> memref<250000x128xf32, #tpu.memory_space<hbm>>
    tpu.enqueue_indirect_dma source(%dma_start3A_50 : memref<250000x128xf32, #tpu.memory_space<hbm>>) target(%arg7 : memref<128x128xf32, #tpu.memory_space<vmem>>) offsets(%dma_start3A_47 : memref<128xi32, #tpu.memory_space<vmem>>) semaphore(%arg9 : memref<!tpu.dma_semaphore, #tpu.memory_space<semaphore_mem>>)
    %dma_wait3A_51 = arith.constant 1 : i32
    %dma_wait3A_52 = arith.constant 0 : i32
    %dma_wait3A_53 = tpu.memref_slice %arg6[%dma_wait3A_51, %dma_wait3A_52] : memref<4x128xi32, #tpu.memory_space<vmem>> -> memref<1x128xi32, #tpu.memory_space<vmem>>
    %dma_wait3A_54 = tpu.memref_squeeze %dma_wait3A_53 : memref<1x128xi32, #tpu.memory_space<vmem>> -> memref<128xi32, #tpu.memory_space<vmem>>
    %dma_wait3A_55 = arith.constant 0 : i32
    %dma_wait3A_56 = arith.constant 0 : i32
    %dma_wait3A_57 = tpu.memref_slice %arg3[%dma_wait3A_55, %dma_wait3A_56] : memref<250000x128xf32, #tpu.memory_space<hbm>> -> memref<250000x128xf32, #tpu.memory_space<hbm>>
    tpu.wait_indirect_dma semaphore(%arg9 : memref<!tpu.dma_semaphore, #tpu.memory_space<semaphore_mem>>) src(%dma_wait3A_57 : memref<250000x128xf32, #tpu.memory_space<hbm>>) dst(%arg7 : memref<128x128xf32, #tpu.memory_space<vmem>>)
    %scan3A_58 = arith.constant 0 : i32
    %scan3A_59 = arith.constant 0 : i32
    %scan3A_60 = arith.constant 8 : i32
    %scan3A_61 = arith.addi %scan3A_59, %scan3A_60 : i32
    %scan3A_62 = arith.constant 1 : i32
    scf.for %scan3A_104 = %scan3A_59 to %scan3A_61 step %scan3A_62  : i32 {
      %mul3A_105 = arith.constant 16 : i32
      %mul3A_106 = arith.muli %scan3A_104, %mul3A_105 : i32
      %add3A_107 = arith.constant 128 : i32
      %add3A_108 = arith.addi %add3A_107, %mul3A_106 : i32
      %get3A = arith.index_cast %add3A_108 : i32 to index
      %get3A_109 = tpu.vector_load %arg5[%get3A] {strides = array<i32>} : memref<512xi32, #tpu.memory_space<vmem>>, vector<16xi32>,
      %get3A_110 = vector.shape_cast %get3A_109 : vector<16xi32> to vector<16xi32>
      %add3A_111 = arith.constant 0 : i32
      %add3A_112 = arith.addi %mul3A_106, %add3A_111 : i32
      %slice3A = vector.extract_strided_slice %get3A_110 {offsets = [0], sizes = [1], strides = [1]} : vector<16xi32> to vector<1xi32>
      %squeeze3A = vector.extract %slice3A[0] : i32 from vector<1xi32>
      %and3A = arith.constant 3 : i32
      %and3A_113 = arith.andi %squeeze3A, %and3A : i32
      %mul3A_114 = arith.constant 32 : i32
      %mul3A_115 = arith.muli %and3A_113, %mul3A_114 : i32
      %add3A_116 = arith.constant 0 : i32
      %add3A_117 = arith.addi %mul3A_115, %add3A_116 : i32
      %get3A_118 = arith.index_cast %add3A_112 : i32 to index
      %get3A_119 = arith.index_cast %add3A_117 : i32 to index
      %get3A_120 = tpu.vector_load %arg7[%get3A_118, %get3A_119] {strides = array<i32>} : memref<128x128xf32, #tpu.memory_space<vmem>>, vector<1x16xf32>,
      %get3A_121 = vector.shape_cast %get3A_120 : vector<1x16xf32> to vector<16xf32>
      %add3A_122 = arith.constant 128 : i32
      %add3A_123 = arith.addi %add3A_122, %add3A_112 : i32
      %swap3A = arith.index_cast %add3A_123 : i32 to index
      %swap3A_124 = arith.constant 0 : index
      %swap3A_125 = tpu.vector_load %arg8[%swap3A, %swap3A_124] {strides = array<i32>} : memref<512x32xf32, #tpu.memory_space<vmem>>, vector<1x16xf32>,
      %swap3A_126 = vector.shape_cast %swap3A_125 : vector<1x16xf32> to vector<16xf32>
      %swap3A_127 = vector.shape_cast %get3A_121 : vector<16xf32> to vector<1x16xf32>
      tpu.vector_store %arg8[%swap3A, %swap3A_124], %swap3A_127 {strides = array<i32>} : memref<512x32xf32, #tpu.memory_space<vmem>>, vector<1x16xf32>,
      %add3A_128 = arith.constant 16 : i32
      %add3A_129 = arith.addi %mul3A_115, %add3A_128 : i32
      %get3A_130 = arith.index_cast %add3A_112 : i32 to index
      %get3A_131 = arith.index_cast %add3A_129 : i32 to index
      %get3A_132 = tpu.vector_load %arg7[%get3A_130, %get3A_131] {strides = array<i32>} : memref<128x128xf32, #tpu.memory_space<vmem>>, vector<1x16xf32>,
      %get3A_133 = vector.shape_cast %get3A_132 : vector<1x16xf32> to vector<16xf32>
      %add3A_134 = arith.constant 128 : i32
      %add3A_135 = arith.addi %add3A_134, %add3A_112 : i32
      %swap3A_136 = arith.index_cast %add3A_135 : i32 to index
      %swap3A_137 = arith.constant 16 : index
      %swap3A_138 = tpu.vector_load %arg8[%swap3A_136, %swap3A_137] {strides = array<i32>} : memref<512x32xf32, #tpu.memory_space<vmem>>, vector<1x16xf32>,
      %swap3A_139 = vector.shape_cast %swap3A_138 : vector<1x16xf32> to vector<16xf32>
      %swap3A_140 = vector.shape_cast %get3A_133 : vector<16xf32> to vector<1x16xf32>
      tpu.vector_store %arg8[%swap3A_136, %swap3A_137], %swap3A_140 {strides = array<i32>} : memref<512x32xf32, #tpu.memory_space<vmem>>, vector<1x16xf32>,
      %add3A_141 = arith.constant 1 : i32
      %add3A_142 = arith.addi %mul3A_106, %add3A_141 : i32
      %slice3A_143 = vector.extract_strided_slice %get3A_110 {offsets = [1], sizes = [1], strides = [1]} : vector<16xi32> to vector<1xi32>
      %squeeze3A_144 = vector.extract %slice3A_143[0] : i32 from vector<1xi32>
      %and3A_145 = arith.constant 3 : i32
      %and3A_146 = arith.andi %squeeze3A_144, %and3A_145 : i32
      %mul3A_147 = arith.constant 32 : i32
      %mul3A_148 = arith.muli %and3A_146, %mul3A_147 : i32
      %add3A_149 = arith.constant 0 : i32
      %add3A_150 = arith.addi %mul3A_148, %add3A_149 : i32
      %get3A_151 = arith.index_cast %add3A_142 : i32 to index
      %get3A_152 = arith.index_cast %add3A_150 : i32 to index
      %get3A_153 = tpu.vector_load %arg7[%get3A_151, %get3A_152] {strides = array<i32>} : memref<128x128xf32, #tpu.memory_space<vmem>>, vector<1x16xf32>,
      %get3A_154 = vector.shape_cast %get3A_153 : vector<1x16xf32> to vector<16xf32>
      %add3A_155 = arith.constant 128 : i32
      %add3A_156 = arith.addi %add3A_155, %add3A_142 : i32
      %swap3A_157 = arith.index_cast %add3A_156 : i32 to index
      %swap3A_158 = arith.constant 0 : index
      %swap3A_159 = tpu.vector_load %arg8[%swap3A_157, %swap3A_158] {strides = array<i32>} : memref<512x32xf32, #tpu.memory_space<vmem>>, vector<1x16xf32>,
      %swap3A_160 = vector.shape_cast %swap3A_159 : vector<1x16xf32> to vector<16xf32>
      %swap3A_161 = vector.shape_cast %get3A_154 : vector<16xf32> to vector<1x16xf32>
      tpu.vector_store %arg8[%swap3A_157, %swap3A_158], %swap3A_161 {strides = array<i32>} : memref<512x32xf32, #tpu.memory_space<vmem>>, vector<1x16xf32>,
      %add3A_162 = arith.constant 16 : i32
      %add3A_163 = arith.addi %mul3A_148, %add3A_162 : i32
      %get3A_164 = arith.index_cast %add3A_142 : i32 to index
      %get3A_165 = arith.index_cast %add3A_163 : i32 to index
      %get3A_166 = tpu.vector_load %arg7[%get3A_164, %get3A_165] {strides = array<i32>} : memref<128x128xf32, #tpu.memory_space<vmem>>, vector<1x16xf32>,
      %get3A_167 = vector.shape_cast %get3A_166 : vector<1x16xf32> to vector<16xf32>
      %add3A_168 = arith.constant 128 : i32
      %add3A_169 = arith.addi %add3A_168, %add3A_142 : i32
      %swap3A_170 = arith.index_cast %add3A_169 : i32 to index
      %swap3A_171 = arith.constant 16 : index
      %swap3A_172 = tpu.vector_load %arg8[%swap3A_170, %swap3A_171] {strides = array<i32>} : memref<512x32xf32, #tpu.memory_space<vmem>>, vector<1x16xf32>,
      %swap3A_173 = vector.shape_cast %swap3A_172 : vector<1x16xf32> to vector<16xf32>
      %swap3A_174 = vector.shape_cast %get3A_167 : vector<16xf32> to vector<1x16xf32>
      tpu.vector_store %arg8[%swap3A_170, %swap3A_171], %swap3A_174 {strides = array<i32>} : memref<512x32xf32, #tpu.memory_space<vmem>>, vector<1x16xf32>,
      %add3A_175 = arith.constant 2 : i32
      %add3A_176 = arith.addi %mul3A_106, %add3A_175 : i32
      %slice3A_177 = vector.extract_strided_slice %get3A_110 {offsets = [2], sizes = [1], strides = [1]} : vector<16xi32> to vector<1xi32>
      %squeeze3A_178 = vector.extract %slice3A_177[0] : i32 from vector<1xi32>
      %and3A_179 = arith.constant 3 : i32
      %and3A_180 = arith.andi %squeeze3A_178, %and3A_179 : i32
      %mul3A_181 = arith.constant 32 : i32
      %mul3A_182 = arith.muli %and3A_180, %mul3A_181 : i32
      %add3A_183 = arith.constant 0 : i32
      %add3A_184 = arith.addi %mul3A_182, %add3A_183 : i32
      %get3A_185 = arith.index_cast %add3A_176 : i32 to index
      %get3A_186 = arith.index_cast %add3A_184 : i32 to index
      %get3A_187 = tpu.vector_load %arg7[%get3A_185, %get3A_186] {strides = array<i32>} : memref<128x128xf32, #tpu.memory_space<vmem>>, vector<1x16xf32>,
      %get3A_188 = vector.shape_cast %get3A_187 : vector<1x16xf32> to vector<16xf32>
      %add3A_189 = arith.constant 128 : i32
      %add3A_190 = arith.addi %add3A_189, %add3A_176 : i32
      %swap3A_191 = arith.index_cast %add3A_190 : i32 to index
      %swap3A_192 = arith.constant 0 : index
      %swap3A_193 = tpu.vector_load %arg8[%swap3A_191, %swap3A_192] {strides = array<i32>} : memref<512x32xf32, #tpu.memory_space<vmem>>, vector<1x16xf32>,
      %swap3A_194 = vector.shape_cast %swap3A_193 : vector<1x16xf32> to vector<16xf32>
      %swap3A_195 = vector.shape_cast %get3A_188 : vector<16xf32> to vector<1x16xf32>
      tpu.vector_store %arg8[%swap3A_191, %swap3A_192], %swap3A_195 {strides = array<i32>} : memref<512x32xf32, #tpu.memory_space<vmem>>, vector<1x16xf32>,
      %add3A_196 = arith.constant 16 : i32
      %add3A_197 = arith.addi %mul3A_182, %add3A_196 : i32
      %get3A_198 = arith.index_cast %add3A_176 : i32 to index
      %get3A_199 = arith.index_cast %add3A_197 : i32 to index
      %get3A_200 = tpu.vector_load %arg7[%get3A_198, %get3A_199] {strides = array<i32>} : memref<128x128xf32, #tpu.memory_space<vmem>>, vector<1x16xf32>,
      %get3A_201 = vector.shape_cast %get3A_200 : vector<1x16xf32> to vector<16xf32>
      %add3A_202 = arith.constant 128 : i32
      %add3A_203 = arith.addi %add3A_202, %add3A_176 : i32
      %swap3A_204 = arith.index_cast %add3A_203 : i32 to index
      %swap3A_205 = arith.constant 16 : index
      %swap3A_206 = tpu.vector_load %arg8[%swap3A_204, %swap3A_205] {strides = array<i32>} : memref<512x32xf32, #tpu.memory_space<vmem>>, vector<1x16xf32>,
      %swap3A_207 = vector.shape_cast %swap3A_206 : vector<1x16xf32> to vector<16xf32>
      %swap3A_208 = vector.shape_cast %get3A_201 : vector<16xf32> to vector<1x16xf32>
      tpu.vector_store %arg8[%swap3A_204, %swap3A_205], %swap3A_208 {strides = array<i32>} : memref<512x32xf32, #tpu.memory_space<vmem>>, vector<1x16xf32>,
      %add3A_209 = arith.constant 3 : i32
      %add3A_210 = arith.addi %mul3A_106, %add3A_209 : i32
      %slice3A_211 = vector.extract_strided_slice %get3A_110 {offsets = [3], sizes = [1], strides = [1]} : vector<16xi32> to vector<1xi32>
      %squeeze3A_212 = vector.extract %slice3A_211[0] : i32 from vector<1xi32>
      %and3A_213 = arith.constant 3 : i32
      %and3A_214 = arith.andi %squeeze3A_212, %and3A_213 : i32
      %mul3A_215 = arith.constant 32 : i32
      %mul3A_216 = arith.muli %and3A_214, %mul3A_215 : i32
      %add3A_217 = arith.constant 0 : i32
      %add3A_218 = arith.addi %mul3A_216, %add3A_217 : i32
      %get3A_219 = arith.index_cast %add3A_210 : i32 to index
      %get3A_220 = arith.index_cast %add3A_218 : i32 to index
      %get3A_221 = tpu.vector_load %arg7[%get3A_219, %get3A_220] {strides = array<i32>} : memref<128x128xf32, #tpu.memory_space<vmem>>, vector<1x16xf32>,
      %get3A_222 = vector.shape_cast %get3A_221 : vector<1x16xf32> to vector<16xf32>
      %add3A_223 = arith.constant 128 : i32
      %add3A_224 = arith.addi %add3A_223, %add3A_210 : i32
      %swap3A_225 = arith.index_cast %add3A_224 : i32 to index
      %swap3A_226 = arith.constant 0 : index
      %swap3A_227 = tpu.vector_load %arg8[%swap3A_225, %swap3A_226] {strides = array<i32>} : memref<512x32xf32, #tpu.memory_space<vmem>>, vector<1x16xf32>,
      %swap3A_228 = vector.shape_cast %swap3A_227 : vector<1x16xf32> to vector<16xf32>
      %swap3A_229 = vector.shape_cast %get3A_222 : vector<16xf32> to vector<1x16xf32>
      tpu.vector_store %arg8[%swap3A_225, %swap3A_226], %swap3A_229 {strides = array<i32>} : memref<512x32xf32, #tpu.memory_space<vmem>>, vector<1x16xf32>,
      %add3A_230 = arith.constant 16 : i32
      %add3A_231 = arith.addi %mul3A_216, %add3A_230 : i32
      %get3A_232 = arith.index_cast %add3A_210 : i32 to index
      %get3A_233 = arith.index_cast %add3A_231 : i32 to index
      %get3A_234 = tpu.vector_load %arg7[%get3A_232, %get3A_233] {strides = array<i32>} : memref<128x128xf32, #tpu.memory_space<vmem>>, vector<1x16xf32>,
      %get3A_235 = vector.shape_cast %get3A_234 : vector<1x16xf32> to vector<16xf32>
      %add3A_236 = arith.constant 128 : i32
      %add3A_237 = arith.addi %add3A_236, %add3A_210 : i32
      %swap3A_238 = arith.index_cast %add3A_237 : i32 to index
      %swap3A_239 = arith.constant 16 : index
      %swap3A_240 = tpu.vector_load %arg8[%swap3A_238, %swap3A_239] {strides = array<i32>} : memref<512x32xf32, #tpu.memory_space<vmem>>, vector<1x16xf32>,
      %swap3A_241 = vector.shape_cast %swap3A_240 : vector<1x16xf32> to vector<16xf32>
      %swap3A_242 = vector.shape_cast %get3A_235 : vector<16xf32> to vector<1x16xf32>
      tpu.vector_store %arg8[%swap3A_238, %swap3A_239], %swap3A_242 {strides = array<i32>} : memref<512x32xf32, #tpu.memory_space<vmem>>, vector<1x16xf32>,
      %add3A_243 = arith.constant 4 : i32
      %add3A_244 = arith.addi %mul3A_106, %add3A_243 : i32
      %slice3A_245 = vector.extract_strided_slice %get3A_110 {offsets = [4], sizes = [1], strides = [1]} : vector<16xi32> to vector<1xi32>
      %squeeze3A_246 = vector.extract %slice3A_245[0] : i32 from vector<1xi32>
      %and3A_247 = arith.constant 3 : i32
      %and3A_248 = arith.andi %squeeze3A_246, %and3A_247 : i32
      %mul3A_249 = arith.constant 32 : i32
      %mul3A_250 = arith.muli %and3A_248, %mul3A_249 : i32
      %add3A_251 = arith.constant 0 : i32
      %add3A_252 = arith.addi %mul3A_250, %add3A_251 : i32
      %get3A_253 = arith.index_cast %add3A_244 : i32 to index
      %get3A_254 = arith.index_cast %add3A_252 : i32 to index
      %get3A_255 = tpu.vector_load %arg7[%get3A_253, %get3A_254] {strides = array<i32>} : memref<128x128xf32, #tpu.memory_space<vmem>>, vector<1x16xf32>,
      %get3A_256 = vector.shape_cast %get3A_255 : vector<1x16xf32> to vector<16xf32>
      %add3A_257 = arith.constant 128 : i32
      %add3A_258 = arith.addi %add3A_257, %add3A_244 : i32
      %swap3A_259 = arith.index_cast %add3A_258 : i32 to index
      %swap3A_260 = arith.constant 0 : index
      %swap3A_261 = tpu.vector_load %arg8[%swap3A_259, %swap3A_260] {strides = array<i32>} : memref<512x32xf32, #tpu.memory_space<vmem>>, vector<1x16xf32>,
      %swap3A_262 = vector.shape_cast %swap3A_261 : vector<1x16xf32> to vector<16xf32>
      %swap3A_263 = vector.shape_cast %get3A_256 : vector<16xf32> to vector<1x16xf32>
      tpu.vector_store %arg8[%swap3A_259, %swap3A_260], %swap3A_263 {strides = array<i32>} : memref<512x32xf32, #tpu.memory_space<vmem>>, vector<1x16xf32>,
      %add3A_264 = arith.constant 16 : i32
      %add3A_265 = arith.addi %mul3A_250, %add3A_264 : i32
      %get3A_266 = arith.index_cast %add3A_244 : i32 to index
      %get3A_267 = arith.index_cast %add3A_265 : i32 to index
      %get3A_268 = tpu.vector_load %arg7[%get3A_266, %get3A_267] {strides = array<i32>} : memref<128x128xf32, #tpu.memory_space<vmem>>, vector<1x16xf32>,
      %get3A_269 = vector.shape_cast %get3A_268 : vector<1x16xf32> to vector<16xf32>
      %add3A_270 = arith.constant 128 : i32
      %add3A_271 = arith.addi %add3A_270, %add3A_244 : i32
      %swap3A_272 = arith.index_cast %add3A_271 : i32 to index
      %swap3A_273 = arith.constant 16 : index
      %swap3A_274 = tpu.vector_load %arg8[%swap3A_272, %swap3A_273] {strides = array<i32>} : memref<512x32xf32, #tpu.memory_space<vmem>>, vector<1x16xf32>,
      %swap3A_275 = vector.shape_cast %swap3A_274 : vector<1x16xf32> to vector<16xf32>
      %swap3A_276 = vector.shape_cast %get3A_269 : vector<16xf32> to vector<1x16xf32>
      tpu.vector_store %arg8[%swap3A_272, %swap3A_273], %swap3A_276 {strides = array<i32>} : memref<512x32xf32, #tpu.memory_space<vmem>>, vector<1x16xf32>,
      %add3A_277 = arith.constant 5 : i32
      %add3A_278 = arith.addi %mul3A_106, %add3A_277 : i32
      %slice3A_279 = vector.extract_strided_slice %get3A_110 {offsets = [5], sizes = [1], strides = [1]} : vector<16xi32> to vector<1xi32>
      %squeeze3A_280 = vector.extract %slice3A_279[0] : i32 from vector<1xi32>
      %and3A_281 = arith.constant 3 : i32
      %and3A_282 = arith.andi %squeeze3A_280, %and3A_281 : i32
      %mul3A_283 = arith.constant 32 : i32
      %mul3A_284 = arith.muli %and3A_282, %mul3A_283 : i32
      %add3A_285 = arith.constant 0 : i32
      %add3A_286 = arith.addi %mul3A_284, %add3A_285 : i32
      %get3A_287 = arith.index_cast %add3A_278 : i32 to index
      %get3A_288 = arith.index_cast %add3A_286 : i32 to index
      %get3A_289 = tpu.vector_load %arg7[%get3A_287, %get3A_288] {strides = array<i32>} : memref<128x128xf32, #tpu.memory_space<vmem>>, vector<1x16xf32>,
      %get3A_290 = vector.shape_cast %get3A_289 : vector<1x16xf32> to vector<16xf32>
      %add3A_291 = arith.constant 128 : i32
      %add3A_292 = arith.addi %add3A_291, %add3A_278 : i32
      %swap3A_293 = arith.index_cast %add3A_292 : i32 to index
      %swap3A_294 = arith.constant 0 : index
      %swap3A_295 = tpu.vector_load %arg8[%swap3A_293, %swap3A_294] {strides = array<i32>} : memref<512x32xf32, #tpu.memory_space<vmem>>, vector<1x16xf32>,
      %swap3A_296 = vector.shape_cast %swap3A_295 : vector<1x16xf32> to vector<16xf32>
      %swap3A_297 = vector.shape_cast %get3A_290 : vector<16xf32> to vector<1x16xf32>
      tpu.vector_store %arg8[%swap3A_293, %swap3A_294], %swap3A_297 {strides = array<i32>} : memref<512x32xf32, #tpu.memory_space<vmem>>, vector<1x16xf32>,
      %add3A_298 = arith.constant 16 : i32
      %add3A_299 = arith.addi %mul3A_284, %add3A_298 : i32
      %get3A_300 = arith.index_cast %add3A_278 : i32 to index
      %get3A_301 = arith.index_cast %add3A_299 : i32 to index
      %get3A_302 = tpu.vector_load %arg7[%get3A_300, %get3A_301] {strides = array<i32>} : memref<128x128xf32, #tpu.memory_space<vmem>>, vector<1x16xf32>,
      %get3A_303 = vector.shape_cast %get3A_302 : vector<1x16xf32> to vector<16xf32>
      %add3A_304 = arith.constant 128 : i32
      %add3A_305 = arith.addi %add3A_304, %add3A_278 : i32
      %swap3A_306 = arith.index_cast %add3A_305 : i32 to index
      %swap3A_307 = arith.constant 16 : index
      %swap3A_308 = tpu.vector_load %arg8[%swap3A_306, %swap3A_307] {strides = array<i32>} : memref<512x32xf32, #tpu.memory_space<vmem>>, vector<1x16xf32>,
      %swap3A_309 = vector.shape_cast %swap3A_308 : vector<1x16xf32> to vector<16xf32>
      %swap3A_310 = vector.shape_cast %get3A_303 : vector<16xf32> to vector<1x16xf32>
      tpu.vector_store %arg8[%swap3A_306, %swap3A_307], %swap3A_310 {strides = array<i32>} : memref<512x32xf32, #tpu.memory_space<vmem>>, vector<1x16xf32>,
      %add3A_311 = arith.constant 6 : i32
      %add3A_312 = arith.addi %mul3A_106, %add3A_311 : i32
      %slice3A_313 = vector.extract_strided_slice %get3A_110 {offsets = [6], sizes = [1], strides = [1]} : vector<16xi32> to vector<1xi32>
      %squeeze3A_314 = vector.extract %slice3A_313[0] : i32 from vector<1xi32>
      %and3A_315 = arith.constant 3 : i32
      %and3A_316 = arith.andi %squeeze3A_314, %and3A_315 : i32
      %mul3A_317 = arith.constant 32 : i32
      %mul3A_318 = arith.muli %and3A_316, %mul3A_317 : i32
      %add3A_319 = arith.constant 0 : i32
      %add3A_320 = arith.addi %mul3A_318, %add3A_319 : i32
      %get3A_321 = arith.index_cast %add3A_312 : i32 to index
      %get3A_322 = arith.index_cast %add3A_320 : i32 to index
      %get3A_323 = tpu.vector_load %arg7[%get3A_321, %get3A_322] {strides = array<i32>} : memref<128x128xf32, #tpu.memory_space<vmem>>, vector<1x16xf32>,
      %get3A_324 = vector.shape_cast %get3A_323 : vector<1x16xf32> to vector<16xf32>
      %add3A_325 = arith.constant 128 : i32
      %add3A_326 = arith.addi %add3A_325, %add3A_312 : i32
      %swap3A_327 = arith.index_cast %add3A_326 : i32 to index
      %swap3A_328 = arith.constant 0 : index
      %swap3A_329 = tpu.vector_load %arg8[%swap3A_327, %swap3A_328] {strides = array<i32>} : memref<512x32xf32, #tpu.memory_space<vmem>>, vector<1x16xf32>,
      %swap3A_330 = vector.shape_cast %swap3A_329 : vector<1x16xf32> to vector<16xf32>
      %swap3A_331 = vector.shape_cast %get3A_324 : vector<16xf32> to vector<1x16xf32>
      tpu.vector_store %arg8[%swap3A_327, %swap3A_328], %swap3A_331 {strides = array<i32>} : memref<512x32xf32, #tpu.memory_space<vmem>>, vector<1x16xf32>,
      %add3A_332 = arith.constant 16 : i32
      %add3A_333 = arith.addi %mul3A_318, %add3A_332 : i32
      %get3A_334 = arith.index_cast %add3A_312 : i32 to index
      %get3A_335 = arith.index_cast %add3A_333 : i32 to index
      %get3A_336 = tpu.vector_load %arg7[%get3A_334, %get3A_335] {strides = array<i32>} : memref<128x128xf32, #tpu.memory_space<vmem>>, vector<1x16xf32>,
      %get3A_337 = vector.shape_cast %get3A_336 : vector<1x16xf32> to vector<16xf32>
      %add3A_338 = arith.constant 128 : i32
      %add3A_339 = arith.addi %add3A_338, %add3A_312 : i32
      %swap3A_340 = arith.index_cast %add3A_339 : i32 to index
      %swap3A_341 = arith.constant 16 : index
      %swap3A_342 = tpu.vector_load %arg8[%swap3A_340, %swap3A_341] {strides = array<i32>} : memref<512x32xf32, #tpu.memory_space<vmem>>, vector<1x16xf32>,
      %swap3A_343 = vector.shape_cast %swap3A_342 : vector<1x16xf32> to vector<16xf32>
      %swap3A_344 = vector.shape_cast %get3A_337 : vector<16xf32> to vector<1x16xf32>
      tpu.vector_store %arg8[%swap3A_340, %swap3A_341], %swap3A_344 {strides = array<i32>} : memref<512x32xf32, #tpu.memory_space<vmem>>, vector<1x16xf32>,
      %add3A_345 = arith.constant 7 : i32
      %add3A_346 = arith.addi %mul3A_106, %add3A_345 : i32
      %slice3A_347 = vector.extract_strided_slice %get3A_110 {offsets = [7], sizes = [1], strides = [1]} : vector<16xi32> to vector<1xi32>
      %squeeze3A_348 = vector.extract %slice3A_347[0] : i32 from vector<1xi32>
      %and3A_349 = arith.constant 3 : i32
      %and3A_350 = arith.andi %squeeze3A_348, %and3A_349 : i32
      %mul3A_351 = arith.constant 32 : i32
      %mul3A_352 = arith.muli %and3A_350, %mul3A_351 : i32
      %add3A_353 = arith.constant 0 : i32
      %add3A_354 = arith.addi %mul3A_352, %add3A_353 : i32
      %get3A_355 = arith.index_cast %add3A_346 : i32 to index
      %get3A_356 = arith.index_cast %add3A_354 : i32 to index
      %get3A_357 = tpu.vector_load %arg7[%get3A_355, %get3A_356] {strides = array<i32>} : memref<128x128xf32, #tpu.memory_space<vmem>>, vector<1x16xf32>,
      %get3A_358 = vector.shape_cast %get3A_357 : vector<1x16xf32> to vector<16xf32>
      %add3A_359 = arith.constant 128 : i32
      %add3A_360 = arith.addi %add3A_359, %add3A_346 : i32
      %swap3A_361 = arith.index_cast %add3A_360 : i32 to index
      %swap3A_362 = arith.constant 0 : index
      %swap3A_363 = tpu.vector_load %arg8[%swap3A_361, %swap3A_362] {strides = array<i32>} : memref<512x32xf32, #tpu.memory_space<vmem>>, vector<1x16xf32>,
      %swap3A_364 = vector.shape_cast %swap3A_363 : vector<1x16xf32> to vector<16xf32>
      %swap3A_365 = vector.shape_cast %get3A_358 : vector<16xf32> to vector<1x16xf32>
      tpu.vector_store %arg8[%swap3A_361, %swap3A_362], %swap3A_365 {strides = array<i32>} : memref<512x32xf32, #tpu.memory_space<vmem>>, vector<1x16xf32>,
      %add3A_366 = arith.constant 16 : i32
      %add3A_367 = arith.addi %mul3A_352, %add3A_366 : i32
      %get3A_368 = arith.index_cast %add3A_346 : i32 to index
      %get3A_369 = arith.index_cast %add3A_367 : i32 to index
      %get3A_370 = tpu.vector_load %arg7[%get3A_368, %get3A_369] {strides = array<i32>} : memref<128x128xf32, #tpu.memory_space<vmem>>, vector<1x16xf32>,
      %get3A_371 = vector.shape_cast %get3A_370 : vector<1x16xf32> to vector<16xf32>
      %add3A_372 = arith.constant 128 : i32
      %add3A_373 = arith.addi %add3A_372, %add3A_346 : i32
      %swap3A_374 = arith.index_cast %add3A_373 : i32 to index
      %swap3A_375 = arith.constant 16 : index
      %swap3A_376 = tpu.vector_load %arg8[%swap3A_374, %swap3A_375] {strides = array<i32>} : memref<512x32xf32, #tpu.memory_space<vmem>>, vector<1x16xf32>,
      %swap3A_377 = vector.shape_cast %swap3A_376 : vector<1x16xf32> to vector<16xf32>
      %swap3A_378 = vector.shape_cast %get3A_371 : vector<16xf32> to vector<1x16xf32>
      tpu.vector_store %arg8[%swap3A_374, %swap3A_375], %swap3A_378 {strides = array<i32>} : memref<512x32xf32, #tpu.memory_space<vmem>>, vector<1x16xf32>,
      %add3A_379 = arith.constant 8 : i32
      %add3A_380 = arith.addi %mul3A_106, %add3A_379 : i32
      %slice3A_381 = vector.extract_strided_slice %get3A_110 {offsets = [8], sizes = [1], strides = [1]} : vector<16xi32> to vector<1xi32>
      %squeeze3A_382 = vector.extract %slice3A_381[0] : i32 from vector<1xi32>
      %and3A_383 = arith.constant 3 : i32
      %and3A_384 = arith.andi %squeeze3A_382, %and3A_383 : i32
      %mul3A_385 = arith.constant 32 : i32
      %mul3A_386 = arith.muli %and3A_384, %mul3A_385 : i32
      %add3A_387 = arith.constant 0 : i32
      %add3A_388 = arith.addi %mul3A_386, %add3A_387 : i32
      %get3A_389 = arith.index_cast %add3A_380 : i32 to index
      %get3A_390 = arith.index_cast %add3A_388 : i32 to index
      %get3A_391 = tpu.vector_load %arg7[%get3A_389, %get3A_390] {strides = array<i32>} : memref<128x128xf32, #tpu.memory_space<vmem>>, vector<1x16xf32>,
      %get3A_392 = vector.shape_cast %get3A_391 : vector<1x16xf32> to vector<16xf32>
      %add3A_393 = arith.constant 128 : i32
      %add3A_394 = arith.addi %add3A_393, %add3A_380 : i32
      %swap3A_395 = arith.index_cast %add3A_394 : i32 to index
      %swap3A_396 = arith.constant 0 : index
      %swap3A_397 = tpu.vector_load %arg8[%swap3A_395, %swap3A_396] {strides = array<i32>} : memref<512x32xf32, #tpu.memory_space<vmem>>, vector<1x16xf32>,
      %swap3A_398 = vector.shape_cast %swap3A_397 : vector<1x16xf32> to vector<16xf32>
      %swap3A_399 = vector.shape_cast %get3A_392 : vector<16xf32> to vector<1x16xf32>
      tpu.vector_store %arg8[%swap3A_395, %swap3A_396], %swap3A_399 {strides = array<i32>} : memref<512x32xf32, #tpu.memory_space<vmem>>, vector<1x16xf32>,
      %add3A_400 = arith.constant 16 : i32
      %add3A_401 = arith.addi %mul3A_386, %add3A_400 : i32
      %get3A_402 = arith.index_cast %add3A_380 : i32 to index
      %get3A_403 = arith.index_cast %add3A_401 : i32 to index
      %get3A_404 = tpu.vector_load %arg7[%get3A_402, %get3A_403] {strides = array<i32>} : memref<128x128xf32, #tpu.memory_space<vmem>>, vector<1x16xf32>,
      %get3A_405 = vector.shape_cast %get3A_404 : vector<1x16xf32> to vector<16xf32>
      %add3A_406 = arith.constant 128 : i32
      %add3A_407 = arith.addi %add3A_406, %add3A_380 : i32
      %swap3A_408 = arith.index_cast %add3A_407 : i32 to index
      %swap3A_409 = arith.constant 16 : index
      %swap3A_410 = tpu.vector_load %arg8[%swap3A_408, %swap3A_409] {strides = array<i32>} : memref<512x32xf32, #tpu.memory_space<vmem>>, vector<1x16xf32>,
      %swap3A_411 = vector.shape_cast %swap3A_410 : vector<1x16xf32> to vector<16xf32>
      %swap3A_412 = vector.shape_cast %get3A_405 : vector<16xf32> to vector<1x16xf32>
      tpu.vector_store %arg8[%swap3A_408, %swap3A_409], %swap3A_412 {strides = array<i32>} : memref<512x32xf32, #tpu.memory_space<vmem>>, vector<1x16xf32>,
      %add3A_413 = arith.constant 9 : i32
      %add3A_414 = arith.addi %mul3A_106, %add3A_413 : i32
      %slice3A_415 = vector.extract_strided_slice %get3A_110 {offsets = [9], sizes = [1], strides = [1]} : vector<16xi32> to vector<1xi32>
      %squeeze3A_416 = vector.extract %slice3A_415[0] : i32 from vector<1xi32>
      %and3A_417 = arith.constant 3 : i32
      %and3A_418 = arith.andi %squeeze3A_416, %and3A_417 : i32
      %mul3A_419 = arith.constant 32 : i32
      %mul3A_420 = arith.muli %and3A_418, %mul3A_419 : i32
      %add3A_421 = arith.constant 0 : i32
      %add3A_422 = arith.addi %mul3A_420, %add3A_421 : i32
      %get3A_423 = arith.index_cast %add3A_414 : i32 to index
      %get3A_424 = arith.index_cast %add3A_422 : i32 to index
      %get3A_425 = tpu.vector_load %arg7[%get3A_423, %get3A_424] {strides = array<i32>} : memref<128x128xf32, #tpu.memory_space<vmem>>, vector<1x16xf32>,
      %get3A_426 = vector.shape_cast %get3A_425 : vector<1x16xf32> to vector<16xf32>
      %add3A_427 = arith.constant 128 : i32
      %add3A_428 = arith.addi %add3A_427, %add3A_414 : i32
      %swap3A_429 = arith.index_cast %add3A_428 : i32 to index
      %swap3A_430 = arith.constant 0 : index
      %swap3A_431 = tpu.vector_load %arg8[%swap3A_429, %swap3A_430] {strides = array<i32>} : memref<512x32xf32, #tpu.memory_space<vmem>>, vector<1x16xf32>,
      %swap3A_432 = vector.shape_cast %swap3A_431 : vector<1x16xf32> to vector<16xf32>
      %swap3A_433 = vector.shape_cast %get3A_426 : vector<16xf32> to vector<1x16xf32>
      tpu.vector_store %arg8[%swap3A_429, %swap3A_430], %swap3A_433 {strides = array<i32>} : memref<512x32xf32, #tpu.memory_space<vmem>>, vector<1x16xf32>,
      %add3A_434 = arith.constant 16 : i32
      %add3A_435 = arith.addi %mul3A_420, %add3A_434 : i32
      %get3A_436 = arith.index_cast %add3A_414 : i32 to index
      %get3A_437 = arith.index_cast %add3A_435 : i32 to index
      %get3A_438 = tpu.vector_load %arg7[%get3A_436, %get3A_437] {strides = array<i32>} : memref<128x128xf32, #tpu.memory_space<vmem>>, vector<1x16xf32>,
      %get3A_439 = vector.shape_cast %get3A_438 : vector<1x16xf32> to vector<16xf32>
      %add3A_440 = arith.constant 128 : i32
      %add3A_441 = arith.addi %add3A_440, %add3A_414 : i32
      %swap3A_442 = arith.index_cast %add3A_441 : i32 to index
      %swap3A_443 = arith.constant 16 : index
      %swap3A_444 = tpu.vector_load %arg8[%swap3A_442, %swap3A_443] {strides = array<i32>} : memref<512x32xf32, #tpu.memory_space<vmem>>, vector<1x16xf32>,
      %swap3A_445 = vector.shape_cast %swap3A_444 : vector<1x16xf32> to vector<16xf32>
      %swap3A_446 = vector.shape_cast %get3A_439 : vector<16xf32> to vector<1x16xf32>
      tpu.vector_store %arg8[%swap3A_442, %swap3A_443], %swap3A_446 {strides = array<i32>} : memref<512x32xf32, #tpu.memory_space<vmem>>, vector<1x16xf32>,
      %add3A_447 = arith.constant 10 : i32
      %add3A_448 = arith.addi %mul3A_106, %add3A_447 : i32
      %slice3A_449 = vector.extract_strided_slice %get3A_110 {offsets = [10], sizes = [1], strides = [1]} : vector<16xi32> to vector<1xi32>
      %squeeze3A_450 = vector.extract %slice3A_449[0] : i32 from vector<1xi32>
      %and3A_451 = arith.constant 3 : i32
      %and3A_452 = arith.andi %squeeze3A_450, %and3A_451 : i32
      %mul3A_453 = arith.constant 32 : i32
      %mul3A_454 = arith.muli %and3A_452, %mul3A_453 : i32
      %add3A_455 = arith.constant 0 : i32
      %add3A_456 = arith.addi %mul3A_454, %add3A_455 : i32
      %get3A_457 = arith.index_cast %add3A_448 : i32 to index
      %get3A_458 = arith.index_cast %add3A_456 : i32 to index
      %get3A_459 = tpu.vector_load %arg7[%get3A_457, %get3A_458] {strides = array<i32>} : memref<128x128xf32, #tpu.memory_space<vmem>>, vector<1x16xf32>,
      %get3A_460 = vector.shape_cast %get3A_459 : vector<1x16xf32> to vector<16xf32>
      %add3A_461 = arith.constant 128 : i32
      %add3A_462 = arith.addi %add3A_461, %add3A_448 : i32
      %swap3A_463 = arith.index_cast %add3A_462 : i32 to index
      %swap3A_464 = arith.constant 0 : index
      %swap3A_465 = tpu.vector_load %arg8[%swap3A_463, %swap3A_464] {strides = array<i32>} : memref<512x32xf32, #tpu.memory_space<vmem>>, vector<1x16xf32>,
      %swap3A_466 = vector.shape_cast %swap3A_465 : vector<1x16xf32> to vector<16xf32>
      %swap3A_467 = vector.shape_cast %get3A_460 : vector<16xf32> to vector<1x16xf32>
      tpu.vector_store %arg8[%swap3A_463, %swap3A_464], %swap3A_467 {strides = array<i32>} : memref<512x32xf32, #tpu.memory_space<vmem>>, vector<1x16xf32>,
      %add3A_468 = arith.constant 16 : i32
      %add3A_469 = arith.addi %mul3A_454, %add3A_468 : i32
      %get3A_470 = arith.index_cast %add3A_448 : i32 to index
      %get3A_471 = arith.index_cast %add3A_469 : i32 to index
      %get3A_472 = tpu.vector_load %arg7[%get3A_470, %get3A_471] {strides = array<i32>} : memref<128x128xf32, #tpu.memory_space<vmem>>, vector<1x16xf32>,
      %get3A_473 = vector.shape_cast %get3A_472 : vector<1x16xf32> to vector<16xf32>
      %add3A_474 = arith.constant 128 : i32
      %add3A_475 = arith.addi %add3A_474, %add3A_448 : i32
      %swap3A_476 = arith.index_cast %add3A_475 : i32 to index
      %swap3A_477 = arith.constant 16 : index
      %swap3A_478 = tpu.vector_load %arg8[%swap3A_476, %swap3A_477] {strides = array<i32>} : memref<512x32xf32, #tpu.memory_space<vmem>>, vector<1x16xf32>,
      %swap3A_479 = vector.shape_cast %swap3A_478 : vector<1x16xf32> to vector<16xf32>
      %swap3A_480 = vector.shape_cast %get3A_473 : vector<16xf32> to vector<1x16xf32>
      tpu.vector_store %arg8[%swap3A_476, %swap3A_477], %swap3A_480 {strides = array<i32>} : memref<512x32xf32, #tpu.memory_space<vmem>>, vector<1x16xf32>,
      %add3A_481 = arith.constant 11 : i32
      %add3A_482 = arith.addi %mul3A_106, %add3A_481 : i32
      %slice3A_483 = vector.extract_strided_slice %get3A_110 {offsets = [11], sizes = [1], strides = [1]} : vector<16xi32> to vector<1xi32>
      %squeeze3A_484 = vector.extract %slice3A_483[0] : i32 from vector<1xi32>
      %and3A_485 = arith.constant 3 : i32
      %and3A_486 = arith.andi %squeeze3A_484, %and3A_485 : i32
      %mul3A_487 = arith.constant 32 : i32
      %mul3A_488 = arith.muli %and3A_486, %mul3A_487 : i32
      %add3A_489 = arith.constant 0 : i32
      %add3A_490 = arith.addi %mul3A_488, %add3A_489 : i32
      %get3A_491 = arith.index_cast %add3A_482 : i32 to index
      %get3A_492 = arith.index_cast %add3A_490 : i32 to index
      %get3A_493 = tpu.vector_load %arg7[%get3A_491, %get3A_492] {strides = array<i32>} : memref<128x128xf32, #tpu.memory_space<vmem>>, vector<1x16xf32>,
      %get3A_494 = vector.shape_cast %get3A_493 : vector<1x16xf32> to vector<16xf32>
      %add3A_495 = arith.constant 128 : i32
      %add3A_496 = arith.addi %add3A_495, %add3A_482 : i32
      %swap3A_497 = arith.index_cast %add3A_496 : i32 to index
      %swap3A_498 = arith.constant 0 : index
      %swap3A_499 = tpu.vector_load %arg8[%swap3A_497, %swap3A_498] {strides = array<i32>} : memref<512x32xf32, #tpu.memory_space<vmem>>, vector<1x16xf32>,
      %swap3A_500 = vector.shape_cast %swap3A_499 : vector<1x16xf32> to vector<16xf32>
      %swap3A_501 = vector.shape_cast %get3A_494 : vector<16xf32> to vector<1x16xf32>
      tpu.vector_store %arg8[%swap3A_497, %swap3A_498], %swap3A_501 {strides = array<i32>} : memref<512x32xf32, #tpu.memory_space<vmem>>, vector<1x16xf32>,
      %add3A_502 = arith.constant 16 : i32
      %add3A_503 = arith.addi %mul3A_488, %add3A_502 : i32
      %get3A_504 = arith.index_cast %add3A_482 : i32 to index
      %get3A_505 = arith.index_cast %add3A_503 : i32 to index
      %get3A_506 = tpu.vector_load %arg7[%get3A_504, %get3A_505] {strides = array<i32>} : memref<128x128xf32, #tpu.memory_space<vmem>>, vector<1x16xf32>,
      %get3A_507 = vector.shape_cast %get3A_506 : vector<1x16xf32> to vector<16xf32>
      %add3A_508 = arith.constant 128 : i32
      %add3A_509 = arith.addi %add3A_508, %add3A_482 : i32
      %swap3A_510 = arith.index_cast %add3A_509 : i32 to index
      %swap3A_511 = arith.constant 16 : index
      %swap3A_512 = tpu.vector_load %arg8[%swap3A_510, %swap3A_511] {strides = array<i32>} : memref<512x32xf32, #tpu.memory_space<vmem>>, vector<1x16xf32>,
      %swap3A_513 = vector.shape_cast %swap3A_512 : vector<1x16xf32> to vector<16xf32>
      %swap3A_514 = vector.shape_cast %get3A_507 : vector<16xf32> to vector<1x16xf32>
      tpu.vector_store %arg8[%swap3A_510, %swap3A_511], %swap3A_514 {strides = array<i32>} : memref<512x32xf32, #tpu.memory_space<vmem>>, vector<1x16xf32>,
      %add3A_515 = arith.constant 12 : i32
      %add3A_516 = arith.addi %mul3A_106, %add3A_515 : i32
      %slice3A_517 = vector.extract_strided_slice %get3A_110 {offsets = [12], sizes = [1], strides = [1]} : vector<16xi32> to vector<1xi32>
      %squeeze3A_518 = vector.extract %slice3A_517[0] : i32 from vector<1xi32>
      %and3A_519 = arith.constant 3 : i32
      %and3A_520 = arith.andi %squeeze3A_518, %and3A_519 : i32
      %mul3A_521 = arith.constant 32 : i32
      %mul3A_522 = arith.muli %and3A_520, %mul3A_521 : i32
      %add3A_523 = arith.constant 0 : i32
      %add3A_524 = arith.addi %mul3A_522, %add3A_523 : i32
      %get3A_525 = arith.index_cast %add3A_516 : i32 to index
      %get3A_526 = arith.index_cast %add3A_524 : i32 to index
      %get3A_527 = tpu.vector_load %arg7[%get3A_525, %get3A_526] {strides = array<i32>} : memref<128x128xf32, #tpu.memory_space<vmem>>, vector<1x16xf32>,
      %get3A_528 = vector.shape_cast %get3A_527 : vector<1x16xf32> to vector<16xf32>
      %add3A_529 = arith.constant 128 : i32
      %add3A_530 = arith.addi %add3A_529, %add3A_516 : i32
      %swap3A_531 = arith.index_cast %add3A_530 : i32 to index
      %swap3A_532 = arith.constant 0 : index
      %swap3A_533 = tpu.vector_load %arg8[%swap3A_531, %swap3A_532] {strides = array<i32>} : memref<512x32xf32, #tpu.memory_space<vmem>>, vector<1x16xf32>,
      %swap3A_534 = vector.shape_cast %swap3A_533 : vector<1x16xf32> to vector<16xf32>
      %swap3A_535 = vector.shape_cast %get3A_528 : vector<16xf32> to vector<1x16xf32>
      tpu.vector_store %arg8[%swap3A_531, %swap3A_532], %swap3A_535 {strides = array<i32>} : memref<512x32xf32, #tpu.memory_space<vmem>>, vector<1x16xf32>,
      %add3A_536 = arith.constant 16 : i32
      %add3A_537 = arith.addi %mul3A_522, %add3A_536 : i32
      %get3A_538 = arith.index_cast %add3A_516 : i32 to index
      %get3A_539 = arith.index_cast %add3A_537 : i32 to index
      %get3A_540 = tpu.vector_load %arg7[%get3A_538, %get3A_539] {strides = array<i32>} : memref<128x128xf32, #tpu.memory_space<vmem>>, vector<1x16xf32>,
      %get3A_541 = vector.shape_cast %get3A_540 : vector<1x16xf32> to vector<16xf32>
      %add3A_542 = arith.constant 128 : i32
      %add3A_543 = arith.addi %add3A_542, %add3A_516 : i32
      %swap3A_544 = arith.index_cast %add3A_543 : i32 to index
      %swap3A_545 = arith.constant 16 : index
      %swap3A_546 = tpu.vector_load %arg8[%swap3A_544, %swap3A_545] {strides = array<i32>} : memref<512x32xf32, #tpu.memory_space<vmem>>, vector<1x16xf32>,
      %swap3A_547 = vector.shape_cast %swap3A_546 : vector<1x16xf32> to vector<16xf32>
      %swap3A_548 = vector.shape_cast %get3A_541 : vector<16xf32> to vector<1x16xf32>
      tpu.vector_store %arg8[%swap3A_544, %swap3A_545], %swap3A_548 {strides = array<i32>} : memref<512x32xf32, #tpu.memory_space<vmem>>, vector<1x16xf32>,
      %add3A_549 = arith.constant 13 : i32
      %add3A_550 = arith.addi %mul3A_106, %add3A_549 : i32
      %slice3A_551 = vector.extract_strided_slice %get3A_110 {offsets = [13], sizes = [1], strides = [1]} : vector<16xi32> to vector<1xi32>
      %squeeze3A_552 = vector.extract %slice3A_551[0] : i32 from vector<1xi32>
      %and3A_553 = arith.constant 3 : i32
      %and3A_554 = arith.andi %squeeze3A_552, %and3A_553 : i32
      %mul3A_555 = arith.constant 32 : i32
      %mul3A_556 = arith.muli %and3A_554, %mul3A_555 : i32
      %add3A_557 = arith.constant 0 : i32
      %add3A_558 = arith.addi %mul3A_556, %add3A_557 : i32
      %get3A_559 = arith.index_cast %add3A_550 : i32 to index
      %get3A_560 = arith.index_cast %add3A_558 : i32 to index
      %get3A_561 = tpu.vector_load %arg7[%get3A_559, %get3A_560] {strides = array<i32>} : memref<128x128xf32, #tpu.memory_space<vmem>>, vector<1x16xf32>,
      %get3A_562 = vector.shape_cast %get3A_561 : vector<1x16xf32> to vector<16xf32>
      %add3A_563 = arith.constant 128 : i32
      %add3A_564 = arith.addi %add3A_563, %add3A_550 : i32
      %swap3A_565 = arith.index_cast %add3A_564 : i32 to index
      %swap3A_566 = arith.constant 0 : index
      %swap3A_567 = tpu.vector_load %arg8[%swap3A_565, %swap3A_566] {strides = array<i32>} : memref<512x32xf32, #tpu.memory_space<vmem>>, vector<1x16xf32>,
      %swap3A_568 = vector.shape_cast %swap3A_567 : vector<1x16xf32> to vector<16xf32>
      %swap3A_569 = vector.shape_cast %get3A_562 : vector<16xf32> to vector<1x16xf32>
      tpu.vector_store %arg8[%swap3A_565, %swap3A_566], %swap3A_569 {strides = array<i32>} : memref<512x32xf32, #tpu.memory_space<vmem>>, vector<1x16xf32>,
      %add3A_570 = arith.constant 16 : i32
      %add3A_571 = arith.addi %mul3A_556, %add3A_570 : i32
      %get3A_572 = arith.index_cast %add3A_550 : i32 to index
      %get3A_573 = arith.index_cast %add3A_571 : i32 to index
      %get3A_574 = tpu.vector_load %arg7[%get3A_572, %get3A_573] {strides = array<i32>} : memref<128x128xf32, #tpu.memory_space<vmem>>, vector<1x16xf32>,
      %get3A_575 = vector.shape_cast %get3A_574 : vector<1x16xf32> to vector<16xf32>
      %add3A_576 = arith.constant 128 : i32
      %add3A_577 = arith.addi %add3A_576, %add3A_550 : i32
      %swap3A_578 = arith.index_cast %add3A_577 : i32 to index
      %swap3A_579 = arith.constant 16 : index
      %swap3A_580 = tpu.vector_load %arg8[%swap3A_578, %swap3A_579] {strides = array<i32>} : memref<512x32xf32, #tpu.memory_space<vmem>>, vector<1x16xf32>,
      %swap3A_581 = vector.shape_cast %swap3A_580 : vector<1x16xf32> to vector<16xf32>
      %swap3A_582 = vector.shape_cast %get3A_575 : vector<16xf32> to vector<1x16xf32>
      tpu.vector_store %arg8[%swap3A_578, %swap3A_579], %swap3A_582 {strides = array<i32>} : memref<512x32xf32, #tpu.memory_space<vmem>>, vector<1x16xf32>,
      %add3A_583 = arith.constant 14 : i32
      %add3A_584 = arith.addi %mul3A_106, %add3A_583 : i32
      %slice3A_585 = vector.extract_strided_slice %get3A_110 {offsets = [14], sizes = [1], strides = [1]} : vector<16xi32> to vector<1xi32>
      %squeeze3A_586 = vector.extract %slice3A_585[0] : i32 from vector<1xi32>
      %and3A_587 = arith.constant 3 : i32
      %and3A_588 = arith.andi %squeeze3A_586, %and3A_587 : i32
      %mul3A_589 = arith.constant 32 : i32
      %mul3A_590 = arith.muli %and3A_588, %mul3A_589 : i32
      %add3A_591 = arith.constant 0 : i32
      %add3A_592 = arith.addi %mul3A_590, %add3A_591 : i32
      %get3A_593 = arith.index_cast %add3A_584 : i32 to index
      %get3A_594 = arith.index_cast %add3A_592 : i32 to index
      %get3A_595 = tpu.vector_load %arg7[%get3A_593, %get3A_594] {strides = array<i32>} : memref<128x128xf32, #tpu.memory_space<vmem>>, vector<1x16xf32>,
      %get3A_596 = vector.shape_cast %get3A_595 : vector<1x16xf32> to vector<16xf32>
      %add3A_597 = arith.constant 128 : i32
      %add3A_598 = arith.addi %add3A_597, %add3A_584 : i32
      %swap3A_599 = arith.index_cast %add3A_598 : i32 to index
      %swap3A_600 = arith.constant 0 : index
      %swap3A_601 = tpu.vector_load %arg8[%swap3A_599, %swap3A_600] {strides = array<i32>} : memref<512x32xf32, #tpu.memory_space<vmem>>, vector<1x16xf32>,
      %swap3A_602 = vector.shape_cast %swap3A_601 : vector<1x16xf32> to vector<16xf32>
      %swap3A_603 = vector.shape_cast %get3A_596 : vector<16xf32> to vector<1x16xf32>
      tpu.vector_store %arg8[%swap3A_599, %swap3A_600], %swap3A_603 {strides = array<i32>} : memref<512x32xf32, #tpu.memory_space<vmem>>, vector<1x16xf32>,
      %add3A_604 = arith.constant 16 : i32
      %add3A_605 = arith.addi %mul3A_590, %add3A_604 : i32
      %get3A_606 = arith.index_cast %add3A_584 : i32 to index
      %get3A_607 = arith.index_cast %add3A_605 : i32 to index
      %get3A_608 = tpu.vector_load %arg7[%get3A_606, %get3A_607] {strides = array<i32>} : memref<128x128xf32, #tpu.memory_space<vmem>>, vector<1x16xf32>,
      %get3A_609 = vector.shape_cast %get3A_608 : vector<1x16xf32> to vector<16xf32>
      %add3A_610 = arith.constant 128 : i32
      %add3A_611 = arith.addi %add3A_610, %add3A_584 : i32
      %swap3A_612 = arith.index_cast %add3A_611 : i32 to index
      %swap3A_613 = arith.constant 16 : index
      %swap3A_614 = tpu.vector_load %arg8[%swap3A_612, %swap3A_613] {strides = array<i32>} : memref<512x32xf32, #tpu.memory_space<vmem>>, vector<1x16xf32>,
      %swap3A_615 = vector.shape_cast %swap3A_614 : vector<1x16xf32> to vector<16xf32>
      %swap3A_616 = vector.shape_cast %get3A_609 : vector<16xf32> to vector<1x16xf32>
      tpu.vector_store %arg8[%swap3A_612, %swap3A_613], %swap3A_616 {strides = array<i32>} : memref<512x32xf32, #tpu.memory_space<vmem>>, vector<1x16xf32>,
      %add3A_617 = arith.constant 15 : i32
      %add3A_618 = arith.addi %mul3A_106, %add3A_617 : i32
      %slice3A_619 = vector.extract_strided_slice %get3A_110 {offsets = [15], sizes = [1], strides = [1]} : vector<16xi32> to vector<1xi32>
      %squeeze3A_620 = vector.extract %slice3A_619[0] : i32 from vector<1xi32>
      %and3A_621 = arith.constant 3 : i32
      %and3A_622 = arith.andi %squeeze3A_620, %and3A_621 : i32
      %mul3A_623 = arith.constant 32 : i32
      %mul3A_624 = arith.muli %and3A_622, %mul3A_623 : i32
      %add3A_625 = arith.constant 0 : i32
      %add3A_626 = arith.addi %mul3A_624, %add3A_625 : i32
      %get3A_627 = arith.index_cast %add3A_618 : i32 to index
      %get3A_628 = arith.index_cast %add3A_626 : i32 to index
      %get3A_629 = tpu.vector_load %arg7[%get3A_627, %get3A_628] {strides = array<i32>} : memref<128x128xf32, #tpu.memory_space<vmem>>, vector<1x16xf32>,
      %get3A_630 = vector.shape_cast %get3A_629 : vector<1x16xf32> to vector<16xf32>
      %add3A_631 = arith.constant 128 : i32
      %add3A_632 = arith.addi %add3A_631, %add3A_618 : i32
      %swap3A_633 = arith.index_cast %add3A_632 : i32 to index
      %swap3A_634 = arith.constant 0 : index
      %swap3A_635 = tpu.vector_load %arg8[%swap3A_633, %swap3A_634] {strides = array<i32>} : memref<512x32xf32, #tpu.memory_space<vmem>>, vector<1x16xf32>,
      %swap3A_636 = vector.shape_cast %swap3A_635 : vector<1x16xf32> to vector<16xf32>
      %swap3A_637 = vector.shape_cast %get3A_630 : vector<16xf32> to vector<1x16xf32>
      tpu.vector_store %arg8[%swap3A_633, %swap3A_634], %swap3A_637 {strides = array<i32>} : memref<512x32xf32, #tpu.memory_space<vmem>>, vector<1x16xf32>,
      %add3A_638 = arith.constant 16 : i32
      %add3A_639 = arith.addi %mul3A_624, %add3A_638 : i32
      %get3A_640 = arith.index_cast %add3A_618 : i32 to index
      %get3A_641 = arith.index_cast %add3A_639 : i32 to index
      %get3A_642 = tpu.vector_load %arg7[%get3A_640, %get3A_641] {strides = array<i32>} : memref<128x128xf32, #tpu.memory_space<vmem>>, vector<1x16xf32>,
      %get3A_643 = vector.shape_cast %get3A_642 : vector<1x16xf32> to vector<16xf32>
      %add3A_644 = arith.constant 128 : i32
      %add3A_645 = arith.addi %add3A_644, %add3A_618 : i32
      %swap3A_646 = arith.index_cast %add3A_645 : i32 to index
      %swap3A_647 = arith.constant 16 : index
      %swap3A_648 = tpu.vector_load %arg8[%swap3A_646, %swap3A_647] {strides = array<i32>} : memref<512x32xf32, #tpu.memory_space<vmem>>, vector<1x16xf32>,
      %swap3A_649 = vector.shape_cast %swap3A_648 : vector<1x16xf32> to vector<16xf32>
      %swap3A_650 = vector.shape_cast %get3A_643 : vector<16xf32> to vector<1x16xf32>
      tpu.vector_store %arg8[%swap3A_646, %swap3A_647], %swap3A_650 {strides = array<i32>} : memref<512x32xf32, #tpu.memory_space<vmem>>, vector<1x16xf32>,
    }
    %scan3A_63 = arith.constant 8 : i32
    %dma_start3A_64 = arith.constant 2 : i32
    %dma_start3A_65 = arith.constant 0 : i32
    %dma_start3A_66 = tpu.memref_slice %arg6[%dma_start3A_64, %dma_start3A_65] : memref<4x128xi32, #tpu.memory_space<vmem>> -> memref<1x128xi32, #tpu.memory_space<vmem>>
    %dma_start3A_67 = tpu.memref_squeeze %dma_start3A_66 : memref<1x128xi32, #tpu.memory_space<vmem>> -> memref<128xi32, #tpu.memory_space<vmem>>
    %dma_start3A_68 = arith.constant 0 : i32
    %dma_start3A_69 = arith.constant 0 : i32
    %dma_start3A_70 = tpu.memref_slice %arg3[%dma_start3A_68, %dma_start3A_69] : memref<250000x128xf32, #tpu.memory_space<hbm>> -> memref<250000x128xf32, #tpu.memory_space<hbm>>
    tpu.enqueue_indirect_dma source(%dma_start3A_70 : memref<250000x128xf32, #tpu.memory_space<hbm>>) target(%arg7 : memref<128x128xf32, #tpu.memory_space<vmem>>) offsets(%dma_start3A_67 : memref<128xi32, #tpu.memory_space<vmem>>) semaphore(%arg9 : memref<!tpu.dma_semaphore, #tpu.memory_space<semaphore_mem>>)
    %dma_wait3A_71 = arith.constant 2 : i32
    %dma_wait3A_72 = arith.constant 0 : i32
    %dma_wait3A_73 = tpu.memref_slice %arg6[%dma_wait3A_71, %dma_wait3A_72] : memref<4x128xi32, #tpu.memory_space<vmem>> -> memref<1x128xi32, #tpu.memory_space<vmem>>
    %dma_wait3A_74 = tpu.memref_squeeze %dma_wait3A_73 : memref<1x128xi32, #tpu.memory_space<vmem>> -> memref<128xi32, #tpu.memory_space<vmem>>
    %dma_wait3A_75 = arith.constant 0 : i32
    %dma_wait3A_76 = arith.constant 0 : i32
    %dma_wait3A_77 = tpu.memref_slice %arg3[%dma_wait3A_75, %dma_wait3A_76] : memref<250000x128xf32, #tpu.memory_space<hbm>> -> memref<250000x128xf32, #tpu.memory_space<hbm>>
    tpu.wait_indirect_dma semaphore(%arg9 : memref<!tpu.dma_semaphore, #tpu.memory_space<semaphore_mem>>) src(%dma_wait3A_77 : memref<250000x128xf32, #tpu.memory_space<hbm>>) dst(%arg7 : memref<128x128xf32, #tpu.memory_space<vmem>>)
    %scan3A_78 = arith.constant 0 : i32
    %scan3A_79 = arith.constant 0 : i32
    %scan3A_80 = arith.constant 8 : i32
    %scan3A_81 = arith.addi %scan3A_79, %scan3A_80 : i32
    %scan3A_82 = arith.constant 1 : i32
    scf.for %scan3A_104 = %scan3A_79 to %scan3A_81 step %scan3A_82  : i32 {
      %mul3A_105 = arith.constant 16 : i32
      %mul3A_106 = arith.muli %scan3A_104, %mul3A_105 : i32
      %add3A_107 = arith.constant 256 : i32
      %add3A_108 = arith.addi %add3A_107, %mul3A_106 : i32
      %get3A = arith.index_cast %add3A_108 : i32 to index
      %get3A_109 = tpu.vector_load %arg5[%get3A] {strides = array<i32>} : memref<512xi32, #tpu.memory_space<vmem>>, vector<16xi32>,
      %get3A_110 = vector.shape_cast %get3A_109 : vector<16xi32> to vector<16xi32>
      %add3A_111 = arith.constant 0 : i32
      %add3A_112 = arith.addi %mul3A_106, %add3A_111 : i32
      %slice3A = vector.extract_strided_slice %get3A_110 {offsets = [0], sizes = [1], strides = [1]} : vector<16xi32> to vector<1xi32>
      %squeeze3A = vector.extract %slice3A[0] : i32 from vector<1xi32>
      %and3A = arith.constant 3 : i32
      %and3A_113 = arith.andi %squeeze3A, %and3A : i32
      %mul3A_114 = arith.constant 32 : i32
      %mul3A_115 = arith.muli %and3A_113, %mul3A_114 : i32
      %add3A_116 = arith.constant 0 : i32
      %add3A_117 = arith.addi %mul3A_115, %add3A_116 : i32
      %get3A_118 = arith.index_cast %add3A_112 : i32 to index
      %get3A_119 = arith.index_cast %add3A_117 : i32 to index
      %get3A_120 = tpu.vector_load %arg7[%get3A_118, %get3A_119] {strides = array<i32>} : memref<128x128xf32, #tpu.memory_space<vmem>>, vector<1x16xf32>,
      %get3A_121 = vector.shape_cast %get3A_120 : vector<1x16xf32> to vector<16xf32>
      %add3A_122 = arith.constant 256 : i32
      %add3A_123 = arith.addi %add3A_122, %add3A_112 : i32
      %swap3A = arith.index_cast %add3A_123 : i32 to index
      %swap3A_124 = arith.constant 0 : index
      %swap3A_125 = tpu.vector_load %arg8[%swap3A, %swap3A_124] {strides = array<i32>} : memref<512x32xf32, #tpu.memory_space<vmem>>, vector<1x16xf32>,
      %swap3A_126 = vector.shape_cast %swap3A_125 : vector<1x16xf32> to vector<16xf32>
      %swap3A_127 = vector.shape_cast %get3A_121 : vector<16xf32> to vector<1x16xf32>
      tpu.vector_store %arg8[%swap3A, %swap3A_124], %swap3A_127 {strides = array<i32>} : memref<512x32xf32, #tpu.memory_space<vmem>>, vector<1x16xf32>,
      %add3A_128 = arith.constant 16 : i32
      %add3A_129 = arith.addi %mul3A_115, %add3A_128 : i32
      %get3A_130 = arith.index_cast %add3A_112 : i32 to index
      %get3A_131 = arith.index_cast %add3A_129 : i32 to index
      %get3A_132 = tpu.vector_load %arg7[%get3A_130, %get3A_131] {strides = array<i32>} : memref<128x128xf32, #tpu.memory_space<vmem>>, vector<1x16xf32>,
      %get3A_133 = vector.shape_cast %get3A_132 : vector<1x16xf32> to vector<16xf32>
      %add3A_134 = arith.constant 256 : i32
      %add3A_135 = arith.addi %add3A_134, %add3A_112 : i32
      %swap3A_136 = arith.index_cast %add3A_135 : i32 to index
      %swap3A_137 = arith.constant 16 : index
      %swap3A_138 = tpu.vector_load %arg8[%swap3A_136, %swap3A_137] {strides = array<i32>} : memref<512x32xf32, #tpu.memory_space<vmem>>, vector<1x16xf32>,
      %swap3A_139 = vector.shape_cast %swap3A_138 : vector<1x16xf32> to vector<16xf32>
      %swap3A_140 = vector.shape_cast %get3A_133 : vector<16xf32> to vector<1x16xf32>
      tpu.vector_store %arg8[%swap3A_136, %swap3A_137], %swap3A_140 {strides = array<i32>} : memref<512x32xf32, #tpu.memory_space<vmem>>, vector<1x16xf32>,
      %add3A_141 = arith.constant 1 : i32
      %add3A_142 = arith.addi %mul3A_106, %add3A_141 : i32
      %slice3A_143 = vector.extract_strided_slice %get3A_110 {offsets = [1], sizes = [1], strides = [1]} : vector<16xi32> to vector<1xi32>
      %squeeze3A_144 = vector.extract %slice3A_143[0] : i32 from vector<1xi32>
      %and3A_145 = arith.constant 3 : i32
      %and3A_146 = arith.andi %squeeze3A_144, %and3A_145 : i32
      %mul3A_147 = arith.constant 32 : i32
      %mul3A_148 = arith.muli %and3A_146, %mul3A_147 : i32
      %add3A_149 = arith.constant 0 : i32
      %add3A_150 = arith.addi %mul3A_148, %add3A_149 : i32
      %get3A_151 = arith.index_cast %add3A_142 : i32 to index
      %get3A_152 = arith.index_cast %add3A_150 : i32 to index
      %get3A_153 = tpu.vector_load %arg7[%get3A_151, %get3A_152] {strides = array<i32>} : memref<128x128xf32, #tpu.memory_space<vmem>>, vector<1x16xf32>,
      %get3A_154 = vector.shape_cast %get3A_153 : vector<1x16xf32> to vector<16xf32>
      %add3A_155 = arith.constant 256 : i32
      %add3A_156 = arith.addi %add3A_155, %add3A_142 : i32
      %swap3A_157 = arith.index_cast %add3A_156 : i32 to index
      %swap3A_158 = arith.constant 0 : index
      %swap3A_159 = tpu.vector_load %arg8[%swap3A_157, %swap3A_158] {strides = array<i32>} : memref<512x32xf32, #tpu.memory_space<vmem>>, vector<1x16xf32>,
      %swap3A_160 = vector.shape_cast %swap3A_159 : vector<1x16xf32> to vector<16xf32>
      %swap3A_161 = vector.shape_cast %get3A_154 : vector<16xf32> to vector<1x16xf32>
      tpu.vector_store %arg8[%swap3A_157, %swap3A_158], %swap3A_161 {strides = array<i32>} : memref<512x32xf32, #tpu.memory_space<vmem>>, vector<1x16xf32>,
      %add3A_162 = arith.constant 16 : i32
      %add3A_163 = arith.addi %mul3A_148, %add3A_162 : i32
      %get3A_164 = arith.index_cast %add3A_142 : i32 to index
      %get3A_165 = arith.index_cast %add3A_163 : i32 to index
      %get3A_166 = tpu.vector_load %arg7[%get3A_164, %get3A_165] {strides = array<i32>} : memref<128x128xf32, #tpu.memory_space<vmem>>, vector<1x16xf32>,
      %get3A_167 = vector.shape_cast %get3A_166 : vector<1x16xf32> to vector<16xf32>
      %add3A_168 = arith.constant 256 : i32
      %add3A_169 = arith.addi %add3A_168, %add3A_142 : i32
      %swap3A_170 = arith.index_cast %add3A_169 : i32 to index
      %swap3A_171 = arith.constant 16 : index
      %swap3A_172 = tpu.vector_load %arg8[%swap3A_170, %swap3A_171] {strides = array<i32>} : memref<512x32xf32, #tpu.memory_space<vmem>>, vector<1x16xf32>,
      %swap3A_173 = vector.shape_cast %swap3A_172 : vector<1x16xf32> to vector<16xf32>
      %swap3A_174 = vector.shape_cast %get3A_167 : vector<16xf32> to vector<1x16xf32>
      tpu.vector_store %arg8[%swap3A_170, %swap3A_171], %swap3A_174 {strides = array<i32>} : memref<512x32xf32, #tpu.memory_space<vmem>>, vector<1x16xf32>,
      %add3A_175 = arith.constant 2 : i32
      %add3A_176 = arith.addi %mul3A_106, %add3A_175 : i32
      %slice3A_177 = vector.extract_strided_slice %get3A_110 {offsets = [2], sizes = [1], strides = [1]} : vector<16xi32> to vector<1xi32>
      %squeeze3A_178 = vector.extract %slice3A_177[0] : i32 from vector<1xi32>
      %and3A_179 = arith.constant 3 : i32
      %and3A_180 = arith.andi %squeeze3A_178, %and3A_179 : i32
      %mul3A_181 = arith.constant 32 : i32
      %mul3A_182 = arith.muli %and3A_180, %mul3A_181 : i32
      %add3A_183 = arith.constant 0 : i32
      %add3A_184 = arith.addi %mul3A_182, %add3A_183 : i32
      %get3A_185 = arith.index_cast %add3A_176 : i32 to index
      %get3A_186 = arith.index_cast %add3A_184 : i32 to index
      %get3A_187 = tpu.vector_load %arg7[%get3A_185, %get3A_186] {strides = array<i32>} : memref<128x128xf32, #tpu.memory_space<vmem>>, vector<1x16xf32>,
      %get3A_188 = vector.shape_cast %get3A_187 : vector<1x16xf32> to vector<16xf32>
      %add3A_189 = arith.constant 256 : i32
      %add3A_190 = arith.addi %add3A_189, %add3A_176 : i32
      %swap3A_191 = arith.index_cast %add3A_190 : i32 to index
      %swap3A_192 = arith.constant 0 : index
      %swap3A_193 = tpu.vector_load %arg8[%swap3A_191, %swap3A_192] {strides = array<i32>} : memref<512x32xf32, #tpu.memory_space<vmem>>, vector<1x16xf32>,
      %swap3A_194 = vector.shape_cast %swap3A_193 : vector<1x16xf32> to vector<16xf32>
      %swap3A_195 = vector.shape_cast %get3A_188 : vector<16xf32> to vector<1x16xf32>
      tpu.vector_store %arg8[%swap3A_191, %swap3A_192], %swap3A_195 {strides = array<i32>} : memref<512x32xf32, #tpu.memory_space<vmem>>, vector<1x16xf32>,
      %add3A_196 = arith.constant 16 : i32
      %add3A_197 = arith.addi %mul3A_182, %add3A_196 : i32
      %get3A_198 = arith.index_cast %add3A_176 : i32 to index
      %get3A_199 = arith.index_cast %add3A_197 : i32 to index
      %get3A_200 = tpu.vector_load %arg7[%get3A_198, %get3A_199] {strides = array<i32>} : memref<128x128xf32, #tpu.memory_space<vmem>>, vector<1x16xf32>,
      %get3A_201 = vector.shape_cast %get3A_200 : vector<1x16xf32> to vector<16xf32>
      %add3A_202 = arith.constant 256 : i32
      %add3A_203 = arith.addi %add3A_202, %add3A_176 : i32
      %swap3A_204 = arith.index_cast %add3A_203 : i32 to index
      %swap3A_205 = arith.constant 16 : index
      %swap3A_206 = tpu.vector_load %arg8[%swap3A_204, %swap3A_205] {strides = array<i32>} : memref<512x32xf32, #tpu.memory_space<vmem>>, vector<1x16xf32>,
      %swap3A_207 = vector.shape_cast %swap3A_206 : vector<1x16xf32> to vector<16xf32>
      %swap3A_208 = vector.shape_cast %get3A_201 : vector<16xf32> to vector<1x16xf32>
      tpu.vector_store %arg8[%swap3A_204, %swap3A_205], %swap3A_208 {strides = array<i32>} : memref<512x32xf32, #tpu.memory_space<vmem>>, vector<1x16xf32>,
      %add3A_209 = arith.constant 3 : i32
      %add3A_210 = arith.addi %mul3A_106, %add3A_209 : i32
      %slice3A_211 = vector.extract_strided_slice %get3A_110 {offsets = [3], sizes = [1], strides = [1]} : vector<16xi32> to vector<1xi32>
      %squeeze3A_212 = vector.extract %slice3A_211[0] : i32 from vector<1xi32>
      %and3A_213 = arith.constant 3 : i32
      %and3A_214 = arith.andi %squeeze3A_212, %and3A_213 : i32
      %mul3A_215 = arith.constant 32 : i32
      %mul3A_216 = arith.muli %and3A_214, %mul3A_215 : i32
      %add3A_217 = arith.constant 0 : i32
      %add3A_218 = arith.addi %mul3A_216, %add3A_217 : i32
      %get3A_219 = arith.index_cast %add3A_210 : i32 to index
      %get3A_220 = arith.index_cast %add3A_218 : i32 to index
      %get3A_221 = tpu.vector_load %arg7[%get3A_219, %get3A_220] {strides = array<i32>} : memref<128x128xf32, #tpu.memory_space<vmem>>, vector<1x16xf32>,
      %get3A_222 = vector.shape_cast %get3A_221 : vector<1x16xf32> to vector<16xf32>
      %add3A_223 = arith.constant 256 : i32
      %add3A_224 = arith.addi %add3A_223, %add3A_210 : i32
      %swap3A_225 = arith.index_cast %add3A_224 : i32 to index
      %swap3A_226 = arith.constant 0 : index
      %swap3A_227 = tpu.vector_load %arg8[%swap3A_225, %swap3A_226] {strides = array<i32>} : memref<512x32xf32, #tpu.memory_space<vmem>>, vector<1x16xf32>,
      %swap3A_228 = vector.shape_cast %swap3A_227 : vector<1x16xf32> to vector<16xf32>
      %swap3A_229 = vector.shape_cast %get3A_222 : vector<16xf32> to vector<1x16xf32>
      tpu.vector_store %arg8[%swap3A_225, %swap3A_226], %swap3A_229 {strides = array<i32>} : memref<512x32xf32, #tpu.memory_space<vmem>>, vector<1x16xf32>,
      %add3A_230 = arith.constant 16 : i32
      %add3A_231 = arith.addi %mul3A_216, %add3A_230 : i32
      %get3A_232 = arith.index_cast %add3A_210 : i32 to index
      %get3A_233 = arith.index_cast %add3A_231 : i32 to index
      %get3A_234 = tpu.vector_load %arg7[%get3A_232, %get3A_233] {strides = array<i32>} : memref<128x128xf32, #tpu.memory_space<vmem>>, vector<1x16xf32>,
      %get3A_235 = vector.shape_cast %get3A_234 : vector<1x16xf32> to vector<16xf32>
      %add3A_236 = arith.constant 256 : i32
      %add3A_237 = arith.addi %add3A_236, %add3A_210 : i32
      %swap3A_238 = arith.index_cast %add3A_237 : i32 to index
      %swap3A_239 = arith.constant 16 : index
      %swap3A_240 = tpu.vector_load %arg8[%swap3A_238, %swap3A_239] {strides = array<i32>} : memref<512x32xf32, #tpu.memory_space<vmem>>, vector<1x16xf32>,
      %swap3A_241 = vector.shape_cast %swap3A_240 : vector<1x16xf32> to vector<16xf32>
      %swap3A_242 = vector.shape_cast %get3A_235 : vector<16xf32> to vector<1x16xf32>
      tpu.vector_store %arg8[%swap3A_238, %swap3A_239], %swap3A_242 {strides = array<i32>} : memref<512x32xf32, #tpu.memory_space<vmem>>, vector<1x16xf32>,
      %add3A_243 = arith.constant 4 : i32
      %add3A_244 = arith.addi %mul3A_106, %add3A_243 : i32
      %slice3A_245 = vector.extract_strided_slice %get3A_110 {offsets = [4], sizes = [1], strides = [1]} : vector<16xi32> to vector<1xi32>
      %squeeze3A_246 = vector.extract %slice3A_245[0] : i32 from vector<1xi32>
      %and3A_247 = arith.constant 3 : i32
      %and3A_248 = arith.andi %squeeze3A_246, %and3A_247 : i32
      %mul3A_249 = arith.constant 32 : i32
      %mul3A_250 = arith.muli %and3A_248, %mul3A_249 : i32
      %add3A_251 = arith.constant 0 : i32
      %add3A_252 = arith.addi %mul3A_250, %add3A_251 : i32
      %get3A_253 = arith.index_cast %add3A_244 : i32 to index
      %get3A_254 = arith.index_cast %add3A_252 : i32 to index
      %get3A_255 = tpu.vector_load %arg7[%get3A_253, %get3A_254] {strides = array<i32>} : memref<128x128xf32, #tpu.memory_space<vmem>>, vector<1x16xf32>,
      %get3A_256 = vector.shape_cast %get3A_255 : vector<1x16xf32> to vector<16xf32>
      %add3A_257 = arith.constant 256 : i32
      %add3A_258 = arith.addi %add3A_257, %add3A_244 : i32
      %swap3A_259 = arith.index_cast %add3A_258 : i32 to index
      %swap3A_260 = arith.constant 0 : index
      %swap3A_261 = tpu.vector_load %arg8[%swap3A_259, %swap3A_260] {strides = array<i32>} : memref<512x32xf32, #tpu.memory_space<vmem>>, vector<1x16xf32>,
      %swap3A_262 = vector.shape_cast %swap3A_261 : vector<1x16xf32> to vector<16xf32>
      %swap3A_263 = vector.shape_cast %get3A_256 : vector<16xf32> to vector<1x16xf32>
      tpu.vector_store %arg8[%swap3A_259, %swap3A_260], %swap3A_263 {strides = array<i32>} : memref<512x32xf32, #tpu.memory_space<vmem>>, vector<1x16xf32>,
      %add3A_264 = arith.constant 16 : i32
      %add3A_265 = arith.addi %mul3A_250, %add3A_264 : i32
      %get3A_266 = arith.index_cast %add3A_244 : i32 to index
      %get3A_267 = arith.index_cast %add3A_265 : i32 to index
      %get3A_268 = tpu.vector_load %arg7[%get3A_266, %get3A_267] {strides = array<i32>} : memref<128x128xf32, #tpu.memory_space<vmem>>, vector<1x16xf32>,
      %get3A_269 = vector.shape_cast %get3A_268 : vector<1x16xf32> to vector<16xf32>
      %add3A_270 = arith.constant 256 : i32
      %add3A_271 = arith.addi %add3A_270, %add3A_244 : i32
      %swap3A_272 = arith.index_cast %add3A_271 : i32 to index
      %swap3A_273 = arith.constant 16 : index
      %swap3A_274 = tpu.vector_load %arg8[%swap3A_272, %swap3A_273] {strides = array<i32>} : memref<512x32xf32, #tpu.memory_space<vmem>>, vector<1x16xf32>,
      %swap3A_275 = vector.shape_cast %swap3A_274 : vector<1x16xf32> to vector<16xf32>
      %swap3A_276 = vector.shape_cast %get3A_269 : vector<16xf32> to vector<1x16xf32>
      tpu.vector_store %arg8[%swap3A_272, %swap3A_273], %swap3A_276 {strides = array<i32>} : memref<512x32xf32, #tpu.memory_space<vmem>>, vector<1x16xf32>,
      %add3A_277 = arith.constant 5 : i32
      %add3A_278 = arith.addi %mul3A_106, %add3A_277 : i32
      %slice3A_279 = vector.extract_strided_slice %get3A_110 {offsets = [5], sizes = [1], strides = [1]} : vector<16xi32> to vector<1xi32>
      %squeeze3A_280 = vector.extract %slice3A_279[0] : i32 from vector<1xi32>
      %and3A_281 = arith.constant 3 : i32
      %and3A_282 = arith.andi %squeeze3A_280, %and3A_281 : i32
      %mul3A_283 = arith.constant 32 : i32
      %mul3A_284 = arith.muli %and3A_282, %mul3A_283 : i32
      %add3A_285 = arith.constant 0 : i32
      %add3A_286 = arith.addi %mul3A_284, %add3A_285 : i32
      %get3A_287 = arith.index_cast %add3A_278 : i32 to index
      %get3A_288 = arith.index_cast %add3A_286 : i32 to index
      %get3A_289 = tpu.vector_load %arg7[%get3A_287, %get3A_288] {strides = array<i32>} : memref<128x128xf32, #tpu.memory_space<vmem>>, vector<1x16xf32>,
      %get3A_290 = vector.shape_cast %get3A_289 : vector<1x16xf32> to vector<16xf32>
      %add3A_291 = arith.constant 256 : i32
      %add3A_292 = arith.addi %add3A_291, %add3A_278 : i32
      %swap3A_293 = arith.index_cast %add3A_292 : i32 to index
      %swap3A_294 = arith.constant 0 : index
      %swap3A_295 = tpu.vector_load %arg8[%swap3A_293, %swap3A_294] {strides = array<i32>} : memref<512x32xf32, #tpu.memory_space<vmem>>, vector<1x16xf32>,
      %swap3A_296 = vector.shape_cast %swap3A_295 : vector<1x16xf32> to vector<16xf32>
      %swap3A_297 = vector.shape_cast %get3A_290 : vector<16xf32> to vector<1x16xf32>
      tpu.vector_store %arg8[%swap3A_293, %swap3A_294], %swap3A_297 {strides = array<i32>} : memref<512x32xf32, #tpu.memory_space<vmem>>, vector<1x16xf32>,
      %add3A_298 = arith.constant 16 : i32
      %add3A_299 = arith.addi %mul3A_284, %add3A_298 : i32
      %get3A_300 = arith.index_cast %add3A_278 : i32 to index
      %get3A_301 = arith.index_cast %add3A_299 : i32 to index
      %get3A_302 = tpu.vector_load %arg7[%get3A_300, %get3A_301] {strides = array<i32>} : memref<128x128xf32, #tpu.memory_space<vmem>>, vector<1x16xf32>,
      %get3A_303 = vector.shape_cast %get3A_302 : vector<1x16xf32> to vector<16xf32>
      %add3A_304 = arith.constant 256 : i32
      %add3A_305 = arith.addi %add3A_304, %add3A_278 : i32
      %swap3A_306 = arith.index_cast %add3A_305 : i32 to index
      %swap3A_307 = arith.constant 16 : index
      %swap3A_308 = tpu.vector_load %arg8[%swap3A_306, %swap3A_307] {strides = array<i32>} : memref<512x32xf32, #tpu.memory_space<vmem>>, vector<1x16xf32>,
      %swap3A_309 = vector.shape_cast %swap3A_308 : vector<1x16xf32> to vector<16xf32>
      %swap3A_310 = vector.shape_cast %get3A_303 : vector<16xf32> to vector<1x16xf32>
      tpu.vector_store %arg8[%swap3A_306, %swap3A_307], %swap3A_310 {strides = array<i32>} : memref<512x32xf32, #tpu.memory_space<vmem>>, vector<1x16xf32>,
      %add3A_311 = arith.constant 6 : i32
      %add3A_312 = arith.addi %mul3A_106, %add3A_311 : i32
      %slice3A_313 = vector.extract_strided_slice %get3A_110 {offsets = [6], sizes = [1], strides = [1]} : vector<16xi32> to vector<1xi32>
      %squeeze3A_314 = vector.extract %slice3A_313[0] : i32 from vector<1xi32>
      %and3A_315 = arith.constant 3 : i32
      %and3A_316 = arith.andi %squeeze3A_314, %and3A_315 : i32
      %mul3A_317 = arith.constant 32 : i32
      %mul3A_318 = arith.muli %and3A_316, %mul3A_317 : i32
      %add3A_319 = arith.constant 0 : i32
      %add3A_320 = arith.addi %mul3A_318, %add3A_319 : i32
      %get3A_321 = arith.index_cast %add3A_312 : i32 to index
      %get3A_322 = arith.index_cast %add3A_320 : i32 to index
      %get3A_323 = tpu.vector_load %arg7[%get3A_321, %get3A_322] {strides = array<i32>} : memref<128x128xf32, #tpu.memory_space<vmem>>, vector<1x16xf32>,
      %get3A_324 = vector.shape_cast %get3A_323 : vector<1x16xf32> to vector<16xf32>
      %add3A_325 = arith.constant 256 : i32
      %add3A_326 = arith.addi %add3A_325, %add3A_312 : i32
      %swap3A_327 = arith.index_cast %add3A_326 : i32 to index
      %swap3A_328 = arith.constant 0 : index
      %swap3A_329 = tpu.vector_load %arg8[%swap3A_327, %swap3A_328] {strides = array<i32>} : memref<512x32xf32, #tpu.memory_space<vmem>>, vector<1x16xf32>,
      %swap3A_330 = vector.shape_cast %swap3A_329 : vector<1x16xf32> to vector<16xf32>
      %swap3A_331 = vector.shape_cast %get3A_324 : vector<16xf32> to vector<1x16xf32>
      tpu.vector_store %arg8[%swap3A_327, %swap3A_328], %swap3A_331 {strides = array<i32>} : memref<512x32xf32, #tpu.memory_space<vmem>>, vector<1x16xf32>,
      %add3A_332 = arith.constant 16 : i32
      %add3A_333 = arith.addi %mul3A_318, %add3A_332 : i32
      %get3A_334 = arith.index_cast %add3A_312 : i32 to index
      %get3A_335 = arith.index_cast %add3A_333 : i32 to index
      %get3A_336 = tpu.vector_load %arg7[%get3A_334, %get3A_335] {strides = array<i32>} : memref<128x128xf32, #tpu.memory_space<vmem>>, vector<1x16xf32>,
      %get3A_337 = vector.shape_cast %get3A_336 : vector<1x16xf32> to vector<16xf32>
      %add3A_338 = arith.constant 256 : i32
      %add3A_339 = arith.addi %add3A_338, %add3A_312 : i32
      %swap3A_340 = arith.index_cast %add3A_339 : i32 to index
      %swap3A_341 = arith.constant 16 : index
      %swap3A_342 = tpu.vector_load %arg8[%swap3A_340, %swap3A_341] {strides = array<i32>} : memref<512x32xf32, #tpu.memory_space<vmem>>, vector<1x16xf32>,
      %swap3A_343 = vector.shape_cast %swap3A_342 : vector<1x16xf32> to vector<16xf32>
      %swap3A_344 = vector.shape_cast %get3A_337 : vector<16xf32> to vector<1x16xf32>
      tpu.vector_store %arg8[%swap3A_340, %swap3A_341], %swap3A_344 {strides = array<i32>} : memref<512x32xf32, #tpu.memory_space<vmem>>, vector<1x16xf32>,
      %add3A_345 = arith.constant 7 : i32
      %add3A_346 = arith.addi %mul3A_106, %add3A_345 : i32
      %slice3A_347 = vector.extract_strided_slice %get3A_110 {offsets = [7], sizes = [1], strides = [1]} : vector<16xi32> to vector<1xi32>
      %squeeze3A_348 = vector.extract %slice3A_347[0] : i32 from vector<1xi32>
      %and3A_349 = arith.constant 3 : i32
      %and3A_350 = arith.andi %squeeze3A_348, %and3A_349 : i32
      %mul3A_351 = arith.constant 32 : i32
      %mul3A_352 = arith.muli %and3A_350, %mul3A_351 : i32
      %add3A_353 = arith.constant 0 : i32
      %add3A_354 = arith.addi %mul3A_352, %add3A_353 : i32
      %get3A_355 = arith.index_cast %add3A_346 : i32 to index
      %get3A_356 = arith.index_cast %add3A_354 : i32 to index
      %get3A_357 = tpu.vector_load %arg7[%get3A_355, %get3A_356] {strides = array<i32>} : memref<128x128xf32, #tpu.memory_space<vmem>>, vector<1x16xf32>,
      %get3A_358 = vector.shape_cast %get3A_357 : vector<1x16xf32> to vector<16xf32>
      %add3A_359 = arith.constant 256 : i32
      %add3A_360 = arith.addi %add3A_359, %add3A_346 : i32
      %swap3A_361 = arith.index_cast %add3A_360 : i32 to index
      %swap3A_362 = arith.constant 0 : index
      %swap3A_363 = tpu.vector_load %arg8[%swap3A_361, %swap3A_362] {strides = array<i32>} : memref<512x32xf32, #tpu.memory_space<vmem>>, vector<1x16xf32>,
      %swap3A_364 = vector.shape_cast %swap3A_363 : vector<1x16xf32> to vector<16xf32>
      %swap3A_365 = vector.shape_cast %get3A_358 : vector<16xf32> to vector<1x16xf32>
      tpu.vector_store %arg8[%swap3A_361, %swap3A_362], %swap3A_365 {strides = array<i32>} : memref<512x32xf32, #tpu.memory_space<vmem>>, vector<1x16xf32>,
      %add3A_366 = arith.constant 16 : i32
      %add3A_367 = arith.addi %mul3A_352, %add3A_366 : i32
      %get3A_368 = arith.index_cast %add3A_346 : i32 to index
      %get3A_369 = arith.index_cast %add3A_367 : i32 to index
      %get3A_370 = tpu.vector_load %arg7[%get3A_368, %get3A_369] {strides = array<i32>} : memref<128x128xf32, #tpu.memory_space<vmem>>, vector<1x16xf32>,
      %get3A_371 = vector.shape_cast %get3A_370 : vector<1x16xf32> to vector<16xf32>
      %add3A_372 = arith.constant 256 : i32
      %add3A_373 = arith.addi %add3A_372, %add3A_346 : i32
      %swap3A_374 = arith.index_cast %add3A_373 : i32 to index
      %swap3A_375 = arith.constant 16 : index
      %swap3A_376 = tpu.vector_load %arg8[%swap3A_374, %swap3A_375] {strides = array<i32>} : memref<512x32xf32, #tpu.memory_space<vmem>>, vector<1x16xf32>,
      %swap3A_377 = vector.shape_cast %swap3A_376 : vector<1x16xf32> to vector<16xf32>
      %swap3A_378 = vector.shape_cast %get3A_371 : vector<16xf32> to vector<1x16xf32>
      tpu.vector_store %arg8[%swap3A_374, %swap3A_375], %swap3A_378 {strides = array<i32>} : memref<512x32xf32, #tpu.memory_space<vmem>>, vector<1x16xf32>,
      %add3A_379 = arith.constant 8 : i32
      %add3A_380 = arith.addi %mul3A_106, %add3A_379 : i32
      %slice3A_381 = vector.extract_strided_slice %get3A_110 {offsets = [8], sizes = [1], strides = [1]} : vector<16xi32> to vector<1xi32>
      %squeeze3A_382 = vector.extract %slice3A_381[0] : i32 from vector<1xi32>
      %and3A_383 = arith.constant 3 : i32
      %and3A_384 = arith.andi %squeeze3A_382, %and3A_383 : i32
      %mul3A_385 = arith.constant 32 : i32
      %mul3A_386 = arith.muli %and3A_384, %mul3A_385 : i32
      %add3A_387 = arith.constant 0 : i32
      %add3A_388 = arith.addi %mul3A_386, %add3A_387 : i32
      %get3A_389 = arith.index_cast %add3A_380 : i32 to index
      %get3A_390 = arith.index_cast %add3A_388 : i32 to index
      %get3A_391 = tpu.vector_load %arg7[%get3A_389, %get3A_390] {strides = array<i32>} : memref<128x128xf32, #tpu.memory_space<vmem>>, vector<1x16xf32>,
      %get3A_392 = vector.shape_cast %get3A_391 : vector<1x16xf32> to vector<16xf32>
      %add3A_393 = arith.constant 256 : i32
      %add3A_394 = arith.addi %add3A_393, %add3A_380 : i32
      %swap3A_395 = arith.index_cast %add3A_394 : i32 to index
      %swap3A_396 = arith.constant 0 : index
      %swap3A_397 = tpu.vector_load %arg8[%swap3A_395, %swap3A_396] {strides = array<i32>} : memref<512x32xf32, #tpu.memory_space<vmem>>, vector<1x16xf32>,
      %swap3A_398 = vector.shape_cast %swap3A_397 : vector<1x16xf32> to vector<16xf32>
      %swap3A_399 = vector.shape_cast %get3A_392 : vector<16xf32> to vector<1x16xf32>
      tpu.vector_store %arg8[%swap3A_395, %swap3A_396], %swap3A_399 {strides = array<i32>} : memref<512x32xf32, #tpu.memory_space<vmem>>, vector<1x16xf32>,
      %add3A_400 = arith.constant 16 : i32
      %add3A_401 = arith.addi %mul3A_386, %add3A_400 : i32
      %get3A_402 = arith.index_cast %add3A_380 : i32 to index
      %get3A_403 = arith.index_cast %add3A_401 : i32 to index
      %get3A_404 = tpu.vector_load %arg7[%get3A_402, %get3A_403] {strides = array<i32>} : memref<128x128xf32, #tpu.memory_space<vmem>>, vector<1x16xf32>,
      %get3A_405 = vector.shape_cast %get3A_404 : vector<1x16xf32> to vector<16xf32>
      %add3A_406 = arith.constant 256 : i32
      %add3A_407 = arith.addi %add3A_406, %add3A_380 : i32
      %swap3A_408 = arith.index_cast %add3A_407 : i32 to index
      %swap3A_409 = arith.constant 16 : index
      %swap3A_410 = tpu.vector_load %arg8[%swap3A_408, %swap3A_409] {strides = array<i32>} : memref<512x32xf32, #tpu.memory_space<vmem>>, vector<1x16xf32>,
      %swap3A_411 = vector.shape_cast %swap3A_410 : vector<1x16xf32> to vector<16xf32>
      %swap3A_412 = vector.shape_cast %get3A_405 : vector<16xf32> to vector<1x16xf32>
      tpu.vector_store %arg8[%swap3A_408, %swap3A_409], %swap3A_412 {strides = array<i32>} : memref<512x32xf32, #tpu.memory_space<vmem>>, vector<1x16xf32>,
      %add3A_413 = arith.constant 9 : i32
      %add3A_414 = arith.addi %mul3A_106, %add3A_413 : i32
      %slice3A_415 = vector.extract_strided_slice %get3A_110 {offsets = [9], sizes = [1], strides = [1]} : vector<16xi32> to vector<1xi32>
      %squeeze3A_416 = vector.extract %slice3A_415[0] : i32 from vector<1xi32>
      %and3A_417 = arith.constant 3 : i32
      %and3A_418 = arith.andi %squeeze3A_416, %and3A_417 : i32
      %mul3A_419 = arith.constant 32 : i32
      %mul3A_420 = arith.muli %and3A_418, %mul3A_419 : i32
      %add3A_421 = arith.constant 0 : i32
      %add3A_422 = arith.addi %mul3A_420, %add3A_421 : i32
      %get3A_423 = arith.index_cast %add3A_414 : i32 to index
      %get3A_424 = arith.index_cast %add3A_422 : i32 to index
      %get3A_425 = tpu.vector_load %arg7[%get3A_423, %get3A_424] {strides = array<i32>} : memref<128x128xf32, #tpu.memory_space<vmem>>, vector<1x16xf32>,
      %get3A_426 = vector.shape_cast %get3A_425 : vector<1x16xf32> to vector<16xf32>
      %add3A_427 = arith.constant 256 : i32
      %add3A_428 = arith.addi %add3A_427, %add3A_414 : i32
      %swap3A_429 = arith.index_cast %add3A_428 : i32 to index
      %swap3A_430 = arith.constant 0 : index
      %swap3A_431 = tpu.vector_load %arg8[%swap3A_429, %swap3A_430] {strides = array<i32>} : memref<512x32xf32, #tpu.memory_space<vmem>>, vector<1x16xf32>,
      %swap3A_432 = vector.shape_cast %swap3A_431 : vector<1x16xf32> to vector<16xf32>
      %swap3A_433 = vector.shape_cast %get3A_426 : vector<16xf32> to vector<1x16xf32>
      tpu.vector_store %arg8[%swap3A_429, %swap3A_430], %swap3A_433 {strides = array<i32>} : memref<512x32xf32, #tpu.memory_space<vmem>>, vector<1x16xf32>,
      %add3A_434 = arith.constant 16 : i32
      %add3A_435 = arith.addi %mul3A_420, %add3A_434 : i32
      %get3A_436 = arith.index_cast %add3A_414 : i32 to index
      %get3A_437 = arith.index_cast %add3A_435 : i32 to index
      %get3A_438 = tpu.vector_load %arg7[%get3A_436, %get3A_437] {strides = array<i32>} : memref<128x128xf32, #tpu.memory_space<vmem>>, vector<1x16xf32>,
      %get3A_439 = vector.shape_cast %get3A_438 : vector<1x16xf32> to vector<16xf32>
      %add3A_440 = arith.constant 256 : i32
      %add3A_441 = arith.addi %add3A_440, %add3A_414 : i32
      %swap3A_442 = arith.index_cast %add3A_441 : i32 to index
      %swap3A_443 = arith.constant 16 : index
      %swap3A_444 = tpu.vector_load %arg8[%swap3A_442, %swap3A_443] {strides = array<i32>} : memref<512x32xf32, #tpu.memory_space<vmem>>, vector<1x16xf32>,
      %swap3A_445 = vector.shape_cast %swap3A_444 : vector<1x16xf32> to vector<16xf32>
      %swap3A_446 = vector.shape_cast %get3A_439 : vector<16xf32> to vector<1x16xf32>
      tpu.vector_store %arg8[%swap3A_442, %swap3A_443], %swap3A_446 {strides = array<i32>} : memref<512x32xf32, #tpu.memory_space<vmem>>, vector<1x16xf32>,
      %add3A_447 = arith.constant 10 : i32
      %add3A_448 = arith.addi %mul3A_106, %add3A_447 : i32
      %slice3A_449 = vector.extract_strided_slice %get3A_110 {offsets = [10], sizes = [1], strides = [1]} : vector<16xi32> to vector<1xi32>
      %squeeze3A_450 = vector.extract %slice3A_449[0] : i32 from vector<1xi32>
      %and3A_451 = arith.constant 3 : i32
      %and3A_452 = arith.andi %squeeze3A_450, %and3A_451 : i32
      %mul3A_453 = arith.constant 32 : i32
      %mul3A_454 = arith.muli %and3A_452, %mul3A_453 : i32
      %add3A_455 = arith.constant 0 : i32
      %add3A_456 = arith.addi %mul3A_454, %add3A_455 : i32
      %get3A_457 = arith.index_cast %add3A_448 : i32 to index
      %get3A_458 = arith.index_cast %add3A_456 : i32 to index
      %get3A_459 = tpu.vector_load %arg7[%get3A_457, %get3A_458] {strides = array<i32>} : memref<128x128xf32, #tpu.memory_space<vmem>>, vector<1x16xf32>,
      %get3A_460 = vector.shape_cast %get3A_459 : vector<1x16xf32> to vector<16xf32>
      %add3A_461 = arith.constant 256 : i32
      %add3A_462 = arith.addi %add3A_461, %add3A_448 : i32
      %swap3A_463 = arith.index_cast %add3A_462 : i32 to index
      %swap3A_464 = arith.constant 0 : index
      %swap3A_465 = tpu.vector_load %arg8[%swap3A_463, %swap3A_464] {strides = array<i32>} : memref<512x32xf32, #tpu.memory_space<vmem>>, vector<1x16xf32>,
      %swap3A_466 = vector.shape_cast %swap3A_465 : vector<1x16xf32> to vector<16xf32>
      %swap3A_467 = vector.shape_cast %get3A_460 : vector<16xf32> to vector<1x16xf32>
      tpu.vector_store %arg8[%swap3A_463, %swap3A_464], %swap3A_467 {strides = array<i32>} : memref<512x32xf32, #tpu.memory_space<vmem>>, vector<1x16xf32>,
      %add3A_468 = arith.constant 16 : i32
      %add3A_469 = arith.addi %mul3A_454, %add3A_468 : i32
      %get3A_470 = arith.index_cast %add3A_448 : i32 to index
      %get3A_471 = arith.index_cast %add3A_469 : i32 to index
      %get3A_472 = tpu.vector_load %arg7[%get3A_470, %get3A_471] {strides = array<i32>} : memref<128x128xf32, #tpu.memory_space<vmem>>, vector<1x16xf32>,
      %get3A_473 = vector.shape_cast %get3A_472 : vector<1x16xf32> to vector<16xf32>
      %add3A_474 = arith.constant 256 : i32
      %add3A_475 = arith.addi %add3A_474, %add3A_448 : i32
      %swap3A_476 = arith.index_cast %add3A_475 : i32 to index
      %swap3A_477 = arith.constant 16 : index
      %swap3A_478 = tpu.vector_load %arg8[%swap3A_476, %swap3A_477] {strides = array<i32>} : memref<512x32xf32, #tpu.memory_space<vmem>>, vector<1x16xf32>,
      %swap3A_479 = vector.shape_cast %swap3A_478 : vector<1x16xf32> to vector<16xf32>
      %swap3A_480 = vector.shape_cast %get3A_473 : vector<16xf32> to vector<1x16xf32>
      tpu.vector_store %arg8[%swap3A_476, %swap3A_477], %swap3A_480 {strides = array<i32>} : memref<512x32xf32, #tpu.memory_space<vmem>>, vector<1x16xf32>,
      %add3A_481 = arith.constant 11 : i32
      %add3A_482 = arith.addi %mul3A_106, %add3A_481 : i32
      %slice3A_483 = vector.extract_strided_slice %get3A_110 {offsets = [11], sizes = [1], strides = [1]} : vector<16xi32> to vector<1xi32>
      %squeeze3A_484 = vector.extract %slice3A_483[0] : i32 from vector<1xi32>
      %and3A_485 = arith.constant 3 : i32
      %and3A_486 = arith.andi %squeeze3A_484, %and3A_485 : i32
      %mul3A_487 = arith.constant 32 : i32
      %mul3A_488 = arith.muli %and3A_486, %mul3A_487 : i32
      %add3A_489 = arith.constant 0 : i32
      %add3A_490 = arith.addi %mul3A_488, %add3A_489 : i32
      %get3A_491 = arith.index_cast %add3A_482 : i32 to index
      %get3A_492 = arith.index_cast %add3A_490 : i32 to index
      %get3A_493 = tpu.vector_load %arg7[%get3A_491, %get3A_492] {strides = array<i32>} : memref<128x128xf32, #tpu.memory_space<vmem>>, vector<1x16xf32>,
      %get3A_494 = vector.shape_cast %get3A_493 : vector<1x16xf32> to vector<16xf32>
      %add3A_495 = arith.constant 256 : i32
      %add3A_496 = arith.addi %add3A_495, %add3A_482 : i32
      %swap3A_497 = arith.index_cast %add3A_496 : i32 to index
      %swap3A_498 = arith.constant 0 : index
      %swap3A_499 = tpu.vector_load %arg8[%swap3A_497, %swap3A_498] {strides = array<i32>} : memref<512x32xf32, #tpu.memory_space<vmem>>, vector<1x16xf32>,
      %swap3A_500 = vector.shape_cast %swap3A_499 : vector<1x16xf32> to vector<16xf32>
      %swap3A_501 = vector.shape_cast %get3A_494 : vector<16xf32> to vector<1x16xf32>
      tpu.vector_store %arg8[%swap3A_497, %swap3A_498], %swap3A_501 {strides = array<i32>} : memref<512x32xf32, #tpu.memory_space<vmem>>, vector<1x16xf32>,
      %add3A_502 = arith.constant 16 : i32
      %add3A_503 = arith.addi %mul3A_488, %add3A_502 : i32
      %get3A_504 = arith.index_cast %add3A_482 : i32 to index
      %get3A_505 = arith.index_cast %add3A_503 : i32 to index
      %get3A_506 = tpu.vector_load %arg7[%get3A_504, %get3A_505] {strides = array<i32>} : memref<128x128xf32, #tpu.memory_space<vmem>>, vector<1x16xf32>,
      %get3A_507 = vector.shape_cast %get3A_506 : vector<1x16xf32> to vector<16xf32>
      %add3A_508 = arith.constant 256 : i32
      %add3A_509 = arith.addi %add3A_508, %add3A_482 : i32
      %swap3A_510 = arith.index_cast %add3A_509 : i32 to index
      %swap3A_511 = arith.constant 16 : index
      %swap3A_512 = tpu.vector_load %arg8[%swap3A_510, %swap3A_511] {strides = array<i32>} : memref<512x32xf32, #tpu.memory_space<vmem>>, vector<1x16xf32>,
      %swap3A_513 = vector.shape_cast %swap3A_512 : vector<1x16xf32> to vector<16xf32>
      %swap3A_514 = vector.shape_cast %get3A_507 : vector<16xf32> to vector<1x16xf32>
      tpu.vector_store %arg8[%swap3A_510, %swap3A_511], %swap3A_514 {strides = array<i32>} : memref<512x32xf32, #tpu.memory_space<vmem>>, vector<1x16xf32>,
      %add3A_515 = arith.constant 12 : i32
      %add3A_516 = arith.addi %mul3A_106, %add3A_515 : i32
      %slice3A_517 = vector.extract_strided_slice %get3A_110 {offsets = [12], sizes = [1], strides = [1]} : vector<16xi32> to vector<1xi32>
      %squeeze3A_518 = vector.extract %slice3A_517[0] : i32 from vector<1xi32>
      %and3A_519 = arith.constant 3 : i32
      %and3A_520 = arith.andi %squeeze3A_518, %and3A_519 : i32
      %mul3A_521 = arith.constant 32 : i32
      %mul3A_522 = arith.muli %and3A_520, %mul3A_521 : i32
      %add3A_523 = arith.constant 0 : i32
      %add3A_524 = arith.addi %mul3A_522, %add3A_523 : i32
      %get3A_525 = arith.index_cast %add3A_516 : i32 to index
      %get3A_526 = arith.index_cast %add3A_524 : i32 to index
      %get3A_527 = tpu.vector_load %arg7[%get3A_525, %get3A_526] {strides = array<i32>} : memref<128x128xf32, #tpu.memory_space<vmem>>, vector<1x16xf32>,
      %get3A_528 = vector.shape_cast %get3A_527 : vector<1x16xf32> to vector<16xf32>
      %add3A_529 = arith.constant 256 : i32
      %add3A_530 = arith.addi %add3A_529, %add3A_516 : i32
      %swap3A_531 = arith.index_cast %add3A_530 : i32 to index
      %swap3A_532 = arith.constant 0 : index
      %swap3A_533 = tpu.vector_load %arg8[%swap3A_531, %swap3A_532] {strides = array<i32>} : memref<512x32xf32, #tpu.memory_space<vmem>>, vector<1x16xf32>,
      %swap3A_534 = vector.shape_cast %swap3A_533 : vector<1x16xf32> to vector<16xf32>
      %swap3A_535 = vector.shape_cast %get3A_528 : vector<16xf32> to vector<1x16xf32>
      tpu.vector_store %arg8[%swap3A_531, %swap3A_532], %swap3A_535 {strides = array<i32>} : memref<512x32xf32, #tpu.memory_space<vmem>>, vector<1x16xf32>,
      %add3A_536 = arith.constant 16 : i32
      %add3A_537 = arith.addi %mul3A_522, %add3A_536 : i32
      %get3A_538 = arith.index_cast %add3A_516 : i32 to index
      %get3A_539 = arith.index_cast %add3A_537 : i32 to index
      %get3A_540 = tpu.vector_load %arg7[%get3A_538, %get3A_539] {strides = array<i32>} : memref<128x128xf32, #tpu.memory_space<vmem>>, vector<1x16xf32>,
      %get3A_541 = vector.shape_cast %get3A_540 : vector<1x16xf32> to vector<16xf32>
      %add3A_542 = arith.constant 256 : i32
      %add3A_543 = arith.addi %add3A_542, %add3A_516 : i32
      %swap3A_544 = arith.index_cast %add3A_543 : i32 to index
      %swap3A_545 = arith.constant 16 : index
      %swap3A_546 = tpu.vector_load %arg8[%swap3A_544, %swap3A_545] {strides = array<i32>} : memref<512x32xf32, #tpu.memory_space<vmem>>, vector<1x16xf32>,
      %swap3A_547 = vector.shape_cast %swap3A_546 : vector<1x16xf32> to vector<16xf32>
      %swap3A_548 = vector.shape_cast %get3A_541 : vector<16xf32> to vector<1x16xf32>
      tpu.vector_store %arg8[%swap3A_544, %swap3A_545], %swap3A_548 {strides = array<i32>} : memref<512x32xf32, #tpu.memory_space<vmem>>, vector<1x16xf32>,
      %add3A_549 = arith.constant 13 : i32
      %add3A_550 = arith.addi %mul3A_106, %add3A_549 : i32
      %slice3A_551 = vector.extract_strided_slice %get3A_110 {offsets = [13], sizes = [1], strides = [1]} : vector<16xi32> to vector<1xi32>
      %squeeze3A_552 = vector.extract %slice3A_551[0] : i32 from vector<1xi32>
      %and3A_553 = arith.constant 3 : i32
      %and3A_554 = arith.andi %squeeze3A_552, %and3A_553 : i32
      %mul3A_555 = arith.constant 32 : i32
      %mul3A_556 = arith.muli %and3A_554, %mul3A_555 : i32
      %add3A_557 = arith.constant 0 : i32
      %add3A_558 = arith.addi %mul3A_556, %add3A_557 : i32
      %get3A_559 = arith.index_cast %add3A_550 : i32 to index
      %get3A_560 = arith.index_cast %add3A_558 : i32 to index
      %get3A_561 = tpu.vector_load %arg7[%get3A_559, %get3A_560] {strides = array<i32>} : memref<128x128xf32, #tpu.memory_space<vmem>>, vector<1x16xf32>,
      %get3A_562 = vector.shape_cast %get3A_561 : vector<1x16xf32> to vector<16xf32>
      %add3A_563 = arith.constant 256 : i32
      %add3A_564 = arith.addi %add3A_563, %add3A_550 : i32
      %swap3A_565 = arith.index_cast %add3A_564 : i32 to index
      %swap3A_566 = arith.constant 0 : index
      %swap3A_567 = tpu.vector_load %arg8[%swap3A_565, %swap3A_566] {strides = array<i32>} : memref<512x32xf32, #tpu.memory_space<vmem>>, vector<1x16xf32>,
      %swap3A_568 = vector.shape_cast %swap3A_567 : vector<1x16xf32> to vector<16xf32>
      %swap3A_569 = vector.shape_cast %get3A_562 : vector<16xf32> to vector<1x16xf32>
      tpu.vector_store %arg8[%swap3A_565, %swap3A_566], %swap3A_569 {strides = array<i32>} : memref<512x32xf32, #tpu.memory_space<vmem>>, vector<1x16xf32>,
      %add3A_570 = arith.constant 16 : i32
      %add3A_571 = arith.addi %mul3A_556, %add3A_570 : i32
      %get3A_572 = arith.index_cast %add3A_550 : i32 to index
      %get3A_573 = arith.index_cast %add3A_571 : i32 to index
      %get3A_574 = tpu.vector_load %arg7[%get3A_572, %get3A_573] {strides = array<i32>} : memref<128x128xf32, #tpu.memory_space<vmem>>, vector<1x16xf32>,
      %get3A_575 = vector.shape_cast %get3A_574 : vector<1x16xf32> to vector<16xf32>
      %add3A_576 = arith.constant 256 : i32
      %add3A_577 = arith.addi %add3A_576, %add3A_550 : i32
      %swap3A_578 = arith.index_cast %add3A_577 : i32 to index
      %swap3A_579 = arith.constant 16 : index
      %swap3A_580 = tpu.vector_load %arg8[%swap3A_578, %swap3A_579] {strides = array<i32>} : memref<512x32xf32, #tpu.memory_space<vmem>>, vector<1x16xf32>,
      %swap3A_581 = vector.shape_cast %swap3A_580 : vector<1x16xf32> to vector<16xf32>
      %swap3A_582 = vector.shape_cast %get3A_575 : vector<16xf32> to vector<1x16xf32>
      tpu.vector_store %arg8[%swap3A_578, %swap3A_579], %swap3A_582 {strides = array<i32>} : memref<512x32xf32, #tpu.memory_space<vmem>>, vector<1x16xf32>,
      %add3A_583 = arith.constant 14 : i32
      %add3A_584 = arith.addi %mul3A_106, %add3A_583 : i32
      %slice3A_585 = vector.extract_strided_slice %get3A_110 {offsets = [14], sizes = [1], strides = [1]} : vector<16xi32> to vector<1xi32>
      %squeeze3A_586 = vector.extract %slice3A_585[0] : i32 from vector<1xi32>
      %and3A_587 = arith.constant 3 : i32
      %and3A_588 = arith.andi %squeeze3A_586, %and3A_587 : i32
      %mul3A_589 = arith.constant 32 : i32
      %mul3A_590 = arith.muli %and3A_588, %mul3A_589 : i32
      %add3A_591 = arith.constant 0 : i32
      %add3A_592 = arith.addi %mul3A_590, %add3A_591 : i32
      %get3A_593 = arith.index_cast %add3A_584 : i32 to index
      %get3A_594 = arith.index_cast %add3A_592 : i32 to index
      %get3A_595 = tpu.vector_load %arg7[%get3A_593, %get3A_594] {strides = array<i32>} : memref<128x128xf32, #tpu.memory_space<vmem>>, vector<1x16xf32>,
      %get3A_596 = vector.shape_cast %get3A_595 : vector<1x16xf32> to vector<16xf32>
      %add3A_597 = arith.constant 256 : i32
      %add3A_598 = arith.addi %add3A_597, %add3A_584 : i32
      %swap3A_599 = arith.index_cast %add3A_598 : i32 to index
      %swap3A_600 = arith.constant 0 : index
      %swap3A_601 = tpu.vector_load %arg8[%swap3A_599, %swap3A_600] {strides = array<i32>} : memref<512x32xf32, #tpu.memory_space<vmem>>, vector<1x16xf32>,
      %swap3A_602 = vector.shape_cast %swap3A_601 : vector<1x16xf32> to vector<16xf32>
      %swap3A_603 = vector.shape_cast %get3A_596 : vector<16xf32> to vector<1x16xf32>
      tpu.vector_store %arg8[%swap3A_599, %swap3A_600], %swap3A_603 {strides = array<i32>} : memref<512x32xf32, #tpu.memory_space<vmem>>, vector<1x16xf32>,
      %add3A_604 = arith.constant 16 : i32
      %add3A_605 = arith.addi %mul3A_590, %add3A_604 : i32
      %get3A_606 = arith.index_cast %add3A_584 : i32 to index
      %get3A_607 = arith.index_cast %add3A_605 : i32 to index
      %get3A_608 = tpu.vector_load %arg7[%get3A_606, %get3A_607] {strides = array<i32>} : memref<128x128xf32, #tpu.memory_space<vmem>>, vector<1x16xf32>,
      %get3A_609 = vector.shape_cast %get3A_608 : vector<1x16xf32> to vector<16xf32>
      %add3A_610 = arith.constant 256 : i32
      %add3A_611 = arith.addi %add3A_610, %add3A_584 : i32
      %swap3A_612 = arith.index_cast %add3A_611 : i32 to index
      %swap3A_613 = arith.constant 16 : index
      %swap3A_614 = tpu.vector_load %arg8[%swap3A_612, %swap3A_613] {strides = array<i32>} : memref<512x32xf32, #tpu.memory_space<vmem>>, vector<1x16xf32>,
      %swap3A_615 = vector.shape_cast %swap3A_614 : vector<1x16xf32> to vector<16xf32>
      %swap3A_616 = vector.shape_cast %get3A_609 : vector<16xf32> to vector<1x16xf32>
      tpu.vector_store %arg8[%swap3A_612, %swap3A_613], %swap3A_616 {strides = array<i32>} : memref<512x32xf32, #tpu.memory_space<vmem>>, vector<1x16xf32>,
      %add3A_617 = arith.constant 15 : i32
      %add3A_618 = arith.addi %mul3A_106, %add3A_617 : i32
      %slice3A_619 = vector.extract_strided_slice %get3A_110 {offsets = [15], sizes = [1], strides = [1]} : vector<16xi32> to vector<1xi32>
      %squeeze3A_620 = vector.extract %slice3A_619[0] : i32 from vector<1xi32>
      %and3A_621 = arith.constant 3 : i32
      %and3A_622 = arith.andi %squeeze3A_620, %and3A_621 : i32
      %mul3A_623 = arith.constant 32 : i32
      %mul3A_624 = arith.muli %and3A_622, %mul3A_623 : i32
      %add3A_625 = arith.constant 0 : i32
      %add3A_626 = arith.addi %mul3A_624, %add3A_625 : i32
      %get3A_627 = arith.index_cast %add3A_618 : i32 to index
      %get3A_628 = arith.index_cast %add3A_626 : i32 to index
      %get3A_629 = tpu.vector_load %arg7[%get3A_627, %get3A_628] {strides = array<i32>} : memref<128x128xf32, #tpu.memory_space<vmem>>, vector<1x16xf32>,
      %get3A_630 = vector.shape_cast %get3A_629 : vector<1x16xf32> to vector<16xf32>
      %add3A_631 = arith.constant 256 : i32
      %add3A_632 = arith.addi %add3A_631, %add3A_618 : i32
      %swap3A_633 = arith.index_cast %add3A_632 : i32 to index
      %swap3A_634 = arith.constant 0 : index
      %swap3A_635 = tpu.vector_load %arg8[%swap3A_633, %swap3A_634] {strides = array<i32>} : memref<512x32xf32, #tpu.memory_space<vmem>>, vector<1x16xf32>,
      %swap3A_636 = vector.shape_cast %swap3A_635 : vector<1x16xf32> to vector<16xf32>
      %swap3A_637 = vector.shape_cast %get3A_630 : vector<16xf32> to vector<1x16xf32>
      tpu.vector_store %arg8[%swap3A_633, %swap3A_634], %swap3A_637 {strides = array<i32>} : memref<512x32xf32, #tpu.memory_space<vmem>>, vector<1x16xf32>,
      %add3A_638 = arith.constant 16 : i32
      %add3A_639 = arith.addi %mul3A_624, %add3A_638 : i32
      %get3A_640 = arith.index_cast %add3A_618 : i32 to index
      %get3A_641 = arith.index_cast %add3A_639 : i32 to index
      %get3A_642 = tpu.vector_load %arg7[%get3A_640, %get3A_641] {strides = array<i32>} : memref<128x128xf32, #tpu.memory_space<vmem>>, vector<1x16xf32>,
      %get3A_643 = vector.shape_cast %get3A_642 : vector<1x16xf32> to vector<16xf32>
      %add3A_644 = arith.constant 256 : i32
      %add3A_645 = arith.addi %add3A_644, %add3A_618 : i32
      %swap3A_646 = arith.index_cast %add3A_645 : i32 to index
      %swap3A_647 = arith.constant 16 : index
      %swap3A_648 = tpu.vector_load %arg8[%swap3A_646, %swap3A_647] {strides = array<i32>} : memref<512x32xf32, #tpu.memory_space<vmem>>, vector<1x16xf32>,
      %swap3A_649 = vector.shape_cast %swap3A_648 : vector<1x16xf32> to vector<16xf32>
      %swap3A_650 = vector.shape_cast %get3A_643 : vector<16xf32> to vector<1x16xf32>
      tpu.vector_store %arg8[%swap3A_646, %swap3A_647], %swap3A_650 {strides = array<i32>} : memref<512x32xf32, #tpu.memory_space<vmem>>, vector<1x16xf32>,
    }
    %scan3A_83 = arith.constant 8 : i32
    %dma_start3A_84 = arith.constant 3 : i32
    %dma_start3A_85 = arith.constant 0 : i32
    %dma_start3A_86 = tpu.memref_slice %arg6[%dma_start3A_84, %dma_start3A_85] : memref<4x128xi32, #tpu.memory_space<vmem>> -> memref<1x128xi32, #tpu.memory_space<vmem>>
    %dma_start3A_87 = tpu.memref_squeeze %dma_start3A_86 : memref<1x128xi32, #tpu.memory_space<vmem>> -> memref<128xi32, #tpu.memory_space<vmem>>
    %dma_start3A_88 = arith.constant 0 : i32
    %dma_start3A_89 = arith.constant 0 : i32
    %dma_start3A_90 = tpu.memref_slice %arg3[%dma_start3A_88, %dma_start3A_89] : memref<250000x128xf32, #tpu.memory_space<hbm>> -> memref<250000x128xf32, #tpu.memory_space<hbm>>
    tpu.enqueue_indirect_dma source(%dma_start3A_90 : memref<250000x128xf32, #tpu.memory_space<hbm>>) target(%arg7 : memref<128x128xf32, #tpu.memory_space<vmem>>) offsets(%dma_start3A_87 : memref<128xi32, #tpu.memory_space<vmem>>) semaphore(%arg9 : memref<!tpu.dma_semaphore, #tpu.memory_space<semaphore_mem>>)
    %dma_wait3A_91 = arith.constant 3 : i32
    %dma_wait3A_92 = arith.constant 0 : i32
    %dma_wait3A_93 = tpu.memref_slice %arg6[%dma_wait3A_91, %dma_wait3A_92] : memref<4x128xi32, #tpu.memory_space<vmem>> -> memref<1x128xi32, #tpu.memory_space<vmem>>
    %dma_wait3A_94 = tpu.memref_squeeze %dma_wait3A_93 : memref<1x128xi32, #tpu.memory_space<vmem>> -> memref<128xi32, #tpu.memory_space<vmem>>
    %dma_wait3A_95 = arith.constant 0 : i32
    %dma_wait3A_96 = arith.constant 0 : i32
    %dma_wait3A_97 = tpu.memref_slice %arg3[%dma_wait3A_95, %dma_wait3A_96] : memref<250000x128xf32, #tpu.memory_space<hbm>> -> memref<250000x128xf32, #tpu.memory_space<hbm>>
    tpu.wait_indirect_dma semaphore(%arg9 : memref<!tpu.dma_semaphore, #tpu.memory_space<semaphore_mem>>) src(%dma_wait3A_97 : memref<250000x128xf32, #tpu.memory_space<hbm>>) dst(%arg7 : memref<128x128xf32, #tpu.memory_space<vmem>>)
    %scan3A_98 = arith.constant 0 : i32
    %scan3A_99 = arith.constant 0 : i32
    %scan3A_100 = arith.constant 8 : i32
    %scan3A_101 = arith.addi %scan3A_99, %scan3A_100 : i32
    %scan3A_102 = arith.constant 1 : i32
    scf.for %scan3A_104 = %scan3A_99 to %scan3A_101 step %scan3A_102  : i32 {
      %mul3A_105 = arith.constant 16 : i32
      %mul3A_106 = arith.muli %scan3A_104, %mul3A_105 : i32
      %add3A_107 = arith.constant 384 : i32
      %add3A_108 = arith.addi %add3A_107, %mul3A_106 : i32
      %get3A = arith.index_cast %add3A_108 : i32 to index
      %get3A_109 = tpu.vector_load %arg5[%get3A] {strides = array<i32>} : memref<512xi32, #tpu.memory_space<vmem>>, vector<16xi32>,
      %get3A_110 = vector.shape_cast %get3A_109 : vector<16xi32> to vector<16xi32>
      %add3A_111 = arith.constant 0 : i32
      %add3A_112 = arith.addi %mul3A_106, %add3A_111 : i32
      %slice3A = vector.extract_strided_slice %get3A_110 {offsets = [0], sizes = [1], strides = [1]} : vector<16xi32> to vector<1xi32>
      %squeeze3A = vector.extract %slice3A[0] : i32 from vector<1xi32>
      %and3A = arith.constant 3 : i32
      %and3A_113 = arith.andi %squeeze3A, %and3A : i32
      %mul3A_114 = arith.constant 32 : i32
      %mul3A_115 = arith.muli %and3A_113, %mul3A_114 : i32
      %add3A_116 = arith.constant 0 : i32
      %add3A_117 = arith.addi %mul3A_115, %add3A_116 : i32
      %get3A_118 = arith.index_cast %add3A_112 : i32 to index
      %get3A_119 = arith.index_cast %add3A_117 : i32 to index
      %get3A_120 = tpu.vector_load %arg7[%get3A_118, %get3A_119] {strides = array<i32>} : memref<128x128xf32, #tpu.memory_space<vmem>>, vector<1x16xf32>,
      %get3A_121 = vector.shape_cast %get3A_120 : vector<1x16xf32> to vector<16xf32>
      %add3A_122 = arith.constant 384 : i32
      %add3A_123 = arith.addi %add3A_122, %add3A_112 : i32
      %swap3A = arith.index_cast %add3A_123 : i32 to index
      %swap3A_124 = arith.constant 0 : index
      %swap3A_125 = tpu.vector_load %arg8[%swap3A, %swap3A_124] {strides = array<i32>} : memref<512x32xf32, #tpu.memory_space<vmem>>, vector<1x16xf32>,
      %swap3A_126 = vector.shape_cast %swap3A_125 : vector<1x16xf32> to vector<16xf32>
      %swap3A_127 = vector.shape_cast %get3A_121 : vector<16xf32> to vector<1x16xf32>
      tpu.vector_store %arg8[%swap3A, %swap3A_124], %swap3A_127 {strides = array<i32>} : memref<512x32xf32, #tpu.memory_space<vmem>>, vector<1x16xf32>,
      %add3A_128 = arith.constant 16 : i32
      %add3A_129 = arith.addi %mul3A_115, %add3A_128 : i32
      %get3A_130 = arith.index_cast %add3A_112 : i32 to index
      %get3A_131 = arith.index_cast %add3A_129 : i32 to index
      %get3A_132 = tpu.vector_load %arg7[%get3A_130, %get3A_131] {strides = array<i32>} : memref<128x128xf32, #tpu.memory_space<vmem>>, vector<1x16xf32>,
      %get3A_133 = vector.shape_cast %get3A_132 : vector<1x16xf32> to vector<16xf32>
      %add3A_134 = arith.constant 384 : i32
      %add3A_135 = arith.addi %add3A_134, %add3A_112 : i32
      %swap3A_136 = arith.index_cast %add3A_135 : i32 to index
      %swap3A_137 = arith.constant 16 : index
      %swap3A_138 = tpu.vector_load %arg8[%swap3A_136, %swap3A_137] {strides = array<i32>} : memref<512x32xf32, #tpu.memory_space<vmem>>, vector<1x16xf32>,
      %swap3A_139 = vector.shape_cast %swap3A_138 : vector<1x16xf32> to vector<16xf32>
      %swap3A_140 = vector.shape_cast %get3A_133 : vector<16xf32> to vector<1x16xf32>
      tpu.vector_store %arg8[%swap3A_136, %swap3A_137], %swap3A_140 {strides = array<i32>} : memref<512x32xf32, #tpu.memory_space<vmem>>, vector<1x16xf32>,
      %add3A_141 = arith.constant 1 : i32
      %add3A_142 = arith.addi %mul3A_106, %add3A_141 : i32
      %slice3A_143 = vector.extract_strided_slice %get3A_110 {offsets = [1], sizes = [1], strides = [1]} : vector<16xi32> to vector<1xi32>
      %squeeze3A_144 = vector.extract %slice3A_143[0] : i32 from vector<1xi32>
      %and3A_145 = arith.constant 3 : i32
      %and3A_146 = arith.andi %squeeze3A_144, %and3A_145 : i32
      %mul3A_147 = arith.constant 32 : i32
      %mul3A_148 = arith.muli %and3A_146, %mul3A_147 : i32
      %add3A_149 = arith.constant 0 : i32
      %add3A_150 = arith.addi %mul3A_148, %add3A_149 : i32
      %get3A_151 = arith.index_cast %add3A_142 : i32 to index
      %get3A_152 = arith.index_cast %add3A_150 : i32 to index
      %get3A_153 = tpu.vector_load %arg7[%get3A_151, %get3A_152] {strides = array<i32>} : memref<128x128xf32, #tpu.memory_space<vmem>>, vector<1x16xf32>,
      %get3A_154 = vector.shape_cast %get3A_153 : vector<1x16xf32> to vector<16xf32>
      %add3A_155 = arith.constant 384 : i32
      %add3A_156 = arith.addi %add3A_155, %add3A_142 : i32
      %swap3A_157 = arith.index_cast %add3A_156 : i32 to index
      %swap3A_158 = arith.constant 0 : index
      %swap3A_159 = tpu.vector_load %arg8[%swap3A_157, %swap3A_158] {strides = array<i32>} : memref<512x32xf32, #tpu.memory_space<vmem>>, vector<1x16xf32>,
      %swap3A_160 = vector.shape_cast %swap3A_159 : vector<1x16xf32> to vector<16xf32>
      %swap3A_161 = vector.shape_cast %get3A_154 : vector<16xf32> to vector<1x16xf32>
      tpu.vector_store %arg8[%swap3A_157, %swap3A_158], %swap3A_161 {strides = array<i32>} : memref<512x32xf32, #tpu.memory_space<vmem>>, vector<1x16xf32>,
      %add3A_162 = arith.constant 16 : i32
      %add3A_163 = arith.addi %mul3A_148, %add3A_162 : i32
      %get3A_164 = arith.index_cast %add3A_142 : i32 to index
      %get3A_165 = arith.index_cast %add3A_163 : i32 to index
      %get3A_166 = tpu.vector_load %arg7[%get3A_164, %get3A_165] {strides = array<i32>} : memref<128x128xf32, #tpu.memory_space<vmem>>, vector<1x16xf32>,
      %get3A_167 = vector.shape_cast %get3A_166 : vector<1x16xf32> to vector<16xf32>
      %add3A_168 = arith.constant 384 : i32
      %add3A_169 = arith.addi %add3A_168, %add3A_142 : i32
      %swap3A_170 = arith.index_cast %add3A_169 : i32 to index
      %swap3A_171 = arith.constant 16 : index
      %swap3A_172 = tpu.vector_load %arg8[%swap3A_170, %swap3A_171] {strides = array<i32>} : memref<512x32xf32, #tpu.memory_space<vmem>>, vector<1x16xf32>,
      %swap3A_173 = vector.shape_cast %swap3A_172 : vector<1x16xf32> to vector<16xf32>
      %swap3A_174 = vector.shape_cast %get3A_167 : vector<16xf32> to vector<1x16xf32>
      tpu.vector_store %arg8[%swap3A_170, %swap3A_171], %swap3A_174 {strides = array<i32>} : memref<512x32xf32, #tpu.memory_space<vmem>>, vector<1x16xf32>,
      %add3A_175 = arith.constant 2 : i32
      %add3A_176 = arith.addi %mul3A_106, %add3A_175 : i32
      %slice3A_177 = vector.extract_strided_slice %get3A_110 {offsets = [2], sizes = [1], strides = [1]} : vector<16xi32> to vector<1xi32>
      %squeeze3A_178 = vector.extract %slice3A_177[0] : i32 from vector<1xi32>
      %and3A_179 = arith.constant 3 : i32
      %and3A_180 = arith.andi %squeeze3A_178, %and3A_179 : i32
      %mul3A_181 = arith.constant 32 : i32
      %mul3A_182 = arith.muli %and3A_180, %mul3A_181 : i32
      %add3A_183 = arith.constant 0 : i32
      %add3A_184 = arith.addi %mul3A_182, %add3A_183 : i32
      %get3A_185 = arith.index_cast %add3A_176 : i32 to index
      %get3A_186 = arith.index_cast %add3A_184 : i32 to index
      %get3A_187 = tpu.vector_load %arg7[%get3A_185, %get3A_186] {strides = array<i32>} : memref<128x128xf32, #tpu.memory_space<vmem>>, vector<1x16xf32>,
      %get3A_188 = vector.shape_cast %get3A_187 : vector<1x16xf32> to vector<16xf32>
      %add3A_189 = arith.constant 384 : i32
      %add3A_190 = arith.addi %add3A_189, %add3A_176 : i32
      %swap3A_191 = arith.index_cast %add3A_190 : i32 to index
      %swap3A_192 = arith.constant 0 : index
      %swap3A_193 = tpu.vector_load %arg8[%swap3A_191, %swap3A_192] {strides = array<i32>} : memref<512x32xf32, #tpu.memory_space<vmem>>, vector<1x16xf32>,
      %swap3A_194 = vector.shape_cast %swap3A_193 : vector<1x16xf32> to vector<16xf32>
      %swap3A_195 = vector.shape_cast %get3A_188 : vector<16xf32> to vector<1x16xf32>
      tpu.vector_store %arg8[%swap3A_191, %swap3A_192], %swap3A_195 {strides = array<i32>} : memref<512x32xf32, #tpu.memory_space<vmem>>, vector<1x16xf32>,
      %add3A_196 = arith.constant 16 : i32
      %add3A_197 = arith.addi %mul3A_182, %add3A_196 : i32
      %get3A_198 = arith.index_cast %add3A_176 : i32 to index
      %get3A_199 = arith.index_cast %add3A_197 : i32 to index
      %get3A_200 = tpu.vector_load %arg7[%get3A_198, %get3A_199] {strides = array<i32>} : memref<128x128xf32, #tpu.memory_space<vmem>>, vector<1x16xf32>,
      %get3A_201 = vector.shape_cast %get3A_200 : vector<1x16xf32> to vector<16xf32>
      %add3A_202 = arith.constant 384 : i32
      %add3A_203 = arith.addi %add3A_202, %add3A_176 : i32
      %swap3A_204 = arith.index_cast %add3A_203 : i32 to index
      %swap3A_205 = arith.constant 16 : index
      %swap3A_206 = tpu.vector_load %arg8[%swap3A_204, %swap3A_205] {strides = array<i32>} : memref<512x32xf32, #tpu.memory_space<vmem>>, vector<1x16xf32>,
      %swap3A_207 = vector.shape_cast %swap3A_206 : vector<1x16xf32> to vector<16xf32>
      %swap3A_208 = vector.shape_cast %get3A_201 : vector<16xf32> to vector<1x16xf32>
      tpu.vector_store %arg8[%swap3A_204, %swap3A_205], %swap3A_208 {strides = array<i32>} : memref<512x32xf32, #tpu.memory_space<vmem>>, vector<1x16xf32>,
      %add3A_209 = arith.constant 3 : i32
      %add3A_210 = arith.addi %mul3A_106, %add3A_209 : i32
      %slice3A_211 = vector.extract_strided_slice %get3A_110 {offsets = [3], sizes = [1], strides = [1]} : vector<16xi32> to vector<1xi32>
      %squeeze3A_212 = vector.extract %slice3A_211[0] : i32 from vector<1xi32>
      %and3A_213 = arith.constant 3 : i32
      %and3A_214 = arith.andi %squeeze3A_212, %and3A_213 : i32
      %mul3A_215 = arith.constant 32 : i32
      %mul3A_216 = arith.muli %and3A_214, %mul3A_215 : i32
      %add3A_217 = arith.constant 0 : i32
      %add3A_218 = arith.addi %mul3A_216, %add3A_217 : i32
      %get3A_219 = arith.index_cast %add3A_210 : i32 to index
      %get3A_220 = arith.index_cast %add3A_218 : i32 to index
      %get3A_221 = tpu.vector_load %arg7[%get3A_219, %get3A_220] {strides = array<i32>} : memref<128x128xf32, #tpu.memory_space<vmem>>, vector<1x16xf32>,
      %get3A_222 = vector.shape_cast %get3A_221 : vector<1x16xf32> to vector<16xf32>
      %add3A_223 = arith.constant 384 : i32
      %add3A_224 = arith.addi %add3A_223, %add3A_210 : i32
      %swap3A_225 = arith.index_cast %add3A_224 : i32 to index
      %swap3A_226 = arith.constant 0 : index
      %swap3A_227 = tpu.vector_load %arg8[%swap3A_225, %swap3A_226] {strides = array<i32>} : memref<512x32xf32, #tpu.memory_space<vmem>>, vector<1x16xf32>,
      %swap3A_228 = vector.shape_cast %swap3A_227 : vector<1x16xf32> to vector<16xf32>
      %swap3A_229 = vector.shape_cast %get3A_222 : vector<16xf32> to vector<1x16xf32>
      tpu.vector_store %arg8[%swap3A_225, %swap3A_226], %swap3A_229 {strides = array<i32>} : memref<512x32xf32, #tpu.memory_space<vmem>>, vector<1x16xf32>,
      %add3A_230 = arith.constant 16 : i32
      %add3A_231 = arith.addi %mul3A_216, %add3A_230 : i32
      %get3A_232 = arith.index_cast %add3A_210 : i32 to index
      %get3A_233 = arith.index_cast %add3A_231 : i32 to index
      %get3A_234 = tpu.vector_load %arg7[%get3A_232, %get3A_233] {strides = array<i32>} : memref<128x128xf32, #tpu.memory_space<vmem>>, vector<1x16xf32>,
      %get3A_235 = vector.shape_cast %get3A_234 : vector<1x16xf32> to vector<16xf32>
      %add3A_236 = arith.constant 384 : i32
      %add3A_237 = arith.addi %add3A_236, %add3A_210 : i32
      %swap3A_238 = arith.index_cast %add3A_237 : i32 to index
      %swap3A_239 = arith.constant 16 : index
      %swap3A_240 = tpu.vector_load %arg8[%swap3A_238, %swap3A_239] {strides = array<i32>} : memref<512x32xf32, #tpu.memory_space<vmem>>, vector<1x16xf32>,
      %swap3A_241 = vector.shape_cast %swap3A_240 : vector<1x16xf32> to vector<16xf32>
      %swap3A_242 = vector.shape_cast %get3A_235 : vector<16xf32> to vector<1x16xf32>
      tpu.vector_store %arg8[%swap3A_238, %swap3A_239], %swap3A_242 {strides = array<i32>} : memref<512x32xf32, #tpu.memory_space<vmem>>, vector<1x16xf32>,
      %add3A_243 = arith.constant 4 : i32
      %add3A_244 = arith.addi %mul3A_106, %add3A_243 : i32
      %slice3A_245 = vector.extract_strided_slice %get3A_110 {offsets = [4], sizes = [1], strides = [1]} : vector<16xi32> to vector<1xi32>
      %squeeze3A_246 = vector.extract %slice3A_245[0] : i32 from vector<1xi32>
      %and3A_247 = arith.constant 3 : i32
      %and3A_248 = arith.andi %squeeze3A_246, %and3A_247 : i32
      %mul3A_249 = arith.constant 32 : i32
      %mul3A_250 = arith.muli %and3A_248, %mul3A_249 : i32
      %add3A_251 = arith.constant 0 : i32
      %add3A_252 = arith.addi %mul3A_250, %add3A_251 : i32
      %get3A_253 = arith.index_cast %add3A_244 : i32 to index
      %get3A_254 = arith.index_cast %add3A_252 : i32 to index
      %get3A_255 = tpu.vector_load %arg7[%get3A_253, %get3A_254] {strides = array<i32>} : memref<128x128xf32, #tpu.memory_space<vmem>>, vector<1x16xf32>,
      %get3A_256 = vector.shape_cast %get3A_255 : vector<1x16xf32> to vector<16xf32>
      %add3A_257 = arith.constant 384 : i32
      %add3A_258 = arith.addi %add3A_257, %add3A_244 : i32
      %swap3A_259 = arith.index_cast %add3A_258 : i32 to index
      %swap3A_260 = arith.constant 0 : index
      %swap3A_261 = tpu.vector_load %arg8[%swap3A_259, %swap3A_260] {strides = array<i32>} : memref<512x32xf32, #tpu.memory_space<vmem>>, vector<1x16xf32>,
      %swap3A_262 = vector.shape_cast %swap3A_261 : vector<1x16xf32> to vector<16xf32>
      %swap3A_263 = vector.shape_cast %get3A_256 : vector<16xf32> to vector<1x16xf32>
      tpu.vector_store %arg8[%swap3A_259, %swap3A_260], %swap3A_263 {strides = array<i32>} : memref<512x32xf32, #tpu.memory_space<vmem>>, vector<1x16xf32>,
      %add3A_264 = arith.constant 16 : i32
      %add3A_265 = arith.addi %mul3A_250, %add3A_264 : i32
      %get3A_266 = arith.index_cast %add3A_244 : i32 to index
      %get3A_267 = arith.index_cast %add3A_265 : i32 to index
      %get3A_268 = tpu.vector_load %arg7[%get3A_266, %get3A_267] {strides = array<i32>} : memref<128x128xf32, #tpu.memory_space<vmem>>, vector<1x16xf32>,
      %get3A_269 = vector.shape_cast %get3A_268 : vector<1x16xf32> to vector<16xf32>
      %add3A_270 = arith.constant 384 : i32
      %add3A_271 = arith.addi %add3A_270, %add3A_244 : i32
      %swap3A_272 = arith.index_cast %add3A_271 : i32 to index
      %swap3A_273 = arith.constant 16 : index
      %swap3A_274 = tpu.vector_load %arg8[%swap3A_272, %swap3A_273] {strides = array<i32>} : memref<512x32xf32, #tpu.memory_space<vmem>>, vector<1x16xf32>,
      %swap3A_275 = vector.shape_cast %swap3A_274 : vector<1x16xf32> to vector<16xf32>
      %swap3A_276 = vector.shape_cast %get3A_269 : vector<16xf32> to vector<1x16xf32>
      tpu.vector_store %arg8[%swap3A_272, %swap3A_273], %swap3A_276 {strides = array<i32>} : memref<512x32xf32, #tpu.memory_space<vmem>>, vector<1x16xf32>,
      %add3A_277 = arith.constant 5 : i32
      %add3A_278 = arith.addi %mul3A_106, %add3A_277 : i32
      %slice3A_279 = vector.extract_strided_slice %get3A_110 {offsets = [5], sizes = [1], strides = [1]} : vector<16xi32> to vector<1xi32>
      %squeeze3A_280 = vector.extract %slice3A_279[0] : i32 from vector<1xi32>
      %and3A_281 = arith.constant 3 : i32
      %and3A_282 = arith.andi %squeeze3A_280, %and3A_281 : i32
      %mul3A_283 = arith.constant 32 : i32
      %mul3A_284 = arith.muli %and3A_282, %mul3A_283 : i32
      %add3A_285 = arith.constant 0 : i32
      %add3A_286 = arith.addi %mul3A_284, %add3A_285 : i32
      %get3A_287 = arith.index_cast %add3A_278 : i32 to index
      %get3A_288 = arith.index_cast %add3A_286 : i32 to index
      %get3A_289 = tpu.vector_load %arg7[%get3A_287, %get3A_288] {strides = array<i32>} : memref<128x128xf32, #tpu.memory_space<vmem>>, vector<1x16xf32>,
      %get3A_290 = vector.shape_cast %get3A_289 : vector<1x16xf32> to vector<16xf32>
      %add3A_291 = arith.constant 384 : i32
      %add3A_292 = arith.addi %add3A_291, %add3A_278 : i32
      %swap3A_293 = arith.index_cast %add3A_292 : i32 to index
      %swap3A_294 = arith.constant 0 : index
      %swap3A_295 = tpu.vector_load %arg8[%swap3A_293, %swap3A_294] {strides = array<i32>} : memref<512x32xf32, #tpu.memory_space<vmem>>, vector<1x16xf32>,
      %swap3A_296 = vector.shape_cast %swap3A_295 : vector<1x16xf32> to vector<16xf32>
      %swap3A_297 = vector.shape_cast %get3A_290 : vector<16xf32> to vector<1x16xf32>
      tpu.vector_store %arg8[%swap3A_293, %swap3A_294], %swap3A_297 {strides = array<i32>} : memref<512x32xf32, #tpu.memory_space<vmem>>, vector<1x16xf32>,
      %add3A_298 = arith.constant 16 : i32
      %add3A_299 = arith.addi %mul3A_284, %add3A_298 : i32
      %get3A_300 = arith.index_cast %add3A_278 : i32 to index
      %get3A_301 = arith.index_cast %add3A_299 : i32 to index
      %get3A_302 = tpu.vector_load %arg7[%get3A_300, %get3A_301] {strides = array<i32>} : memref<128x128xf32, #tpu.memory_space<vmem>>, vector<1x16xf32>,
      %get3A_303 = vector.shape_cast %get3A_302 : vector<1x16xf32> to vector<16xf32>
      %add3A_304 = arith.constant 384 : i32
      %add3A_305 = arith.addi %add3A_304, %add3A_278 : i32
      %swap3A_306 = arith.index_cast %add3A_305 : i32 to index
      %swap3A_307 = arith.constant 16 : index
      %swap3A_308 = tpu.vector_load %arg8[%swap3A_306, %swap3A_307] {strides = array<i32>} : memref<512x32xf32, #tpu.memory_space<vmem>>, vector<1x16xf32>,
      %swap3A_309 = vector.shape_cast %swap3A_308 : vector<1x16xf32> to vector<16xf32>
      %swap3A_310 = vector.shape_cast %get3A_303 : vector<16xf32> to vector<1x16xf32>
      tpu.vector_store %arg8[%swap3A_306, %swap3A_307], %swap3A_310 {strides = array<i32>} : memref<512x32xf32, #tpu.memory_space<vmem>>, vector<1x16xf32>,
      %add3A_311 = arith.constant 6 : i32
      %add3A_312 = arith.addi %mul3A_106, %add3A_311 : i32
      %slice3A_313 = vector.extract_strided_slice %get3A_110 {offsets = [6], sizes = [1], strides = [1]} : vector<16xi32> to vector<1xi32>
      %squeeze3A_314 = vector.extract %slice3A_313[0] : i32 from vector<1xi32>
      %and3A_315 = arith.constant 3 : i32
      %and3A_316 = arith.andi %squeeze3A_314, %and3A_315 : i32
      %mul3A_317 = arith.constant 32 : i32
      %mul3A_318 = arith.muli %and3A_316, %mul3A_317 : i32
      %add3A_319 = arith.constant 0 : i32
      %add3A_320 = arith.addi %mul3A_318, %add3A_319 : i32
      %get3A_321 = arith.index_cast %add3A_312 : i32 to index
      %get3A_322 = arith.index_cast %add3A_320 : i32 to index
      %get3A_323 = tpu.vector_load %arg7[%get3A_321, %get3A_322] {strides = array<i32>} : memref<128x128xf32, #tpu.memory_space<vmem>>, vector<1x16xf32>,
      %get3A_324 = vector.shape_cast %get3A_323 : vector<1x16xf32> to vector<16xf32>
      %add3A_325 = arith.constant 384 : i32
      %add3A_326 = arith.addi %add3A_325, %add3A_312 : i32
      %swap3A_327 = arith.index_cast %add3A_326 : i32 to index
      %swap3A_328 = arith.constant 0 : index
      %swap3A_329 = tpu.vector_load %arg8[%swap3A_327, %swap3A_328] {strides = array<i32>} : memref<512x32xf32, #tpu.memory_space<vmem>>, vector<1x16xf32>,
      %swap3A_330 = vector.shape_cast %swap3A_329 : vector<1x16xf32> to vector<16xf32>
      %swap3A_331 = vector.shape_cast %get3A_324 : vector<16xf32> to vector<1x16xf32>
      tpu.vector_store %arg8[%swap3A_327, %swap3A_328], %swap3A_331 {strides = array<i32>} : memref<512x32xf32, #tpu.memory_space<vmem>>, vector<1x16xf32>,
      %add3A_332 = arith.constant 16 : i32
      %add3A_333 = arith.addi %mul3A_318, %add3A_332 : i32
      %get3A_334 = arith.index_cast %add3A_312 : i32 to index
      %get3A_335 = arith.index_cast %add3A_333 : i32 to index
      %get3A_336 = tpu.vector_load %arg7[%get3A_334, %get3A_335] {strides = array<i32>} : memref<128x128xf32, #tpu.memory_space<vmem>>, vector<1x16xf32>,
      %get3A_337 = vector.shape_cast %get3A_336 : vector<1x16xf32> to vector<16xf32>
      %add3A_338 = arith.constant 384 : i32
      %add3A_339 = arith.addi %add3A_338, %add3A_312 : i32
      %swap3A_340 = arith.index_cast %add3A_339 : i32 to index
      %swap3A_341 = arith.constant 16 : index
      %swap3A_342 = tpu.vector_load %arg8[%swap3A_340, %swap3A_341] {strides = array<i32>} : memref<512x32xf32, #tpu.memory_space<vmem>>, vector<1x16xf32>,
      %swap3A_343 = vector.shape_cast %swap3A_342 : vector<1x16xf32> to vector<16xf32>
      %swap3A_344 = vector.shape_cast %get3A_337 : vector<16xf32> to vector<1x16xf32>
      tpu.vector_store %arg8[%swap3A_340, %swap3A_341], %swap3A_344 {strides = array<i32>} : memref<512x32xf32, #tpu.memory_space<vmem>>, vector<1x16xf32>,
      %add3A_345 = arith.constant 7 : i32
      %add3A_346 = arith.addi %mul3A_106, %add3A_345 : i32
      %slice3A_347 = vector.extract_strided_slice %get3A_110 {offsets = [7], sizes = [1], strides = [1]} : vector<16xi32> to vector<1xi32>
      %squeeze3A_348 = vector.extract %slice3A_347[0] : i32 from vector<1xi32>
      %and3A_349 = arith.constant 3 : i32
      %and3A_350 = arith.andi %squeeze3A_348, %and3A_349 : i32
      %mul3A_351 = arith.constant 32 : i32
      %mul3A_352 = arith.muli %and3A_350, %mul3A_351 : i32
      %add3A_353 = arith.constant 0 : i32
      %add3A_354 = arith.addi %mul3A_352, %add3A_353 : i32
      %get3A_355 = arith.index_cast %add3A_346 : i32 to index
      %get3A_356 = arith.index_cast %add3A_354 : i32 to index
      %get3A_357 = tpu.vector_load %arg7[%get3A_355, %get3A_356] {strides = array<i32>} : memref<128x128xf32, #tpu.memory_space<vmem>>, vector<1x16xf32>,
      %get3A_358 = vector.shape_cast %get3A_357 : vector<1x16xf32> to vector<16xf32>
      %add3A_359 = arith.constant 384 : i32
      %add3A_360 = arith.addi %add3A_359, %add3A_346 : i32
      %swap3A_361 = arith.index_cast %add3A_360 : i32 to index
      %swap3A_362 = arith.constant 0 : index
      %swap3A_363 = tpu.vector_load %arg8[%swap3A_361, %swap3A_362] {strides = array<i32>} : memref<512x32xf32, #tpu.memory_space<vmem>>, vector<1x16xf32>,
      %swap3A_364 = vector.shape_cast %swap3A_363 : vector<1x16xf32> to vector<16xf32>
      %swap3A_365 = vector.shape_cast %get3A_358 : vector<16xf32> to vector<1x16xf32>
      tpu.vector_store %arg8[%swap3A_361, %swap3A_362], %swap3A_365 {strides = array<i32>} : memref<512x32xf32, #tpu.memory_space<vmem>>, vector<1x16xf32>,
      %add3A_366 = arith.constant 16 : i32
      %add3A_367 = arith.addi %mul3A_352, %add3A_366 : i32
      %get3A_368 = arith.index_cast %add3A_346 : i32 to index
      %get3A_369 = arith.index_cast %add3A_367 : i32 to index
      %get3A_370 = tpu.vector_load %arg7[%get3A_368, %get3A_369] {strides = array<i32>} : memref<128x128xf32, #tpu.memory_space<vmem>>, vector<1x16xf32>,
      %get3A_371 = vector.shape_cast %get3A_370 : vector<1x16xf32> to vector<16xf32>
      %add3A_372 = arith.constant 384 : i32
      %add3A_373 = arith.addi %add3A_372, %add3A_346 : i32
      %swap3A_374 = arith.index_cast %add3A_373 : i32 to index
      %swap3A_375 = arith.constant 16 : index
      %swap3A_376 = tpu.vector_load %arg8[%swap3A_374, %swap3A_375] {strides = array<i32>} : memref<512x32xf32, #tpu.memory_space<vmem>>, vector<1x16xf32>,
      %swap3A_377 = vector.shape_cast %swap3A_376 : vector<1x16xf32> to vector<16xf32>
      %swap3A_378 = vector.shape_cast %get3A_371 : vector<16xf32> to vector<1x16xf32>
      tpu.vector_store %arg8[%swap3A_374, %swap3A_375], %swap3A_378 {strides = array<i32>} : memref<512x32xf32, #tpu.memory_space<vmem>>, vector<1x16xf32>,
      %add3A_379 = arith.constant 8 : i32
      %add3A_380 = arith.addi %mul3A_106, %add3A_379 : i32
      %slice3A_381 = vector.extract_strided_slice %get3A_110 {offsets = [8], sizes = [1], strides = [1]} : vector<16xi32> to vector<1xi32>
      %squeeze3A_382 = vector.extract %slice3A_381[0] : i32 from vector<1xi32>
      %and3A_383 = arith.constant 3 : i32
      %and3A_384 = arith.andi %squeeze3A_382, %and3A_383 : i32
      %mul3A_385 = arith.constant 32 : i32
      %mul3A_386 = arith.muli %and3A_384, %mul3A_385 : i32
      %add3A_387 = arith.constant 0 : i32
      %add3A_388 = arith.addi %mul3A_386, %add3A_387 : i32
      %get3A_389 = arith.index_cast %add3A_380 : i32 to index
      %get3A_390 = arith.index_cast %add3A_388 : i32 to index
      %get3A_391 = tpu.vector_load %arg7[%get3A_389, %get3A_390] {strides = array<i32>} : memref<128x128xf32, #tpu.memory_space<vmem>>, vector<1x16xf32>,
      %get3A_392 = vector.shape_cast %get3A_391 : vector<1x16xf32> to vector<16xf32>
      %add3A_393 = arith.constant 384 : i32
      %add3A_394 = arith.addi %add3A_393, %add3A_380 : i32
      %swap3A_395 = arith.index_cast %add3A_394 : i32 to index
      %swap3A_396 = arith.constant 0 : index
      %swap3A_397 = tpu.vector_load %arg8[%swap3A_395, %swap3A_396] {strides = array<i32>} : memref<512x32xf32, #tpu.memory_space<vmem>>, vector<1x16xf32>,
      %swap3A_398 = vector.shape_cast %swap3A_397 : vector<1x16xf32> to vector<16xf32>
      %swap3A_399 = vector.shape_cast %get3A_392 : vector<16xf32> to vector<1x16xf32>
      tpu.vector_store %arg8[%swap3A_395, %swap3A_396], %swap3A_399 {strides = array<i32>} : memref<512x32xf32, #tpu.memory_space<vmem>>, vector<1x16xf32>,
      %add3A_400 = arith.constant 16 : i32
      %add3A_401 = arith.addi %mul3A_386, %add3A_400 : i32
      %get3A_402 = arith.index_cast %add3A_380 : i32 to index
      %get3A_403 = arith.index_cast %add3A_401 : i32 to index
      %get3A_404 = tpu.vector_load %arg7[%get3A_402, %get3A_403] {strides = array<i32>} : memref<128x128xf32, #tpu.memory_space<vmem>>, vector<1x16xf32>,
      %get3A_405 = vector.shape_cast %get3A_404 : vector<1x16xf32> to vector<16xf32>
      %add3A_406 = arith.constant 384 : i32
      %add3A_407 = arith.addi %add3A_406, %add3A_380 : i32
      %swap3A_408 = arith.index_cast %add3A_407 : i32 to index
      %swap3A_409 = arith.constant 16 : index
      %swap3A_410 = tpu.vector_load %arg8[%swap3A_408, %swap3A_409] {strides = array<i32>} : memref<512x32xf32, #tpu.memory_space<vmem>>, vector<1x16xf32>,
      %swap3A_411 = vector.shape_cast %swap3A_410 : vector<1x16xf32> to vector<16xf32>
      %swap3A_412 = vector.shape_cast %get3A_405 : vector<16xf32> to vector<1x16xf32>
      tpu.vector_store %arg8[%swap3A_408, %swap3A_409], %swap3A_412 {strides = array<i32>} : memref<512x32xf32, #tpu.memory_space<vmem>>, vector<1x16xf32>,
      %add3A_413 = arith.constant 9 : i32
      %add3A_414 = arith.addi %mul3A_106, %add3A_413 : i32
      %slice3A_415 = vector.extract_strided_slice %get3A_110 {offsets = [9], sizes = [1], strides = [1]} : vector<16xi32> to vector<1xi32>
      %squeeze3A_416 = vector.extract %slice3A_415[0] : i32 from vector<1xi32>
      %and3A_417 = arith.constant 3 : i32
      %and3A_418 = arith.andi %squeeze3A_416, %and3A_417 : i32
      %mul3A_419 = arith.constant 32 : i32
      %mul3A_420 = arith.muli %and3A_418, %mul3A_419 : i32
      %add3A_421 = arith.constant 0 : i32
      %add3A_422 = arith.addi %mul3A_420, %add3A_421 : i32
      %get3A_423 = arith.index_cast %add3A_414 : i32 to index
      %get3A_424 = arith.index_cast %add3A_422 : i32 to index
      %get3A_425 = tpu.vector_load %arg7[%get3A_423, %get3A_424] {strides = array<i32>} : memref<128x128xf32, #tpu.memory_space<vmem>>, vector<1x16xf32>,
      %get3A_426 = vector.shape_cast %get3A_425 : vector<1x16xf32> to vector<16xf32>
      %add3A_427 = arith.constant 384 : i32
      %add3A_428 = arith.addi %add3A_427, %add3A_414 : i32
      %swap3A_429 = arith.index_cast %add3A_428 : i32 to index
      %swap3A_430 = arith.constant 0 : index
      %swap3A_431 = tpu.vector_load %arg8[%swap3A_429, %swap3A_430] {strides = array<i32>} : memref<512x32xf32, #tpu.memory_space<vmem>>, vector<1x16xf32>,
      %swap3A_432 = vector.shape_cast %swap3A_431 : vector<1x16xf32> to vector<16xf32>
      %swap3A_433 = vector.shape_cast %get3A_426 : vector<16xf32> to vector<1x16xf32>
      tpu.vector_store %arg8[%swap3A_429, %swap3A_430], %swap3A_433 {strides = array<i32>} : memref<512x32xf32, #tpu.memory_space<vmem>>, vector<1x16xf32>,
      %add3A_434 = arith.constant 16 : i32
      %add3A_435 = arith.addi %mul3A_420, %add3A_434 : i32
      %get3A_436 = arith.index_cast %add3A_414 : i32 to index
      %get3A_437 = arith.index_cast %add3A_435 : i32 to index
      %get3A_438 = tpu.vector_load %arg7[%get3A_436, %get3A_437] {strides = array<i32>} : memref<128x128xf32, #tpu.memory_space<vmem>>, vector<1x16xf32>,
      %get3A_439 = vector.shape_cast %get3A_438 : vector<1x16xf32> to vector<16xf32>
      %add3A_440 = arith.constant 384 : i32
      %add3A_441 = arith.addi %add3A_440, %add3A_414 : i32
      %swap3A_442 = arith.index_cast %add3A_441 : i32 to index
      %swap3A_443 = arith.constant 16 : index
      %swap3A_444 = tpu.vector_load %arg8[%swap3A_442, %swap3A_443] {strides = array<i32>} : memref<512x32xf32, #tpu.memory_space<vmem>>, vector<1x16xf32>,
      %swap3A_445 = vector.shape_cast %swap3A_444 : vector<1x16xf32> to vector<16xf32>
      %swap3A_446 = vector.shape_cast %get3A_439 : vector<16xf32> to vector<1x16xf32>
      tpu.vector_store %arg8[%swap3A_442, %swap3A_443], %swap3A_446 {strides = array<i32>} : memref<512x32xf32, #tpu.memory_space<vmem>>, vector<1x16xf32>,
      %add3A_447 = arith.constant 10 : i32
      %add3A_448 = arith.addi %mul3A_106, %add3A_447 : i32
      %slice3A_449 = vector.extract_strided_slice %get3A_110 {offsets = [10], sizes = [1], strides = [1]} : vector<16xi32> to vector<1xi32>
      %squeeze3A_450 = vector.extract %slice3A_449[0] : i32 from vector<1xi32>
      %and3A_451 = arith.constant 3 : i32
      %and3A_452 = arith.andi %squeeze3A_450, %and3A_451 : i32
      %mul3A_453 = arith.constant 32 : i32
      %mul3A_454 = arith.muli %and3A_452, %mul3A_453 : i32
      %add3A_455 = arith.constant 0 : i32
      %add3A_456 = arith.addi %mul3A_454, %add3A_455 : i32
      %get3A_457 = arith.index_cast %add3A_448 : i32 to index
      %get3A_458 = arith.index_cast %add3A_456 : i32 to index
      %get3A_459 = tpu.vector_load %arg7[%get3A_457, %get3A_458] {strides = array<i32>} : memref<128x128xf32, #tpu.memory_space<vmem>>, vector<1x16xf32>,
      %get3A_460 = vector.shape_cast %get3A_459 : vector<1x16xf32> to vector<16xf32>
      %add3A_461 = arith.constant 384 : i32
      %add3A_462 = arith.addi %add3A_461, %add3A_448 : i32
      %swap3A_463 = arith.index_cast %add3A_462 : i32 to index
      %swap3A_464 = arith.constant 0 : index
      %swap3A_465 = tpu.vector_load %arg8[%swap3A_463, %swap3A_464] {strides = array<i32>} : memref<512x32xf32, #tpu.memory_space<vmem>>, vector<1x16xf32>,
      %swap3A_466 = vector.shape_cast %swap3A_465 : vector<1x16xf32> to vector<16xf32>
      %swap3A_467 = vector.shape_cast %get3A_460 : vector<16xf32> to vector<1x16xf32>
      tpu.vector_store %arg8[%swap3A_463, %swap3A_464], %swap3A_467 {strides = array<i32>} : memref<512x32xf32, #tpu.memory_space<vmem>>, vector<1x16xf32>,
      %add3A_468 = arith.constant 16 : i32
      %add3A_469 = arith.addi %mul3A_454, %add3A_468 : i32
      %get3A_470 = arith.index_cast %add3A_448 : i32 to index
      %get3A_471 = arith.index_cast %add3A_469 : i32 to index
      %get3A_472 = tpu.vector_load %arg7[%get3A_470, %get3A_471] {strides = array<i32>} : memref<128x128xf32, #tpu.memory_space<vmem>>, vector<1x16xf32>,
      %get3A_473 = vector.shape_cast %get3A_472 : vector<1x16xf32> to vector<16xf32>
      %add3A_474 = arith.constant 384 : i32
      %add3A_475 = arith.addi %add3A_474, %add3A_448 : i32
      %swap3A_476 = arith.index_cast %add3A_475 : i32 to index
      %swap3A_477 = arith.constant 16 : index
      %swap3A_478 = tpu.vector_load %arg8[%swap3A_476, %swap3A_477] {strides = array<i32>} : memref<512x32xf32, #tpu.memory_space<vmem>>, vector<1x16xf32>,
      %swap3A_479 = vector.shape_cast %swap3A_478 : vector<1x16xf32> to vector<16xf32>
      %swap3A_480 = vector.shape_cast %get3A_473 : vector<16xf32> to vector<1x16xf32>
      tpu.vector_store %arg8[%swap3A_476, %swap3A_477], %swap3A_480 {strides = array<i32>} : memref<512x32xf32, #tpu.memory_space<vmem>>, vector<1x16xf32>,
      %add3A_481 = arith.constant 11 : i32
      %add3A_482 = arith.addi %mul3A_106, %add3A_481 : i32
      %slice3A_483 = vector.extract_strided_slice %get3A_110 {offsets = [11], sizes = [1], strides = [1]} : vector<16xi32> to vector<1xi32>
      %squeeze3A_484 = vector.extract %slice3A_483[0] : i32 from vector<1xi32>
      %and3A_485 = arith.constant 3 : i32
      %and3A_486 = arith.andi %squeeze3A_484, %and3A_485 : i32
      %mul3A_487 = arith.constant 32 : i32
      %mul3A_488 = arith.muli %and3A_486, %mul3A_487 : i32
      %add3A_489 = arith.constant 0 : i32
      %add3A_490 = arith.addi %mul3A_488, %add3A_489 : i32
      %get3A_491 = arith.index_cast %add3A_482 : i32 to index
      %get3A_492 = arith.index_cast %add3A_490 : i32 to index
      %get3A_493 = tpu.vector_load %arg7[%get3A_491, %get3A_492] {strides = array<i32>} : memref<128x128xf32, #tpu.memory_space<vmem>>, vector<1x16xf32>,
      %get3A_494 = vector.shape_cast %get3A_493 : vector<1x16xf32> to vector<16xf32>
      %add3A_495 = arith.constant 384 : i32
      %add3A_496 = arith.addi %add3A_495, %add3A_482 : i32
      %swap3A_497 = arith.index_cast %add3A_496 : i32 to index
      %swap3A_498 = arith.constant 0 : index
      %swap3A_499 = tpu.vector_load %arg8[%swap3A_497, %swap3A_498] {strides = array<i32>} : memref<512x32xf32, #tpu.memory_space<vmem>>, vector<1x16xf32>,
      %swap3A_500 = vector.shape_cast %swap3A_499 : vector<1x16xf32> to vector<16xf32>
      %swap3A_501 = vector.shape_cast %get3A_494 : vector<16xf32> to vector<1x16xf32>
      tpu.vector_store %arg8[%swap3A_497, %swap3A_498], %swap3A_501 {strides = array<i32>} : memref<512x32xf32, #tpu.memory_space<vmem>>, vector<1x16xf32>,
      %add3A_502 = arith.constant 16 : i32
      %add3A_503 = arith.addi %mul3A_488, %add3A_502 : i32
      %get3A_504 = arith.index_cast %add3A_482 : i32 to index
      %get3A_505 = arith.index_cast %add3A_503 : i32 to index
      %get3A_506 = tpu.vector_load %arg7[%get3A_504, %get3A_505] {strides = array<i32>} : memref<128x128xf32, #tpu.memory_space<vmem>>, vector<1x16xf32>,
      %get3A_507 = vector.shape_cast %get3A_506 : vector<1x16xf32> to vector<16xf32>
      %add3A_508 = arith.constant 384 : i32
      %add3A_509 = arith.addi %add3A_508, %add3A_482 : i32
      %swap3A_510 = arith.index_cast %add3A_509 : i32 to index
      %swap3A_511 = arith.constant 16 : index
      %swap3A_512 = tpu.vector_load %arg8[%swap3A_510, %swap3A_511] {strides = array<i32>} : memref<512x32xf32, #tpu.memory_space<vmem>>, vector<1x16xf32>,
      %swap3A_513 = vector.shape_cast %swap3A_512 : vector<1x16xf32> to vector<16xf32>
      %swap3A_514 = vector.shape_cast %get3A_507 : vector<16xf32> to vector<1x16xf32>
      tpu.vector_store %arg8[%swap3A_510, %swap3A_511], %swap3A_514 {strides = array<i32>} : memref<512x32xf32, #tpu.memory_space<vmem>>, vector<1x16xf32>,
      %add3A_515 = arith.constant 12 : i32
      %add3A_516 = arith.addi %mul3A_106, %add3A_515 : i32
      %slice3A_517 = vector.extract_strided_slice %get3A_110 {offsets = [12], sizes = [1], strides = [1]} : vector<16xi32> to vector<1xi32>
      %squeeze3A_518 = vector.extract %slice3A_517[0] : i32 from vector<1xi32>
      %and3A_519 = arith.constant 3 : i32
      %and3A_520 = arith.andi %squeeze3A_518, %and3A_519 : i32
      %mul3A_521 = arith.constant 32 : i32
      %mul3A_522 = arith.muli %and3A_520, %mul3A_521 : i32
      %add3A_523 = arith.constant 0 : i32
      %add3A_524 = arith.addi %mul3A_522, %add3A_523 : i32
      %get3A_525 = arith.index_cast %add3A_516 : i32 to index
      %get3A_526 = arith.index_cast %add3A_524 : i32 to index
      %get3A_527 = tpu.vector_load %arg7[%get3A_525, %get3A_526] {strides = array<i32>} : memref<128x128xf32, #tpu.memory_space<vmem>>, vector<1x16xf32>,
      %get3A_528 = vector.shape_cast %get3A_527 : vector<1x16xf32> to vector<16xf32>
      %add3A_529 = arith.constant 384 : i32
      %add3A_530 = arith.addi %add3A_529, %add3A_516 : i32
      %swap3A_531 = arith.index_cast %add3A_530 : i32 to index
      %swap3A_532 = arith.constant 0 : index
      %swap3A_533 = tpu.vector_load %arg8[%swap3A_531, %swap3A_532] {strides = array<i32>} : memref<512x32xf32, #tpu.memory_space<vmem>>, vector<1x16xf32>,
      %swap3A_534 = vector.shape_cast %swap3A_533 : vector<1x16xf32> to vector<16xf32>
      %swap3A_535 = vector.shape_cast %get3A_528 : vector<16xf32> to vector<1x16xf32>
      tpu.vector_store %arg8[%swap3A_531, %swap3A_532], %swap3A_535 {strides = array<i32>} : memref<512x32xf32, #tpu.memory_space<vmem>>, vector<1x16xf32>,
      %add3A_536 = arith.constant 16 : i32
      %add3A_537 = arith.addi %mul3A_522, %add3A_536 : i32
      %get3A_538 = arith.index_cast %add3A_516 : i32 to index
      %get3A_539 = arith.index_cast %add3A_537 : i32 to index
      %get3A_540 = tpu.vector_load %arg7[%get3A_538, %get3A_539] {strides = array<i32>} : memref<128x128xf32, #tpu.memory_space<vmem>>, vector<1x16xf32>,
      %get3A_541 = vector.shape_cast %get3A_540 : vector<1x16xf32> to vector<16xf32>
      %add3A_542 = arith.constant 384 : i32
      %add3A_543 = arith.addi %add3A_542, %add3A_516 : i32
      %swap3A_544 = arith.index_cast %add3A_543 : i32 to index
      %swap3A_545 = arith.constant 16 : index
      %swap3A_546 = tpu.vector_load %arg8[%swap3A_544, %swap3A_545] {strides = array<i32>} : memref<512x32xf32, #tpu.memory_space<vmem>>, vector<1x16xf32>,
      %swap3A_547 = vector.shape_cast %swap3A_546 : vector<1x16xf32> to vector<16xf32>
      %swap3A_548 = vector.shape_cast %get3A_541 : vector<16xf32> to vector<1x16xf32>
      tpu.vector_store %arg8[%swap3A_544, %swap3A_545], %swap3A_548 {strides = array<i32>} : memref<512x32xf32, #tpu.memory_space<vmem>>, vector<1x16xf32>,
      %add3A_549 = arith.constant 13 : i32
      %add3A_550 = arith.addi %mul3A_106, %add3A_549 : i32
      %slice3A_551 = vector.extract_strided_slice %get3A_110 {offsets = [13], sizes = [1], strides = [1]} : vector<16xi32> to vector<1xi32>
      %squeeze3A_552 = vector.extract %slice3A_551[0] : i32 from vector<1xi32>
      %and3A_553 = arith.constant 3 : i32
      %and3A_554 = arith.andi %squeeze3A_552, %and3A_553 : i32
      %mul3A_555 = arith.constant 32 : i32
      %mul3A_556 = arith.muli %and3A_554, %mul3A_555 : i32
      %add3A_557 = arith.constant 0 : i32
      %add3A_558 = arith.addi %mul3A_556, %add3A_557 : i32
      %get3A_559 = arith.index_cast %add3A_550 : i32 to index
      %get3A_560 = arith.index_cast %add3A_558 : i32 to index
      %get3A_561 = tpu.vector_load %arg7[%get3A_559, %get3A_560] {strides = array<i32>} : memref<128x128xf32, #tpu.memory_space<vmem>>, vector<1x16xf32>,
      %get3A_562 = vector.shape_cast %get3A_561 : vector<1x16xf32> to vector<16xf32>
      %add3A_563 = arith.constant 384 : i32
      %add3A_564 = arith.addi %add3A_563, %add3A_550 : i32
      %swap3A_565 = arith.index_cast %add3A_564 : i32 to index
      %swap3A_566 = arith.constant 0 : index
      %swap3A_567 = tpu.vector_load %arg8[%swap3A_565, %swap3A_566] {strides = array<i32>} : memref<512x32xf32, #tpu.memory_space<vmem>>, vector<1x16xf32>,
      %swap3A_568 = vector.shape_cast %swap3A_567 : vector<1x16xf32> to vector<16xf32>
      %swap3A_569 = vector.shape_cast %get3A_562 : vector<16xf32> to vector<1x16xf32>
      tpu.vector_store %arg8[%swap3A_565, %swap3A_566], %swap3A_569 {strides = array<i32>} : memref<512x32xf32, #tpu.memory_space<vmem>>, vector<1x16xf32>,
      %add3A_570 = arith.constant 16 : i32
      %add3A_571 = arith.addi %mul3A_556, %add3A_570 : i32
      %get3A_572 = arith.index_cast %add3A_550 : i32 to index
      %get3A_573 = arith.index_cast %add3A_571 : i32 to index
      %get3A_574 = tpu.vector_load %arg7[%get3A_572, %get3A_573] {strides = array<i32>} : memref<128x128xf32, #tpu.memory_space<vmem>>, vector<1x16xf32>,
      %get3A_575 = vector.shape_cast %get3A_574 : vector<1x16xf32> to vector<16xf32>
      %add3A_576 = arith.constant 384 : i32
      %add3A_577 = arith.addi %add3A_576, %add3A_550 : i32
      %swap3A_578 = arith.index_cast %add3A_577 : i32 to index
      %swap3A_579 = arith.constant 16 : index
      %swap3A_580 = tpu.vector_load %arg8[%swap3A_578, %swap3A_579] {strides = array<i32>} : memref<512x32xf32, #tpu.memory_space<vmem>>, vector<1x16xf32>,
      %swap3A_581 = vector.shape_cast %swap3A_580 : vector<1x16xf32> to vector<16xf32>
      %swap3A_582 = vector.shape_cast %get3A_575 : vector<16xf32> to vector<1x16xf32>
      tpu.vector_store %arg8[%swap3A_578, %swap3A_579], %swap3A_582 {strides = array<i32>} : memref<512x32xf32, #tpu.memory_space<vmem>>, vector<1x16xf32>,
      %add3A_583 = arith.constant 14 : i32
      %add3A_584 = arith.addi %mul3A_106, %add3A_583 : i32
      %slice3A_585 = vector.extract_strided_slice %get3A_110 {offsets = [14], sizes = [1], strides = [1]} : vector<16xi32> to vector<1xi32>
      %squeeze3A_586 = vector.extract %slice3A_585[0] : i32 from vector<1xi32>
      %and3A_587 = arith.constant 3 : i32
      %and3A_588 = arith.andi %squeeze3A_586, %and3A_587 : i32
      %mul3A_589 = arith.constant 32 : i32
      %mul3A_590 = arith.muli %and3A_588, %mul3A_589 : i32
      %add3A_591 = arith.constant 0 : i32
      %add3A_592 = arith.addi %mul3A_590, %add3A_591 : i32
      %get3A_593 = arith.index_cast %add3A_584 : i32 to index
      %get3A_594 = arith.index_cast %add3A_592 : i32 to index
      %get3A_595 = tpu.vector_load %arg7[%get3A_593, %get3A_594] {strides = array<i32>} : memref<128x128xf32, #tpu.memory_space<vmem>>, vector<1x16xf32>,
      %get3A_596 = vector.shape_cast %get3A_595 : vector<1x16xf32> to vector<16xf32>
      %add3A_597 = arith.constant 384 : i32
      %add3A_598 = arith.addi %add3A_597, %add3A_584 : i32
      %swap3A_599 = arith.index_cast %add3A_598 : i32 to index
      %swap3A_600 = arith.constant 0 : index
      %swap3A_601 = tpu.vector_load %arg8[%swap3A_599, %swap3A_600] {strides = array<i32>} : memref<512x32xf32, #tpu.memory_space<vmem>>, vector<1x16xf32>,
      %swap3A_602 = vector.shape_cast %swap3A_601 : vector<1x16xf32> to vector<16xf32>
      %swap3A_603 = vector.shape_cast %get3A_596 : vector<16xf32> to vector<1x16xf32>
      tpu.vector_store %arg8[%swap3A_599, %swap3A_600], %swap3A_603 {strides = array<i32>} : memref<512x32xf32, #tpu.memory_space<vmem>>, vector<1x16xf32>,
      %add3A_604 = arith.constant 16 : i32
      %add3A_605 = arith.addi %mul3A_590, %add3A_604 : i32
      %get3A_606 = arith.index_cast %add3A_584 : i32 to index
      %get3A_607 = arith.index_cast %add3A_605 : i32 to index
      %get3A_608 = tpu.vector_load %arg7[%get3A_606, %get3A_607] {strides = array<i32>} : memref<128x128xf32, #tpu.memory_space<vmem>>, vector<1x16xf32>,
      %get3A_609 = vector.shape_cast %get3A_608 : vector<1x16xf32> to vector<16xf32>
      %add3A_610 = arith.constant 384 : i32
      %add3A_611 = arith.addi %add3A_610, %add3A_584 : i32
      %swap3A_612 = arith.index_cast %add3A_611 : i32 to index
      %swap3A_613 = arith.constant 16 : index
      %swap3A_614 = tpu.vector_load %arg8[%swap3A_612, %swap3A_613] {strides = array<i32>} : memref<512x32xf32, #tpu.memory_space<vmem>>, vector<1x16xf32>,
      %swap3A_615 = vector.shape_cast %swap3A_614 : vector<1x16xf32> to vector<16xf32>
      %swap3A_616 = vector.shape_cast %get3A_609 : vector<16xf32> to vector<1x16xf32>
      tpu.vector_store %arg8[%swap3A_612, %swap3A_613], %swap3A_616 {strides = array<i32>} : memref<512x32xf32, #tpu.memory_space<vmem>>, vector<1x16xf32>,
      %add3A_617 = arith.constant 15 : i32
      %add3A_618 = arith.addi %mul3A_106, %add3A_617 : i32
      %slice3A_619 = vector.extract_strided_slice %get3A_110 {offsets = [15], sizes = [1], strides = [1]} : vector<16xi32> to vector<1xi32>
      %squeeze3A_620 = vector.extract %slice3A_619[0] : i32 from vector<1xi32>
      %and3A_621 = arith.constant 3 : i32
      %and3A_622 = arith.andi %squeeze3A_620, %and3A_621 : i32
      %mul3A_623 = arith.constant 32 : i32
      %mul3A_624 = arith.muli %and3A_622, %mul3A_623 : i32
      %add3A_625 = arith.constant 0 : i32
      %add3A_626 = arith.addi %mul3A_624, %add3A_625 : i32
      %get3A_627 = arith.index_cast %add3A_618 : i32 to index
      %get3A_628 = arith.index_cast %add3A_626 : i32 to index
      %get3A_629 = tpu.vector_load %arg7[%get3A_627, %get3A_628] {strides = array<i32>} : memref<128x128xf32, #tpu.memory_space<vmem>>, vector<1x16xf32>,
      %get3A_630 = vector.shape_cast %get3A_629 : vector<1x16xf32> to vector<16xf32>
      %add3A_631 = arith.constant 384 : i32
      %add3A_632 = arith.addi %add3A_631, %add3A_618 : i32
      %swap3A_633 = arith.index_cast %add3A_632 : i32 to index
      %swap3A_634 = arith.constant 0 : index
      %swap3A_635 = tpu.vector_load %arg8[%swap3A_633, %swap3A_634] {strides = array<i32>} : memref<512x32xf32, #tpu.memory_space<vmem>>, vector<1x16xf32>,
      %swap3A_636 = vector.shape_cast %swap3A_635 : vector<1x16xf32> to vector<16xf32>
      %swap3A_637 = vector.shape_cast %get3A_630 : vector<16xf32> to vector<1x16xf32>
      tpu.vector_store %arg8[%swap3A_633, %swap3A_634], %swap3A_637 {strides = array<i32>} : memref<512x32xf32, #tpu.memory_space<vmem>>, vector<1x16xf32>,
      %add3A_638 = arith.constant 16 : i32
      %add3A_639 = arith.addi %mul3A_624, %add3A_638 : i32
      %get3A_640 = arith.index_cast %add3A_618 : i32 to index
      %get3A_641 = arith.index_cast %add3A_639 : i32 to index
      %get3A_642 = tpu.vector_load %arg7[%get3A_640, %get3A_641] {strides = array<i32>} : memref<128x128xf32, #tpu.memory_space<vmem>>, vector<1x16xf32>,
      %get3A_643 = vector.shape_cast %get3A_642 : vector<1x16xf32> to vector<16xf32>
      %add3A_644 = arith.constant 384 : i32
      %add3A_645 = arith.addi %add3A_644, %add3A_618 : i32
      %swap3A_646 = arith.index_cast %add3A_645 : i32 to index
      %swap3A_647 = arith.constant 16 : index
      %swap3A_648 = tpu.vector_load %arg8[%swap3A_646, %swap3A_647] {strides = array<i32>} : memref<512x32xf32, #tpu.memory_space<vmem>>, vector<1x16xf32>,
      %swap3A_649 = vector.shape_cast %swap3A_648 : vector<1x16xf32> to vector<16xf32>
      %swap3A_650 = vector.shape_cast %get3A_643 : vector<16xf32> to vector<1x16xf32>
      tpu.vector_store %arg8[%swap3A_646, %swap3A_647], %swap3A_650 {strides = array<i32>} : memref<512x32xf32, #tpu.memory_space<vmem>>, vector<1x16xf32>,
    }
    %scan3A_103 = arith.constant 8 : i32
    "tpu.region"() ({
      %run_scoped3A = tpu.sem_alloc : memref<!tpu.dma_semaphore, #tpu.memory_space<semaphore_mem>>
      %dma_start3A_104 = arith.constant 0 : i32
      %dma_start3A_105 = tpu.memref_slice %arg4[%mul3A_2, %dma_start3A_104] : memref<16384x32xf32, #tpu.memory_space<hbm>> -> memref<512x32xf32, #tpu.memory_space<hbm>>
      %dma_start3A_106 = arith.constant 0 : i32
      %dma_start3A_107 = tpu.memref_slice %arg4[%mul3A_2, %dma_start3A_106] : memref<16384x32xf32, #tpu.memory_space<hbm>> -> memref<512x32xf32, #tpu.memory_space<hbm>>
      tpu.enqueue_dma source(%arg8 : memref<512x32xf32, #tpu.memory_space<vmem>>) target(%dma_start3A_107 : memref<512x32xf32, #tpu.memory_space<hbm>>) target_semaphore(%run_scoped3A : memref<!tpu.dma_semaphore, #tpu.memory_space<semaphore_mem>>)
      %dma_wait3A_108 = arith.constant 0 : i32
      %dma_wait3A_109 = tpu.memref_slice %arg4[%mul3A_2, %dma_wait3A_108] : memref<16384x32xf32, #tpu.memory_space<hbm>> -> memref<512x32xf32, #tpu.memory_space<hbm>>
      %dma_wait3A_110 = arith.constant 0 : i32
      %dma_wait3A_111 = tpu.memref_slice %arg4[%mul3A_2, %dma_wait3A_110] : memref<16384x32xf32, #tpu.memory_space<hbm>> -> memref<512x32xf32, #tpu.memory_space<hbm>>
      tpu.wait_dma2 semaphore(%run_scoped3A : memref<!tpu.dma_semaphore, #tpu.memory_space<semaphore_mem>>) src(%arg8 : memref<512x32xf32, #tpu.memory_space<vmem>>) dst(%dma_wait3A_111 : memref<512x32xf32, #tpu.memory_space<hbm>>)
      tpu.yield
    }) : () -> ()
    return
  }
}

</mosaic_0001>

<sc_bundles>
// kernel: kernel.3.cloned.1.call-start
scs
__scs_entry_jumppad:
0x0: {  	(pc) =	sbr.rel $0x88, $3  }
0x1: {  	(tag) =	ssettag $0x0;
	lr =	simm.s32 $0x1  }
0x2: {  	[smem:$0x3F9F] =	sst lr;
	_ =	strace $0xD0000000  }
0x3: {  	_ = 	snop  }
0x4: {  	_ = 	snop  }
0x5: {  	_ = 	snop  }
0x6: {  	_ = 	snop  }
0x7: {  	_ = 	snop  }
__scs_overlays_trampoline_lowered:
0x8: {  	[smem:$0x3FAE] =	sst s0  }
0x9: {  	[smem:$0x3FAF] =	sst s1  }
0xa: {  	[smem:$0x3FB0] =	sst s2  }
0xb: {  	[smem:$0x3FB1] =	sst s3  }
0xc: {  	[smem:$0x3FB2] =	sst s4  }
0xd: {  	[smem:$0x3FB3] =	sst s5  }
0xe: {  	[smem:$0x3FB4] =	sst s6  }
0xf: {  	[smem:$0x3FB5] =	sst s7  }
0x10: {  	[smem:$0x3FB6] =	sst s8  }
0x11: {  	[smem:$0x3FB7] =	sst s9;
	s0 =	simm.s32 @!p0 $0x0  }
0x12: {  	s1 =	sld [smem:$0x3F9D];
	s0 =	simm.s32 @p0 $0x1  }
0x13: {  	[smem:$0x3FB8] =	sst s0;
	s0 =	simm.s32 @!p1 $0x0  }
0x14: {  	s2 =	sld [smem:$0x3F9C];
	s0 =	simm.s32 @p1 $0x1  }
0x15: {  	[smem:$0x3FB9] =	sst s0;
	s0 =	simm.s32 @!p2 $0x0  }
0x16: {  	s3 =	sld [smem:$0x3FDB];
	s0 =	simm.s32 @p2 $0x1  }
0x17: {  	s4 =	simm.s32 $0x1BF5;
	[smem:$0x3FBB] =	sst s0  }
0x18: {  	s0 =	sld [smem:$0x3F9E];
	_ =	swait.ge [sflag:s4], $0x0  }
0x19: {  	s7 =	sld [smem:$0x3F9F]  }
0x1a: {  	s8 =	sadd.s32 $0xFFFFE003, lr  }
0x1b: {  	s9 =	sadd.s32 $0xFFFFFEF7, lr;
	s5 =	simm.s32 $0xFFFFFFFF;
	p2 =	slt.u32 s8, $0xFFFFF086  }
0x1c: {  	p1 =	slt.u32 s9, $0xF7A;
	s5 =	simm.s32 @!p2 $0x0  }
0x1d: {  	s5 =	simm.s32 @p1 $0x1;
	p0 =	seq.s32 s7, s2  }
0x1e: {  	s7 =	smul.u32 @!p0 $0xF7A, s2;
	p2 =	seq.s32 @!p0 s5, $0x0  }
0x1f: {  	s9 =	smul.u32 $0xF7A, s1;
	s8 =	simm.s32 @!p0 $0x1BF5;
	p2 =	por !p2, p0  }
0x20: {  	[sflag:s8] =	ssyncset.s32 @!p0 $0xFFFFF086;
	s6 =	sadd.s32 @!p0 s3, s7;
	s7 =	simm.s32 @!p0 $0x108  }
0x21: {  	s3 =	sadd.s32 s3, s9;
	s6 =	sadd.s32 @!p0 $0x88, s6;
	s7 =	simm.s32 @p2 $0x1082  }
0x22: {  	[simem:s7], [sflag:s8] =	dma.local @!p0 [hbm:s6], $0xF7A  }
0x23: {  	s9 =	sor.u32 $0xD0000000, s2;
	s6 =	simm.s32 $0x108;
	_ =	swait.ge @!p0 [sflag:s8], $0x0  }
0x24: {  	s3 =	sadd.s32 $0x88, s3;
	s6 =	simm.s32 @!p1 $0x1082;
	[sflag:s4] =	ssyncset.s32 $0xFFFFF086  }
0x25: {  	[simem:s6], [sflag:s4] =	dma.local [hbm:s3], $0xF7A  }
0x26: {  	[smem:$0x3F9F] =	sst s1;
	(tag) =	ssettag s2;
	_ =	strace s9  }
0x27: {  	s1 =	sld [smem:$0x3FAF]  }
0x28: {  	s2 =	sld [smem:$0x3FB0]  }
0x29: {  	s4 =	sld [smem:$0x3FB2]  }
0x2a: {  	p0 =	seq.s32 s5, $0x0;
	s5 =	sld [smem:$0x3FB3]  }
0x2b: {  	s6 =	sld [smem:$0x3FB4]  }
0x2c: {  	s7 =	sld [smem:$0x3FB5]  }
0x2d: {  	s3 =	simm.s32 $0x108;
	s8 =	sld [smem:$0x3FB6]  }
0x2e: {  	s3 =	simm.s32 @!p0 $0x1082;
	s9 =	sld [smem:$0x3FB7]  }
0x2f: {  	lr =	sadd.s32 s0, s3;
	s0 =	sld [smem:$0x3FAE]  }
0x30: {  	s3 =	sld [smem:$0x3FB1]  }
0x31: {  	[smem:$0x3FBA] =	sst s10  }
0x32: {  	s10 =	sld [smem:$0x3FB8];
	_ =	sdelay $0x3  }
0x33: {  	p0 =	seq.s32 s10, $0x1;
	s10 =	sld [smem:$0x3FBA];
	_ =	sdelay $0x3  }
0x34: {  	[smem:$0x3FBA] =	sst s10  }
0x35: {  	s10 =	sld [smem:$0x3FB9];
	_ =	sdelay $0x3  }
0x36: {  	p1 =	seq.s32 s10, $0x1;
	s10 =	sld [smem:$0x3FBA];
	_ =	sdelay $0x3  }
0x37: {  	[smem:$0x3FBA] =	sst s10  }
0x38: {  	s10 =	sld [smem:$0x3FBB]  }
0x39: {  	_ = 	snop;
	(pc) =	sbr.ind lr, $3  }
0x3a: {  	_ = 	snop  }
0x3b: {  	_ = 	snop  }
0x3c: {  	p2 =	seq.s32 s10, $0x1;
	s10 =	sld [smem:$0x3FBA]  }
0x3d: {  	_ =	shalt  }
0x3e: {  	_ =	shalt  }
0x3f: {  	_ =	shalt  }
0x40: {  	_ =	shalt  }
0x41: {  	_ =	shalt  }
0x42: {  	_ =	shalt  }
0x43: {  	_ =	shalt  }
0x44: {  	_ =	shalt  }
0x45: {  	_ =	shalt  }
0x46: {  	_ =	shalt  }
0x47: {  	_ =	shalt  }
0x48: {  	_ =	shalt  }
0x49: {  	_ =	shalt  }
0x4a: {  	_ =	shalt  }
0x4b: {  	_ =	shalt  }
0x4c: {  	_ =	shalt  }
0x4d: {  	_ =	shalt  }
0x4e: {  	_ =	shalt  }
0x4f: {  	_ =	shalt  }
0x50: {  	_ =	shalt  }
0x51: {  	_ =	shalt  }
0x52: {  	_ =	shalt  }
0x53: {  	_ =	shalt  }
0x54: {  	_ =	shalt  }
0x55: {  	_ =	shalt  }
0x56: {  	_ =	shalt  }
0x57: {  	_ =	shalt  }
0x58: {  	_ =	shalt  }
0x59: {  	_ =	shalt  }
0x5a: {  	_ =	shalt  }
0x5b: {  	_ =	shalt  }
0x5c: {  	_ =	shalt  }
0x5d: {  	_ =	shalt  }
0x5e: {  	_ =	shalt  }
0x5f: {  	_ =	shalt  }
0x60: {  	_ =	shalt  }
0x61: {  	_ =	shalt  }
0x62: {  	_ =	shalt  }
0x63: {  	_ =	shalt  }
0x64: {  	_ =	shalt  }
0x65: {  	_ =	shalt  }
0x66: {  	_ =	shalt  }
0x67: {  	_ =	shalt  }
0x68: {  	_ =	shalt  }
0x69: {  	_ =	shalt  }
0x6a: {  	_ =	shalt  }
0x6b: {  	_ =	shalt  }
0x6c: {  	_ =	shalt  }
0x6d: {  	_ =	shalt  }
0x6e: {  	_ =	shalt  }
0x6f: {  	_ =	shalt  }
0x70: {  	_ =	shalt  }
0x71: {  	_ =	shalt  }
0x72: {  	_ =	shalt  }
0x73: {  	_ =	shalt  }
0x74: {  	_ =	shalt  }
0x75: {  	_ =	shalt  }
0x76: {  	_ =	shalt  }
0x77: {  	_ =	shalt  }
0x78: {  	_ =	shalt  }
0x79: {  	_ =	shalt  }
0x7a: {  	_ =	shalt  }
0x7b: {  	_ =	shalt  }
0x7c: {  	_ =	shalt  }
0x7d: {  	_ =	shalt  }
0x7e: {  	_ =	shalt  }
0x7f: {  	_ =	shalt  }
0x80: {  	_ =	shalt  }
0x81: {  	_ =	shalt  }
0x82: {  	_ =	shalt  }
0x83: {  	_ =	shalt  }
0x84: {  	_ =	shalt  }
0x85: {  	_ =	shalt  }
0x86: {  	_ =	shalt  }
0x87: {  	_ =	shalt  }
.Lfunc_end0:
.L_simem_size_0:
called_computation_lowered:
.L_overlay_start_0:
0x88: {  	s2 =	sld [smem:$0x3FD9]  }
0x89: {  	s3 =	sld [smem:$0x3FFE];
	_ =	sdelay $0x1  }
0x8a: {  	s1 =	srdreg.scid  }
0x8b: {  	s0 =	sand.u32 $0x1, s1  }
0x8c: {  	s17 =	sshll.u32 s0, $0xA;
	s2 =	sadd.s32 s3, s2  }
0x8d: {  	s2 =	sadd.s32 s2, s17  }
0x8e: {  	[smem:$0x3FC6] =	sst s2  }
0x8f: {  	_ = 	snop  }
0x90: {  	s2 =	sld [smem:$0x3FD0];
	(tm) =	ssettm $0x1  }
0x91: {  	s18 =	sld [smem:$0x3FFB];
	_ =	sdelay $0x3  }
0x92: {  	_ =	strace s18  }
0x93: {  	s3 =	sld [smem:$0x3FFC];
	_ =	sdelay $0x3  }
0x94: {  	_ =	strace s3  }
0x95: {  	s3 =	sld [smem:$0x3FFD];
	_ =	sdelay $0x3  }
0x96: {  	_ =	strace s3  }
0x97: {  	_ =	strace $0x8FFFFFFF  }
0x98: {  	s19 =	sld [smem:$0x3FDB];
	_ =	sdelay $0x1  }
0x99: {  	s4 =	simm.s32 $_scs_section_size  }
0x9a: {  	s5 =	simm.s32 $_size__tile_overlayer_lowered;
	s6 =	simm.s32 $_tile_overlayer_lowered  }
0x9b: {  	s22 =	simm.s32 $0x1BFF;
	s21 =	sshll.u32 s6, $0x1;
	s3 =	sadd.s32 s4, s19  }
0x9c: {  	s7 =	simm.s32 $0x0;
	s20 =	sshll.u32 s5, $0x1;
	s5 =	sadd.s32 s21, s3  }
0x9d: {  	[timem:s7], [sflag:s22] =	dma.local [hbm:s5], s20  }
0x9e: {  	_ =	swait.ge [sflag:s22], s20  }
0x9f: {  	s4 =	ssub.s32 $0x0, s20;
	[sflag:s22] =	ssyncset.done $0x0  }
0xa0: {  	[sflag:s22] =	ssyncadd.s32 s4;
	_ =	sdelay $0x1  }
0xa1: {  	s23 =	simm.s32 $0x1B8B  }
0xa2: {  	_ =	swait.ge [sflag:s23], $0x1  }
0xa3: {  	[sflag:s23] =	ssyncset.done $0x0  }
0xa4: {  	s25 =	simm.s32 $0x1B8E;
	s24 =	sld [smem:$0x3FFE];
	[sflag:s23] =	ssyncadd.s32 $0xFFFFFFFF  }
0xa5: {  	s26 =	simm.s32 $execute0_lowered;
	[smem:$0x3FD2] =	sst s25  }
0xa6: {  	s5 =	sshll.u32 s26, $0x1;
	_ =	strace $0x80000046;
	[dreg:$0x1] =	wrdreg $0xFFFFFFFF  }
0xa7: {  	s28 =	simm.s32 $_size_execute0_lowered;
	s3 =	sadd.s32 s3, s5;
	[dreg:$0x0] =	wrdreg $0x0  }
0xa8: {  	s5 =	sshll.u32 s28, $0x1;
	[dreg:$0x2] =	wrdreg s3  }
0xa9: {  	[dreg:$0x3] =	wrdreg s5  }
0xaa: {  	[dreg:$0x4] =	wrdreg $0xC0  }
0xab: {  	_ =	task [dreg:s7], $0x5FFFF  }
0xac: {  	[dreg:$0x1] =	wrdreg $0xFFFFFFFF  }
0xad: {  	[dreg:$0x0] =	wrdreg $0x60  }
0xae: {  	[dreg:$0x2] =	wrdreg s2  }
0xaf: {  	[dreg:$0x3] =	wrdreg s24  }
0xb0: {  	[dreg:$0x4] =	wrdreg $0x9  }
0xb1: {  	_ =	task.clear_ibuf [dreg:s7], $0x5FFFF;
	_ =	strace $0x90000046  }
0xb2: {  	s29 =	simm.s32 $0x9;
	_ =	strace $0x80000048  }
0xb3: {  	_ =	swait.ge [sflag:s29], $0x1  }
0xb4: {  	[sflag:s29] =	ssyncadd.s32 $0xFFFFFFFF  }
0xb5: {  	_ =	strace $0x90000048  }
0xb6: {  	_ =	sfence  }
0xb7: {  	s30 =	sld [smem:$0x0];
	_ =	sdelay $0x2  }
0xb8: {  	s31 =	sshll.u32 s1, $0xD;
	s1 =	sshrl.u32 s1, $0x2  }
0xb9: {  	s3 =	sand.u32 $0x4000, s31;
	s1 =	sadd.s32 s1, s30  }
0xba: {  	s0 =	sor.u32 s3, s0;
	s1 =	sshll.u32 s1, $0x11  }
0xbb: {  	s0 =	sor.u32 s1, s0  }
0xbc: {  	s0 =	sadd.s32 $0x8F2B, s0  }
0xbd: {  	[sflag:s0] =	ssyncadd.remote.s32 $0x1  }
0xbe: {  	_ =	sfence.sel $0xFFFF  }
0xbf: {  	[dreg:$0x0] =	wrdreg $0xFFFFFFFF;
	(pc) =	sbr.abs _section_cstart, $3  }
0xc0: {  	[dreg:$0x1] =	wrdreg $0xFFFFFFFF  }
0xc1: {  	_ =	task.clear_ibuf [dreg:s7], $0x2FFFF;
	_ =	strace $0x9FFFFFFF  }
0xc2: {  	(tm) =	ssettm $0x7FFFFFFF  }
0xc3: {  	_ =	shalt  }
tec
execute0_lowered:
.L_overlay_start_1:
0x0: {  	(tag) =	ssettag $0x1  }
0x1: {  	s0 =	rddreg [dreg:$0x0]  }
0x2: {  	s1 =	rddreg [dreg:$0x1];
	s2 =	simm.s32 $0x0;
	s3 =	srdreg.scid  }
0x3: {  	s7 =	stileid.u32;
	s9 =	simm.s32 $0x2;
	s11 =	simm.s32 $0x1  }
0x4: {  	s14 =	simm.s32 $0x380;
	s15 =	simm.s32 $0x4400;
	s16 =	simm.s32 $0x0  }
0x5: {  	[smem:$0x7FF] =	sst s2;
	s4 =	sand.u32 $0x1, s3;
	s30 =	sshll.u32 s7, $0x1  }
0x6: {  	s3 =	sadd.s32 $0xF42A00, s1;
	s7 =	sshll.u32 s7, $0x7;
	_ =	strace $0x80000047  }
0x7: {  	s5 =	sor.u32 s4, s30;
	s4 =	ssub.s32 $0x2, s4;
	s7 =	sand.u32 $0x600, s7  }
0x8: {  	s6 =	sshll.u32 s5, $0xD;
	s5 =	sshll.u32 s5, $0x4;
	s8 =	sshrl.u32 s4, $0x1  }
0x9: {  	s0 =	sadd.s32 s0, s7;
	s7 =	simm.s32 $0x80;
	s5 =	sand.u32 $0x70, s5  }
0xa: {  	s1 =	sadd.s32 s6, s1;
	s31 =	ssub.s32 s4, s8;
	s8 =	simm.s32 $0x400  }
0xb: {  	s4 =	sadd.s32 s5, s0;
	s5 =	sadd.s32 $0x600, s1;
	s6 =	smax.u32 s31, $0x1  }
.LBB2_1:
0xc: {  	[tilespmem:s2], [sflag:$0x2] =	stream.strided.gather [hbm4b:s4+s7], $0x200, s8, s7, $0x38;
	[tilespmem:$0x14400] =	vst v63  }
0xd: {  	_ =	swait.ge [sflag:s9], $0x200  }
0xe: {  	[sflag:s9] =	ssyncset.done $0x0  }
0xf: {  	[sflag:s9] =	ssyncadd.s32 $0xFFFFFE00  }
0x10: {  	v0 =	vld [tilespmem:$0x0]  }
0x11: {  	v1 =	vld [tilespmem:$0x10]  }
0x12: {  	v2 =	vld [tilespmem:$0x20]  }
0x13: {  	v3 =	vld [tilespmem:$0x30]  }
0x14: {  	v4 =	vld [tilespmem:$0x40]  }
0x15: {  	v5 =	vld [tilespmem:$0x50];
	v0 =	vshrl.u32 v0, $0x2  }
0x16: {  	[tilespmem:$0x200] =	vst v0;
	v0 =	vshrl.u32 v1, $0x2;
	v1 =	vld [tilespmem:$0x60]  }
0x17: {  	[tilespmem:$0x210] =	vst v0;
	v0 =	vshrl.u32 v2, $0x2;
	v2 =	vld [tilespmem:$0x70]  }
0x18: {  	[tilespmem:$0x220] =	vst v0;
	v0 =	vshrl.u32 v3, $0x2;
	v3 =	vld [tilespmem:$0x80]  }
0x19: {  	v54 =	vld [tilespmem:$0x90];
	[tilespmem:$0x230] =	vst v0;
	v0 =	vshrl.u32 v4, $0x2  }
0x1a: {  	v55 =	vld [tilespmem:$0xA0];
	[tilespmem:$0x240] =	vst v0;
	v0 =	vshrl.u32 v5, $0x2  }
0x1b: {  	[tilespmem:$0x250] =	vst v0;
	v0 =	vshrl.u32 v1, $0x2;
	v1 =	vld [tilespmem:$0xB0]  }
0x1c: {  	[tilespmem:$0x260] =	vst v0;
	v0 =	vshrl.u32 v2, $0x2;
	v2 =	vld [tilespmem:$0xC0]  }
0x1d: {  	[tilespmem:$0x270] =	vst v0;
	v0 =	vshrl.u32 v3, $0x2;
	v3 =	vld [tilespmem:$0xD0]  }
0x1e: {  	v56 =	vld [tilespmem:$0xE0];
	[tilespmem:$0x280] =	vst v0;
	v0 =	vshrl.u32 v54, $0x2  }
0x1f: {  	v57 =	vld [tilespmem:$0xF0];
	[tilespmem:$0x290] =	vst v0;
	v0 =	vshrl.u32 v55, $0x2  }
0x20: {  	[tilespmem:$0x2A0] =	vst v0;
	v0 =	vshrl.u32 v1, $0x2;
	v1 =	vld [tilespmem:$0x100]  }
0x21: {  	[tilespmem:$0x2B0] =	vst v0;
	v0 =	vshrl.u32 v2, $0x2;
	v2 =	vld [tilespmem:$0x110]  }
0x22: {  	[tilespmem:$0x2C0] =	vst v0;
	v0 =	vshrl.u32 v3, $0x2;
	v3 =	vld [tilespmem:$0x120]  }
0x23: {  	v58 =	vld [tilespmem:$0x130];
	[tilespmem:$0x2D0] =	vst v0;
	v0 =	vshrl.u32 v56, $0x2  }
0x24: {  	v59 =	vld [tilespmem:$0x140];
	[tilespmem:$0x2E0] =	vst v0;
	v0 =	vshrl.u32 v57, $0x2  }
0x25: {  	[tilespmem:$0x2F0] =	vst v0;
	v0 =	vshrl.u32 v1, $0x2;
	v1 =	vld [tilespmem:$0x150]  }
0x26: {  	[tilespmem:$0x300] =	vst v0;
	v0 =	vshrl.u32 v2, $0x2;
	v2 =	vld [tilespmem:$0x160]  }
0x27: {  	[tilespmem:$0x310] =	vst v0;
	v0 =	vshrl.u32 v3, $0x2;
	v3 =	vld [tilespmem:$0x170]  }
0x28: {  	v60 =	vld [tilespmem:$0x180];
	[tilespmem:$0x320] =	vst v0;
	v0 =	vshrl.u32 v58, $0x2  }
0x29: {  	v61 =	vld [tilespmem:$0x190];
	[tilespmem:$0x330] =	vst v0;
	v0 =	vshrl.u32 v59, $0x2  }
0x2a: {  	[tilespmem:$0x340] =	vst v0;
	v0 =	vshrl.u32 v1, $0x2;
	v1 =	vld [tilespmem:$0x1A0]  }
0x2b: {  	[tilespmem:$0x350] =	vst v0;
	v0 =	vshrl.u32 v2, $0x2;
	v2 =	vld [tilespmem:$0x1B0]  }
0x2c: {  	[tilespmem:$0x360] =	vst v0;
	v0 =	vshrl.u32 v3, $0x2;
	v3 =	vld [tilespmem:$0x1C0]  }
0x2d: {  	v62 =	vld [tilespmem:$0x1D0];
	[tilespmem:$0x370] =	vst v0;
	v0 =	vshrl.u32 v60, $0x2  }
0x2e: {  	v63 =	vld [tilespmem:$0x1E0];
	[tilespmem:$0x380] =	vst v0;
	v0 =	vshrl.u32 v61, $0x2  }
0x2f: {  	[tilespmem:$0x390] =	vst v0;
	v0 =	vshrl.u32 v1, $0x2;
	v1 =	vld [tilespmem:$0x1F0]  }
0x30: {  	[tilespmem:$0x3A0] =	vst v0;
	v0 =	vshrl.u32 v2, $0x2  }
0x31: {  	[tilespmem:$0x3B0] =	vst v0;
	v0 =	vshrl.u32 v3, $0x2  }
0x32: {  	[tilespmem:$0x3C0] =	vst v0;
	v0 =	vshrl.u32 v62, $0x2  }
0x33: {  	[tilespmem:$0x3D0] =	vst v0;
	v0 =	vshrl.u32 v63, $0x2  }
0x34: {  	[tilespmem:$0x3E0] =	vst v0;
	v0 =	vshrl.u32 v1, $0x2  }
0x35: {  	s0 =	simm.s32 $0x200;
	[tilespmem:$0x3F0] =	vst v0  }
0x36: {  	[tilespmem:s8], [sflag:$0x1] =	stream.indirect.gather [hbm4b:s3+s7], $0x80, s0, s7, $0xb8;
	[tilespmem:$0x14400] =	vst v63  }
0x37: {  	_ =	swait.ge [sflag:s11], $0x4000  }
0x38: {  	[sflag:s11] =	ssyncset.done $0x0  }
0x39: {  	[sflag:s11] =	ssyncadd.s32 $0xFFFFC000  }
0x3a: {  	v0 =	vld [tilespmem:s2+$0x0];
	_ =	sdelay $0x4  }
0x3b: {  	(v2sf) =	vpush v0, $0x0;
	_ =	sdelay $0xb  }
0x3c: {  	(v2sf) =	vpush v0, $0x1;
	_ =	sdelay $0x2  }
0x3d: {  	s10 =	spop (v2sf)  }
0x3e: {  	s0 =	sand.u32 $0x3, s10  }
0x3f: {  	s0 =	sshll.u32 s0, $0x5  }
0x40: {  	s0 =	sadd.s32 $0x0, s0  }
0x41: {  	v1 =	vld [tilespmem:s0+$0x400];
	_ =	sdelay $0x3  }
0x42: {  	s17 =	simm.s32 $0x0  }
0x43: {  	(v2sf) =	vpush v0, $0x2;
	[tilespmem:s17+$0x4400] =	vst v1  }
0x44: {  	v1 =	vld [tilespmem:s0+$0x410];
	_ =	sdelay $0x1  }
0x45: {  	s12 =	spop (v2sf)  }
0x46: {  	s0 =	sand.u32 $0x3, s12  }
0x47: {  	s0 =	sshll.u32 s0, $0x5  }
0x48: {  	s0 =	sadd.s32 $0x0, s0;
	[tilespmem:s17+$0x4410] =	vst v1  }
0x49: {  	v1 =	vld [tilespmem:s0+$0x480];
	_ =	sdelay $0x4  }
0x4a: {  	(v2sf) =	vpush v0, $0x3;
	[tilespmem:s17+$0x4480] =	vst v1  }
0x4b: {  	v1 =	vld [tilespmem:s0+$0x490];
	_ =	sdelay $0x1  }
0x4c: {  	s13 =	spop (v2sf)  }
0x4d: {  	s0 =	sand.u32 $0x3, s13  }
0x4e: {  	s0 =	sshll.u32 s0, $0x5  }
0x4f: {  	s0 =	sadd.s32 $0x0, s0;
	[tilespmem:s17+$0x4490] =	vst v1  }
0x50: {  	v1 =	vld [tilespmem:s0+$0x500];
	_ =	sdelay $0x4  }
0x51: {  	(v2sf) =	vpush v0, $0x4;
	[tilespmem:s17+$0x4500] =	vst v1  }
0x52: {  	v1 =	vld [tilespmem:s0+$0x510];
	_ =	sdelay $0x1  }
0x53: {  	s18 =	spop (v2sf)  }
0x54: {  	s0 =	sand.u32 $0x3, s18  }
0x55: {  	s0 =	sshll.u32 s0, $0x5  }
0x56: {  	s0 =	sadd.s32 $0x0, s0;
	[tilespmem:s17+$0x4510] =	vst v1  }
0x57: {  	v1 =	vld [tilespmem:s0+$0x580];
	_ =	sdelay $0x4  }
0x58: {  	(v2sf) =	vpush v0, $0x5;
	[tilespmem:s17+$0x4580] =	vst v1  }
0x59: {  	v1 =	vld [tilespmem:s0+$0x590];
	_ =	sdelay $0x1  }
0x5a: {  	s19 =	spop (v2sf)  }
0x5b: {  	s0 =	sand.u32 $0x3, s19  }
0x5c: {  	s0 =	sshll.u32 s0, $0x5  }
0x5d: {  	s0 =	sadd.s32 $0x0, s0;
	[tilespmem:s17+$0x4590] =	vst v1  }
0x5e: {  	v1 =	vld [tilespmem:s0+$0x600];
	_ =	sdelay $0x4  }
0x5f: {  	(v2sf) =	vpush v0, $0x6;
	[tilespmem:s17+$0x4600] =	vst v1  }
0x60: {  	v1 =	vld [tilespmem:s0+$0x610];
	_ =	sdelay $0x1  }
0x61: {  	s20 =	spop (v2sf)  }
0x62: {  	s0 =	sand.u32 $0x3, s20  }
0x63: {  	s0 =	sshll.u32 s0, $0x5  }
0x64: {  	s0 =	sadd.s32 $0x0, s0;
	[tilespmem:s17+$0x4610] =	vst v1  }
0x65: {  	v1 =	vld [tilespmem:s0+$0x680];
	_ =	sdelay $0x4  }
0x66: {  	(v2sf) =	vpush v0, $0x7;
	[tilespmem:s17+$0x4680] =	vst v1  }
0x67: {  	v1 =	vld [tilespmem:s0+$0x690];
	_ =	sdelay $0x1  }
0x68: {  	s21 =	spop (v2sf)  }
0x69: {  	s0 =	sand.u32 $0x3, s21  }
0x6a: {  	s0 =	sshll.u32 s0, $0x5  }
0x6b: {  	s0 =	sadd.s32 $0x0, s0;
	[tilespmem:s17+$0x4690] =	vst v1  }
0x6c: {  	v1 =	vld [tilespmem:s0+$0x700];
	_ =	sdelay $0x4  }
0x6d: {  	(v2sf) =	vpush v0, $0x8;
	[tilespmem:s17+$0x4700] =	vst v1  }
0x6e: {  	v1 =	vld [tilespmem:s0+$0x710];
	_ =	sdelay $0x1  }
0x6f: {  	s22 =	spop (v2sf)  }
0x70: {  	s0 =	sand.u32 $0x3, s22  }
0x71: {  	s0 =	sshll.u32 s0, $0x5  }
0x72: {  	s0 =	sadd.s32 $0x0, s0;
	[tilespmem:s17+$0x4710] =	vst v1  }
0x73: {  	v1 =	vld [tilespmem:s0+$0x780];
	_ =	sdelay $0x4  }
0x74: {  	(v2sf) =	vpush v0, $0x9;
	[tilespmem:s17+$0x4780] =	vst v1  }
0x75: {  	v1 =	vld [tilespmem:s0+$0x790];
	_ =	sdelay $0x1  }
0x76: {  	s23 =	spop (v2sf)  }
0x77: {  	s0 =	sand.u32 $0x3, s23  }
0x78: {  	s0 =	sshll.u32 s0, $0x5  }
0x79: {  	s0 =	sadd.s32 $0x0, s0;
	[tilespmem:s17+$0x4790] =	vst v1  }
0x7a: {  	v1 =	vld [tilespmem:s0+$0x800];
	_ =	sdelay $0x4  }
0x7b: {  	(v2sf) =	vpush v0, $0xA;
	[tilespmem:s17+$0x4800] =	vst v1  }
0x7c: {  	v1 =	vld [tilespmem:s0+$0x810];
	_ =	sdelay $0x1  }
0x7d: {  	s24 =	spop (v2sf)  }
0x7e: {  	s0 =	sand.u32 $0x3, s24  }
0x7f: {  	s0 =	sshll.u32 s0, $0x5  }
0x80: {  	s0 =	sadd.s32 $0x0, s0;
	[tilespmem:s17+$0x4810] =	vst v1  }
0x81: {  	v1 =	vld [tilespmem:s0+$0x880];
	_ =	sdelay $0x4  }
0x82: {  	(v2sf) =	vpush v0, $0xB;
	[tilespmem:s17+$0x4880] =	vst v1  }
0x83: {  	v1 =	vld [tilespmem:s0+$0x890];
	_ =	sdelay $0x1  }
0x84: {  	s25 =	spop (v2sf)  }
0x85: {  	s0 =	sand.u32 $0x3, s25  }
0x86: {  	s0 =	sshll.u32 s0, $0x5  }
0x87: {  	s0 =	sadd.s32 $0x0, s0;
	[tilespmem:s17+$0x4890] =	vst v1  }
0x88: {  	v1 =	vld [tilespmem:s0+$0x900];
	_ =	sdelay $0x4  }
0x89: {  	(v2sf) =	vpush v0, $0xC;
	[tilespmem:s17+$0x4900] =	vst v1  }
0x8a: {  	v1 =	vld [tilespmem:s0+$0x910];
	_ =	sdelay $0x1  }
0x8b: {  	s26 =	spop (v2sf)  }
0x8c: {  	s0 =	sand.u32 $0x3, s26  }
0x8d: {  	s0 =	sshll.u32 s0, $0x5  }
0x8e: {  	s0 =	sadd.s32 $0x0, s0;
	[tilespmem:s17+$0x4910] =	vst v1  }
0x8f: {  	v1 =	vld [tilespmem:s0+$0x980];
	_ =	sdelay $0x4  }
0x90: {  	(v2sf) =	vpush v0, $0xD;
	[tilespmem:s17+$0x4980] =	vst v1  }
0x91: {  	v1 =	vld [tilespmem:s0+$0x990];
	_ =	sdelay $0x1  }
0x92: {  	s28 =	spop (v2sf)  }
0x93: {  	s0 =	sand.u32 $0x3, s28  }
0x94: {  	s0 =	sshll.u32 s0, $0x5  }
0x95: {  	s0 =	sadd.s32 $0x0, s0;
	[tilespmem:s17+$0x4990] =	vst v1  }
0x96: {  	v1 =	vld [tilespmem:s0+$0xA00];
	_ =	sdelay $0x4  }
0x97: {  	(v2sf) =	vpush v0, $0xE;
	[tilespmem:s17+$0x4A00] =	vst v1  }
0x98: {  	v1 =	vld [tilespmem:s0+$0xA10];
	_ =	sdelay $0x1  }
0x99: {  	s29 =	spop (v2sf)  }
0x9a: {  	s0 =	sand.u32 $0x3, s29  }
0x9b: {  	s0 =	sshll.u32 s0, $0x5  }
0x9c: {  	s0 =	sadd.s32 $0x0, s0;
	[tilespmem:s17+$0x4A10] =	vst v1  }
0x9d: {  	v1 =	vld [tilespmem:s0+$0xA80];
	_ =	sdelay $0x4  }
0x9e: {  	(v2sf) =	vpush v0, $0xF;
	[tilespmem:s17+$0x4A80] =	vst v1  }
0x9f: {  	v0 =	vld [tilespmem:s0+$0xA90];
	_ =	sdelay $0x1  }
0xa0: {  	s30 =	spop (v2sf)  }
0xa1: {  	s0 =	sand.u32 $0x3, s30  }
0xa2: {  	s0 =	sshll.u32 s0, $0x5  }
0xa3: {  	s0 =	sadd.s32 $0x0, s0;
	[tilespmem:s17+$0x4A90] =	vst v0  }
0xa4: {  	v0 =	vld [tilespmem:s0+$0xB00];
	_ =	sdelay $0x4  }
0xa5: {  	[tilespmem:s17+$0x4B00] =	vst v0  }
0xa6: {  	v0 =	vld [tilespmem:s0+$0xB10];
	_ =	sdelay $0x1  }
0xa7: {  	s31 =	spop (v2sf)  }
0xa8: {  	s0 =	sand.u32 $0x3, s31  }
0xa9: {  	s0 =	sshll.u32 s0, $0x5  }
0xaa: {  	s0 =	sadd.s32 $0x0, s0;
	[tilespmem:s17+$0x4B10] =	vst v0  }
0xab: {  	v0 =	vld [tilespmem:s0+$0xB80];
	_ =	sdelay $0x4  }
0xac: {  	[tilespmem:s17+$0x4B80] =	vst v0  }
0xad: {  	s18 =	simm.s32 $0x2000;
	s19 =	simm.s32 $0x0;
	v0 =	vld [tilespmem:s0+$0xB90]  }
.LBB2_2:
0xae: {  	_ =	sdelay $0x2  }
0xaf: {  	p0 =	sne.s32 s18, $0xE000  }
0xb0: {  	s19 =	sadd.s32 $0x10, s19;
	s0 =	smov.u32 s18;
	s18 =	sadd.s32 $0x2000, s18;
	[tilespmem:s17+$0x4B90] =	vst v0  }
0xb1: {  	v0 =	vld [tilespmem:s19+$0x0];
	_ =	sdelay $0x4  }
0xb2: {  	(v2sf) =	vpush v0, $0x0  }
0xb3: {  	(v2sf) =	vpush v0, $0x1;
	_ =	sdelay $0x1  }
0xb4: {  	(v2sf) =	vpush v0, $0x2  }
0xb5: {  	(v2sf) =	vpush v0, $0x3  }
0xb6: {  	(v2sf) =	vpush v0, $0x4  }
0xb7: {  	(v2sf) =	vpush v0, $0x5  }
0xb8: {  	(v2sf) =	vpush v0, $0x6  }
0xb9: {  	(v2sf) =	vpush v0, $0x7  }
0xba: {  	(v2sf) =	vpush v0, $0x8  }
0xbb: {  	(v2sf) =	vpush v0, $0x9  }
0xbc: {  	(v2sf) =	vpush v0, $0xA  }
0xbd: {  	(v2sf) =	vpush v0, $0xB  }
0xbe: {  	(v2sf) =	vpush v0, $0xC  }
0xbf: {  	(v2sf) =	vpush v0, $0xD  }
0xc0: {  	s1 =	spop (v2sf)  }
0xc1: {  	s1 =	sand.u32 $0x3, s1;
	s10 =	spop (v2sf);
	(v2sf) =	vpush v0, $0xE  }
0xc2: {  	s17 =	sshra.s32 s0, $0x2;
	s1 =	sshll.u32 s1, $0x5;
	s0 =	sand.u32 $0x3, s10;
	(v2sf) =	vpush v0, $0xF  }
0xc3: {  	s20 =	sadd.s32 s17, s1;
	s21 =	sshll.u32 s0, $0x5;
	s0 =	spop (v2sf)  }
0xc4: {  	v0 =	vld [tilespmem:s20+$0x400];
	s0 =	sand.u32 $0x3, s0;
	s1 =	spop (v2sf)  }
0xc5: {  	s10 =	sshll.u32 s0, $0x5;
	s0 =	sand.u32 $0x3, s1;
	s22 =	spop (v2sf)  }
0xc6: {  	s1 =	sshll.u32 s0, $0x5;
	s0 =	sand.u32 $0x3, s22;
	s22 =	spop (v2sf)  }
0xc7: {  	s0 =	sshll.u32 s0, $0x5;
	s22 =	sand.u32 $0x3, s22;
	s23 =	spop (v2sf)  }
0xc8: {  	s31 =	sshll.u32 s22, $0x5;
	s22 =	sand.u32 $0x3, s23;
	s23 =	spop (v2sf)  }
0xc9: {  	[tilespmem:s17+$0x4400] =	vst v0;
	s30 =	sshll.u32 s22, $0x5;
	s22 =	sand.u32 $0x3, s23;
	s23 =	spop (v2sf)  }
0xca: {  	v0 =	vld [tilespmem:s20+$0x410];
	s29 =	sshll.u32 s22, $0x5;
	s20 =	sand.u32 $0x3, s23;
	s22 =	spop (v2sf)  }
0xcb: {  	s28 =	sshll.u32 s20, $0x5;
	s20 =	sand.u32 $0x3, s22;
	s22 =	spop (v2sf)  }
0xcc: {  	s26 =	sshll.u32 s20, $0x5;
	s20 =	sand.u32 $0x3, s22;
	s22 =	spop (v2sf)  }
0xcd: {  	s25 =	sshll.u32 s20, $0x5;
	s20 =	sand.u32 $0x3, s22;
	s22 =	spop (v2sf)  }
0xce: {  	s24 =	sshll.u32 s20, $0x5;
	s20 =	sand.u32 $0x3, s22;
	s22 =	spop (v2sf)  }
0xcf: {  	s12 =	sadd.s32 s17, s21;
	[tilespmem:s17+$0x4410] =	vst v0;
	s23 =	sshll.u32 s20, $0x5;
	s20 =	sand.u32 $0x3, s22  }
0xd0: {  	v0 =	vld [tilespmem:s12+$0x480];
	s22 =	sshll.u32 s20, $0x5;
	s20 =	spop (v2sf)  }
0xd1: {  	s20 =	sand.u32 $0x3, s20;
	s13 =	spop (v2sf)  }
0xd2: {  	s21 =	sshll.u32 s20, $0x5;
	s13 =	sand.u32 $0x3, s13  }
0xd3: {  	s20 =	sshll.u32 s13, $0x5;
	_ =	sdelay $0x1  }
0xd4: {  	[tilespmem:s17+$0x4480] =	vst v0  }
0xd5: {  	v0 =	vld [tilespmem:s12+$0x490];
	_ =	sdelay $0x4  }
0xd6: {  	s10 =	sadd.s32 s17, s10;
	[tilespmem:s17+$0x4490] =	vst v0  }
0xd7: {  	v0 =	vld [tilespmem:s10+$0x500];
	_ =	sdelay $0x4  }
0xd8: {  	[tilespmem:s17+$0x4500] =	vst v0  }
0xd9: {  	v0 =	vld [tilespmem:s10+$0x510];
	_ =	sdelay $0x4  }
0xda: {  	s1 =	sadd.s32 s17, s1;
	[tilespmem:s17+$0x4510] =	vst v0  }
0xdb: {  	v0 =	vld [tilespmem:s1+$0x580];
	_ =	sdelay $0x4  }
0xdc: {  	[tilespmem:s17+$0x4580] =	vst v0  }
0xdd: {  	v0 =	vld [tilespmem:s1+$0x590];
	_ =	sdelay $0x4  }
0xde: {  	s0 =	sadd.s32 s17, s0;
	[tilespmem:s17+$0x4590] =	vst v0  }
0xdf: {  	v0 =	vld [tilespmem:s0+$0x600];
	_ =	sdelay $0x4  }
0xe0: {  	[tilespmem:s17+$0x4600] =	vst v0  }
0xe1: {  	v0 =	vld [tilespmem:s0+$0x610];
	_ =	sdelay $0x4  }
0xe2: {  	s0 =	sadd.s32 s17, s31;
	[tilespmem:s17+$0x4610] =	vst v0  }
0xe3: {  	v0 =	vld [tilespmem:s0+$0x680];
	_ =	sdelay $0x4  }
0xe4: {  	[tilespmem:s17+$0x4680] =	vst v0  }
0xe5: {  	v0 =	vld [tilespmem:s0+$0x690];
	_ =	sdelay $0x4  }
0xe6: {  	s0 =	sadd.s32 s17, s30;
	[tilespmem:s17+$0x4690] =	vst v0  }
0xe7: {  	v0 =	vld [tilespmem:s0+$0x700];
	_ =	sdelay $0x4  }
0xe8: {  	[tilespmem:s17+$0x4700] =	vst v0  }
0xe9: {  	v0 =	vld [tilespmem:s0+$0x710];
	_ =	sdelay $0x4  }
0xea: {  	s0 =	sadd.s32 s17, s29;
	[tilespmem:s17+$0x4710] =	vst v0  }
0xeb: {  	v0 =	vld [tilespmem:s0+$0x780];
	_ =	sdelay $0x4  }
0xec: {  	[tilespmem:s17+$0x4780] =	vst v0  }
0xed: {  	v0 =	vld [tilespmem:s0+$0x790];
	_ =	sdelay $0x4  }
0xee: {  	s0 =	sadd.s32 s17, s28;
	[tilespmem:s17+$0x4790] =	vst v0  }
0xef: {  	v0 =	vld [tilespmem:s0+$0x800];
	_ =	sdelay $0x4  }
0xf0: {  	[tilespmem:s17+$0x4800] =	vst v0  }
0xf1: {  	v0 =	vld [tilespmem:s0+$0x810];
	_ =	sdelay $0x4  }
0xf2: {  	s0 =	sadd.s32 s17, s26;
	[tilespmem:s17+$0x4810] =	vst v0  }
0xf3: {  	v0 =	vld [tilespmem:s0+$0x880];
	_ =	sdelay $0x4  }
0xf4: {  	[tilespmem:s17+$0x4880] =	vst v0  }
0xf5: {  	v0 =	vld [tilespmem:s0+$0x890];
	_ =	sdelay $0x4  }
0xf6: {  	s0 =	sadd.s32 s17, s25;
	[tilespmem:s17+$0x4890] =	vst v0  }
0xf7: {  	v0 =	vld [tilespmem:s0+$0x900];
	_ =	sdelay $0x4  }
0xf8: {  	[tilespmem:s17+$0x4900] =	vst v0  }
0xf9: {  	v0 =	vld [tilespmem:s0+$0x910];
	_ =	sdelay $0x4  }
0xfa: {  	s0 =	sadd.s32 s17, s24;
	[tilespmem:s17+$0x4910] =	vst v0  }
0xfb: {  	v0 =	vld [tilespmem:s0+$0x980];
	_ =	sdelay $0x4  }
0xfc: {  	[tilespmem:s17+$0x4980] =	vst v0  }
0xfd: {  	v0 =	vld [tilespmem:s0+$0x990];
	_ =	sdelay $0x4  }
0xfe: {  	s0 =	sadd.s32 s17, s23;
	[tilespmem:s17+$0x4990] =	vst v0  }
0xff: {  	v0 =	vld [tilespmem:s0+$0xA00];
	_ =	sdelay $0x4  }
0x100: {  	[tilespmem:s17+$0x4A00] =	vst v0  }
0x101: {  	v0 =	vld [tilespmem:s0+$0xA10];
	_ =	sdelay $0x4  }
0x102: {  	s0 =	sadd.s32 s17, s22;
	[tilespmem:s17+$0x4A10] =	vst v0  }
0x103: {  	v0 =	vld [tilespmem:s0+$0xA80];
	_ =	sdelay $0x4  }
0x104: {  	[tilespmem:s17+$0x4A80] =	vst v0  }
0x105: {  	v0 =	vld [tilespmem:s0+$0xA90];
	_ =	sdelay $0x4  }
0x106: {  	s0 =	sadd.s32 s17, s21;
	[tilespmem:s17+$0x4A90] =	vst v0  }
0x107: {  	v0 =	vld [tilespmem:s0+$0xB00];
	_ =	sdelay $0x4  }
0x108: {  	[tilespmem:s17+$0x4B00] =	vst v0  }
0x109: {  	v0 =	vld [tilespmem:s0+$0xB10];
	_ =	sdelay $0x4  }
0x10a: {  	s0 =	sadd.s32 s17, s20;
	[tilespmem:s17+$0x4B10] =	vst v0  }
0x10b: {  	v0 =	vld [tilespmem:s0+$0xB80];
	_ =	sdelay $0x1  }
.Ltmp0:
0x10c: {  	(pc) =	sbr.rel @p0 .LBB2_2-.Ltmp0, $3  }
0x10d: {  	_ =	sdelay $0x1  }
0x10e: {  	[tilespmem:s17+$0x4B80] =	vst v0  }
0x10f: {  	v0 =	vld [tilespmem:s0+$0xB90]  }
0x110: {  	_ =	sdelay $0x3  }
0x111: {  	s0 =	simm.s32 $0x280;
	[tilespmem:s17+$0x4B90] =	vst v0;
	s17 =	simm.s32 $0x80  }
0x112: {  	[tilespmem:s8], [sflag:$0x1] =	stream.indirect.gather [hbm4b:s3+s17], $0x80, s0, s17, $0xb8;
	[tilespmem:$0x14400] =	vst v63  }
0x113: {  	_ =	swait.ge [sflag:s11], $0x4000  }
0x114: {  	[sflag:s11] =	ssyncset.done $0x0  }
0x115: {  	[sflag:s11] =	ssyncadd.s32 $0xFFFFC000  }
0x116: {  	v0 =	vld [tilespmem:s17+$0x0];
	_ =	sdelay $0x4  }
0x117: {  	(v2sf) =	vpush v0, $0x0;
	_ =	sdelay $0xb  }
0x118: {  	(v2sf) =	vpush v0, $0x1;
	_ =	sdelay $0x2  }
0x119: {  	s1 =	spop (v2sf)  }
0x11a: {  	s0 =	sand.u32 $0x3, s1  }
0x11b: {  	s0 =	sshll.u32 s0, $0x5  }
0x11c: {  	s0 =	sadd.s32 $0x0, s0  }
0x11d: {  	v1 =	vld [tilespmem:s0+$0x400];
	_ =	sdelay $0x3  }
0x11e: {  	s18 =	simm.s32 $0x0  }
0x11f: {  	(v2sf) =	vpush v0, $0x2;
	[tilespmem:s18+$0x8400] =	vst v1  }
0x120: {  	v1 =	vld [tilespmem:s0+$0x410];
	_ =	sdelay $0x1  }
0x121: {  	s10 =	spop (v2sf)  }
0x122: {  	s0 =	sand.u32 $0x3, s10  }
0x123: {  	s0 =	sshll.u32 s0, $0x5  }
0x124: {  	s0 =	sadd.s32 $0x0, s0;
	[tilespmem:s18+$0x8410] =	vst v1  }
0x125: {  	v1 =	vld [tilespmem:s0+$0x480];
	_ =	sdelay $0x4  }
0x126: {  	(v2sf) =	vpush v0, $0x3;
	[tilespmem:s18+$0x8480] =	vst v1  }
0x127: {  	v1 =	vld [tilespmem:s0+$0x490];
	_ =	sdelay $0x1  }
0x128: {  	s12 =	spop (v2sf)  }
0x129: {  	s0 =	sand.u32 $0x3, s12  }
0x12a: {  	s0 =	sshll.u32 s0, $0x5  }
0x12b: {  	s0 =	sadd.s32 $0x0, s0;
	[tilespmem:s18+$0x8490] =	vst v1  }
0x12c: {  	v1 =	vld [tilespmem:s0+$0x500];
	_ =	sdelay $0x4  }
0x12d: {  	(v2sf) =	vpush v0, $0x4;
	[tilespmem:s18+$0x8500] =	vst v1  }
0x12e: {  	v1 =	vld [tilespmem:s0+$0x510];
	_ =	sdelay $0x1  }
0x12f: {  	s13 =	spop (v2sf)  }
0x130: {  	s0 =	sand.u32 $0x3, s13  }
0x131: {  	s0 =	sshll.u32 s0, $0x5  }
0x132: {  	s0 =	sadd.s32 $0x0, s0;
	[tilespmem:s18+$0x8510] =	vst v1  }
0x133: {  	v1 =	vld [tilespmem:s0+$0x580];
	_ =	sdelay $0x4  }
0x134: {  	(v2sf) =	vpush v0, $0x5;
	[tilespmem:s18+$0x8580] =	vst v1  }
0x135: {  	v1 =	vld [tilespmem:s0+$0x590];
	_ =	sdelay $0x1  }
0x136: {  	s19 =	spop (v2sf)  }
0x137: {  	s0 =	sand.u32 $0x3, s19  }
0x138: {  	s0 =	sshll.u32 s0, $0x5  }
0x139: {  	s0 =	sadd.s32 $0x0, s0;
	[tilespmem:s18+$0x8590] =	vst v1  }
0x13a: {  	v1 =	vld [tilespmem:s0+$0x600];
	_ =	sdelay $0x4  }
0x13b: {  	(v2sf) =	vpush v0, $0x6;
	[tilespmem:s18+$0x8600] =	vst v1  }
0x13c: {  	v1 =	vld [tilespmem:s0+$0x610];
	_ =	sdelay $0x1  }
0x13d: {  	s20 =	spop (v2sf)  }
0x13e: {  	s0 =	sand.u32 $0x3, s20  }
0x13f: {  	s0 =	sshll.u32 s0, $0x5  }
0x140: {  	s0 =	sadd.s32 $0x0, s0;
	[tilespmem:s18+$0x8610] =	vst v1  }
0x141: {  	v1 =	vld [tilespmem:s0+$0x680];
	_ =	sdelay $0x4  }
0x142: {  	(v2sf) =	vpush v0, $0x7;
	[tilespmem:s18+$0x8680] =	vst v1  }
0x143: {  	v1 =	vld [tilespmem:s0+$0x690];
	_ =	sdelay $0x1  }
0x144: {  	s21 =	spop (v2sf)  }
0x145: {  	s0 =	sand.u32 $0x3, s21  }
0x146: {  	s0 =	sshll.u32 s0, $0x5  }
0x147: {  	s0 =	sadd.s32 $0x0, s0;
	[tilespmem:s18+$0x8690] =	vst v1  }
0x148: {  	v1 =	vld [tilespmem:s0+$0x700];
	_ =	sdelay $0x4  }
0x149: {  	(v2sf) =	vpush v0, $0x8;
	[tilespmem:s18+$0x8700] =	vst v1  }
0x14a: {  	v1 =	vld [tilespmem:s0+$0x710];
	_ =	sdelay $0x1  }
0x14b: {  	s22 =	spop (v2sf)  }
0x14c: {  	s0 =	sand.u32 $0x3, s22  }
0x14d: {  	s0 =	sshll.u32 s0, $0x5  }
0x14e: {  	s0 =	sadd.s32 $0x0, s0;
	[tilespmem:s18+$0x8710] =	vst v1  }
0x14f: {  	v1 =	vld [tilespmem:s0+$0x780];
	_ =	sdelay $0x4  }
0x150: {  	(v2sf) =	vpush v0, $0x9;
	[tilespmem:s18+$0x8780] =	vst v1  }
0x151: {  	v1 =	vld [tilespmem:s0+$0x790];
	_ =	sdelay $0x1  }
0x152: {  	s23 =	spop (v2sf)  }
0x153: {  	s0 =	sand.u32 $0x3, s23  }
0x154: {  	s0 =	sshll.u32 s0, $0x5  }
0x155: {  	s0 =	sadd.s32 $0x0, s0;
	[tilespmem:s18+$0x8790] =	vst v1  }
0x156: {  	v1 =	vld [tilespmem:s0+$0x800];
	_ =	sdelay $0x4  }
0x157: {  	(v2sf) =	vpush v0, $0xA;
	[tilespmem:s18+$0x8800] =	vst v1  }
0x158: {  	v1 =	vld [tilespmem:s0+$0x810];
	_ =	sdelay $0x1  }
0x159: {  	s24 =	spop (v2sf)  }
0x15a: {  	s0 =	sand.u32 $0x3, s24  }
0x15b: {  	s0 =	sshll.u32 s0, $0x5  }
0x15c: {  	s0 =	sadd.s32 $0x0, s0;
	[tilespmem:s18+$0x8810] =	vst v1  }
0x15d: {  	v1 =	vld [tilespmem:s0+$0x880];
	_ =	sdelay $0x4  }
0x15e: {  	(v2sf) =	vpush v0, $0xB;
	[tilespmem:s18+$0x8880] =	vst v1  }
0x15f: {  	v1 =	vld [tilespmem:s0+$0x890];
	_ =	sdelay $0x1  }
0x160: {  	s25 =	spop (v2sf)  }
0x161: {  	s0 =	sand.u32 $0x3, s25  }
0x162: {  	s0 =	sshll.u32 s0, $0x5  }
0x163: {  	s0 =	sadd.s32 $0x0, s0;
	[tilespmem:s18+$0x8890] =	vst v1  }
0x164: {  	v1 =	vld [tilespmem:s0+$0x900];
	_ =	sdelay $0x4  }
0x165: {  	(v2sf) =	vpush v0, $0xC;
	[tilespmem:s18+$0x8900] =	vst v1  }
0x166: {  	v1 =	vld [tilespmem:s0+$0x910];
	_ =	sdelay $0x1  }
0x167: {  	s26 =	spop (v2sf)  }
0x168: {  	s0 =	sand.u32 $0x3, s26  }
0x169: {  	s0 =	sshll.u32 s0, $0x5  }
0x16a: {  	s0 =	sadd.s32 $0x0, s0;
	[tilespmem:s18+$0x8910] =	vst v1  }
0x16b: {  	v1 =	vld [tilespmem:s0+$0x980];
	_ =	sdelay $0x4  }
0x16c: {  	(v2sf) =	vpush v0, $0xD;
	[tilespmem:s18+$0x8980] =	vst v1  }
0x16d: {  	v1 =	vld [tilespmem:s0+$0x990];
	_ =	sdelay $0x1  }
0x16e: {  	s28 =	spop (v2sf)  }
0x16f: {  	s0 =	sand.u32 $0x3, s28  }
0x170: {  	s0 =	sshll.u32 s0, $0x5  }
0x171: {  	s0 =	sadd.s32 $0x0, s0;
	[tilespmem:s18+$0x8990] =	vst v1  }
0x172: {  	v1 =	vld [tilespmem:s0+$0xA00];
	_ =	sdelay $0x4  }
0x173: {  	(v2sf) =	vpush v0, $0xE;
	[tilespmem:s18+$0x8A00] =	vst v1  }
0x174: {  	v1 =	vld [tilespmem:s0+$0xA10];
	_ =	sdelay $0x1  }
0x175: {  	s29 =	spop (v2sf)  }
0x176: {  	s0 =	sand.u32 $0x3, s29  }
0x177: {  	s0 =	sshll.u32 s0, $0x5  }
0x178: {  	s0 =	sadd.s32 $0x0, s0;
	[tilespmem:s18+$0x8A10] =	vst v1  }
0x179: {  	v1 =	vld [tilespmem:s0+$0xA80];
	_ =	sdelay $0x4  }
0x17a: {  	(v2sf) =	vpush v0, $0xF;
	[tilespmem:s18+$0x8A80] =	vst v1  }
0x17b: {  	v0 =	vld [tilespmem:s0+$0xA90];
	_ =	sdelay $0x1  }
0x17c: {  	s30 =	spop (v2sf)  }
0x17d: {  	s0 =	sand.u32 $0x3, s30  }
0x17e: {  	s0 =	sshll.u32 s0, $0x5  }
0x17f: {  	s0 =	sadd.s32 $0x0, s0;
	[tilespmem:s18+$0x8A90] =	vst v0  }
0x180: {  	v0 =	vld [tilespmem:s0+$0xB00];
	_ =	sdelay $0x4  }
0x181: {  	[tilespmem:s18+$0x8B00] =	vst v0  }
0x182: {  	v0 =	vld [tilespmem:s0+$0xB10];
	_ =	sdelay $0x1  }
0x183: {  	s31 =	spop (v2sf)  }
0x184: {  	s0 =	sand.u32 $0x3, s31  }
0x185: {  	s0 =	sshll.u32 s0, $0x5  }
0x186: {  	s0 =	sadd.s32 $0x0, s0;
	[tilespmem:s18+$0x8B10] =	vst v0  }
0x187: {  	v0 =	vld [tilespmem:s0+$0xB80];
	_ =	sdelay $0x4  }
0x188: {  	[tilespmem:s18+$0x8B80] =	vst v0  }
0x189: {  	s19 =	simm.s32 $0x2000;
	v0 =	vld [tilespmem:s0+$0xB90]  }
.LBB2_4:
0x18a: {  	_ =	sdelay $0x2  }
0x18b: {  	p0 =	sne.s32 s19, $0xE000  }
0x18c: {  	s17 =	sadd.s32 $0x10, s17;
	s0 =	smov.u32 s19;
	s19 =	sadd.s32 $0x2000, s19;
	[tilespmem:s18+$0x8B90] =	vst v0  }
0x18d: {  	v0 =	vld [tilespmem:s17+$0x0];
	_ =	sdelay $0x4  }
0x18e: {  	(v2sf) =	vpush v0, $0x0  }
0x18f: {  	(v2sf) =	vpush v0, $0x1;
	_ =	sdelay $0x1  }
0x190: {  	(v2sf) =	vpush v0, $0x2  }
0x191: {  	(v2sf) =	vpush v0, $0x3  }
0x192: {  	(v2sf) =	vpush v0, $0x4  }
0x193: {  	(v2sf) =	vpush v0, $0x5  }
0x194: {  	(v2sf) =	vpush v0, $0x6  }
0x195: {  	(v2sf) =	vpush v0, $0x7  }
0x196: {  	(v2sf) =	vpush v0, $0x8  }
0x197: {  	(v2sf) =	vpush v0, $0x9  }
0x198: {  	(v2sf) =	vpush v0, $0xA  }
0x199: {  	(v2sf) =	vpush v0, $0xB  }
0x19a: {  	(v2sf) =	vpush v0, $0xC  }
0x19b: {  	(v2sf) =	vpush v0, $0xD  }
0x19c: {  	s1 =	spop (v2sf)  }
0x19d: {  	s1 =	sand.u32 $0x3, s1;
	s10 =	spop (v2sf);
	(v2sf) =	vpush v0, $0xE  }
0x19e: {  	s18 =	sshra.s32 s0, $0x2;
	s1 =	sshll.u32 s1, $0x5;
	s0 =	sand.u32 $0x3, s10;
	(v2sf) =	vpush v0, $0xF  }
0x19f: {  	s12 =	sadd.s32 s18, s1;
	s13 =	sshll.u32 s0, $0x5;
	s0 =	spop (v2sf)  }
0x1a0: {  	v0 =	vld [tilespmem:s12+$0x400];
	s0 =	sand.u32 $0x3, s0;
	s1 =	spop (v2sf)  }
0x1a1: {  	s10 =	sshll.u32 s0, $0x5;
	s0 =	sand.u32 $0x3, s1;
	s20 =	spop (v2sf)  }
0x1a2: {  	s1 =	sshll.u32 s0, $0x5;
	s0 =	sand.u32 $0x3, s20;
	s20 =	spop (v2sf)  }
0x1a3: {  	s0 =	sshll.u32 s0, $0x5;
	s20 =	sand.u32 $0x3, s20;
	s21 =	spop (v2sf)  }
0x1a4: {  	s31 =	sshll.u32 s20, $0x5;
	s20 =	sand.u32 $0x3, s21;
	s21 =	spop (v2sf)  }
0x1a5: {  	[tilespmem:s18+$0x8400] =	vst v0;
	s30 =	sshll.u32 s20, $0x5;
	s20 =	sand.u32 $0x3, s21;
	s21 =	spop (v2sf)  }
0x1a6: {  	v0 =	vld [tilespmem:s12+$0x410];
	s29 =	sshll.u32 s20, $0x5;
	s12 =	sand.u32 $0x3, s21;
	s20 =	spop (v2sf)  }
0x1a7: {  	s28 =	sshll.u32 s12, $0x5;
	s12 =	sand.u32 $0x3, s20;
	s20 =	spop (v2sf)  }
0x1a8: {  	s26 =	sshll.u32 s12, $0x5;
	s12 =	sand.u32 $0x3, s20;
	s20 =	spop (v2sf)  }
0x1a9: {  	s25 =	sshll.u32 s12, $0x5;
	s12 =	sand.u32 $0x3, s20;
	s20 =	spop (v2sf)  }
0x1aa: {  	s24 =	sshll.u32 s12, $0x5;
	s12 =	sand.u32 $0x3, s20;
	s20 =	spop (v2sf)  }
0x1ab: {  	s13 =	sadd.s32 s18, s13;
	[tilespmem:s18+$0x8410] =	vst v0;
	s23 =	sshll.u32 s12, $0x5;
	s12 =	sand.u32 $0x3, s20  }
0x1ac: {  	v0 =	vld [tilespmem:s13+$0x480];
	s22 =	sshll.u32 s12, $0x5;
	s12 =	spop (v2sf)  }
0x1ad: {  	s12 =	sand.u32 $0x3, s12;
	s20 =	spop (v2sf)  }
0x1ae: {  	s21 =	sshll.u32 s12, $0x5;
	s12 =	sand.u32 $0x3, s20  }
0x1af: {  	s20 =	sshll.u32 s12, $0x5;
	_ =	sdelay $0x1  }
0x1b0: {  	[tilespmem:s18+$0x8480] =	vst v0  }
0x1b1: {  	v0 =	vld [tilespmem:s13+$0x490];
	_ =	sdelay $0x4  }
0x1b2: {  	s10 =	sadd.s32 s18, s10;
	[tilespmem:s18+$0x8490] =	vst v0  }
0x1b3: {  	v0 =	vld [tilespmem:s10+$0x500];
	_ =	sdelay $0x4  }
0x1b4: {  	[tilespmem:s18+$0x8500] =	vst v0  }
0x1b5: {  	v0 =	vld [tilespmem:s10+$0x510];
	_ =	sdelay $0x4  }
0x1b6: {  	s1 =	sadd.s32 s18, s1;
	[tilespmem:s18+$0x8510] =	vst v0  }
0x1b7: {  	v0 =	vld [tilespmem:s1+$0x580];
	_ =	sdelay $0x4  }
0x1b8: {  	[tilespmem:s18+$0x8580] =	vst v0  }
0x1b9: {  	v0 =	vld [tilespmem:s1+$0x590];
	_ =	sdelay $0x4  }
0x1ba: {  	s0 =	sadd.s32 s18, s0;
	[tilespmem:s18+$0x8590] =	vst v0  }
0x1bb: {  	v0 =	vld [tilespmem:s0+$0x600];
	_ =	sdelay $0x4  }
0x1bc: {  	[tilespmem:s18+$0x8600] =	vst v0  }
0x1bd: {  	v0 =	vld [tilespmem:s0+$0x610];
	_ =	sdelay $0x4  }
0x1be: {  	s0 =	sadd.s32 s18, s31;
	[tilespmem:s18+$0x8610] =	vst v0  }
0x1bf: {  	v0 =	vld [tilespmem:s0+$0x680];
	_ =	sdelay $0x4  }
0x1c0: {  	[tilespmem:s18+$0x8680] =	vst v0  }
0x1c1: {  	v0 =	vld [tilespmem:s0+$0x690];
	_ =	sdelay $0x4  }
0x1c2: {  	s0 =	sadd.s32 s18, s30;
	[tilespmem:s18+$0x8690] =	vst v0  }
0x1c3: {  	v0 =	vld [tilespmem:s0+$0x700];
	_ =	sdelay $0x4  }
0x1c4: {  	[tilespmem:s18+$0x8700] =	vst v0  }
0x1c5: {  	v0 =	vld [tilespmem:s0+$0x710];
	_ =	sdelay $0x4  }
0x1c6: {  	s0 =	sadd.s32 s18, s29;
	[tilespmem:s18+$0x8710] =	vst v0  }
0x1c7: {  	v0 =	vld [tilespmem:s0+$0x780];
	_ =	sdelay $0x4  }
0x1c8: {  	[tilespmem:s18+$0x8780] =	vst v0  }
0x1c9: {  	v0 =	vld [tilespmem:s0+$0x790];
	_ =	sdelay $0x4  }
0x1ca: {  	s0 =	sadd.s32 s18, s28;
	[tilespmem:s18+$0x8790] =	vst v0  }
0x1cb: {  	v0 =	vld [tilespmem:s0+$0x800];
	_ =	sdelay $0x4  }
0x1cc: {  	[tilespmem:s18+$0x8800] =	vst v0  }
0x1cd: {  	v0 =	vld [tilespmem:s0+$0x810];
	_ =	sdelay $0x4  }
0x1ce: {  	s0 =	sadd.s32 s18, s26;
	[tilespmem:s18+$0x8810] =	vst v0  }
0x1cf: {  	v0 =	vld [tilespmem:s0+$0x880];
	_ =	sdelay $0x4  }
0x1d0: {  	[tilespmem:s18+$0x8880] =	vst v0  }
0x1d1: {  	v0 =	vld [tilespmem:s0+$0x890];
	_ =	sdelay $0x4  }
0x1d2: {  	s0 =	sadd.s32 s18, s25;
	[tilespmem:s18+$0x8890] =	vst v0  }
0x1d3: {  	v0 =	vld [tilespmem:s0+$0x900];
	_ =	sdelay $0x4  }
0x1d4: {  	[tilespmem:s18+$0x8900] =	vst v0  }
0x1d5: {  	v0 =	vld [tilespmem:s0+$0x910];
	_ =	sdelay $0x4  }
0x1d6: {  	s0 =	sadd.s32 s18, s24;
	[tilespmem:s18+$0x8910] =	vst v0  }
0x1d7: {  	v0 =	vld [tilespmem:s0+$0x980];
	_ =	sdelay $0x4  }
0x1d8: {  	[tilespmem:s18+$0x8980] =	vst v0  }
0x1d9: {  	v0 =	vld [tilespmem:s0+$0x990];
	_ =	sdelay $0x4  }
0x1da: {  	s0 =	sadd.s32 s18, s23;
	[tilespmem:s18+$0x8990] =	vst v0  }
0x1db: {  	v0 =	vld [tilespmem:s0+$0xA00];
	_ =	sdelay $0x4  }
0x1dc: {  	[tilespmem:s18+$0x8A00] =	vst v0  }
0x1dd: {  	v0 =	vld [tilespmem:s0+$0xA10];
	_ =	sdelay $0x4  }
0x1de: {  	s0 =	sadd.s32 s18, s22;
	[tilespmem:s18+$0x8A10] =	vst v0  }
0x1df: {  	v0 =	vld [tilespmem:s0+$0xA80];
	_ =	sdelay $0x4  }
0x1e0: {  	[tilespmem:s18+$0x8A80] =	vst v0  }
0x1e1: {  	v0 =	vld [tilespmem:s0+$0xA90];
	_ =	sdelay $0x4  }
0x1e2: {  	s0 =	sadd.s32 s18, s21;
	[tilespmem:s18+$0x8A90] =	vst v0  }
0x1e3: {  	v0 =	vld [tilespmem:s0+$0xB00];
	_ =	sdelay $0x4  }
0x1e4: {  	[tilespmem:s18+$0x8B00] =	vst v0  }
0x1e5: {  	v0 =	vld [tilespmem:s0+$0xB10];
	_ =	sdelay $0x4  }
0x1e6: {  	s0 =	sadd.s32 s18, s20;
	[tilespmem:s18+$0x8B10] =	vst v0  }
0x1e7: {  	v0 =	vld [tilespmem:s0+$0xB80];
	_ =	sdelay $0x1  }
.Ltmp1:
0x1e8: {  	(pc) =	sbr.rel @p0 .LBB2_4-.Ltmp1, $3  }
0x1e9: {  	_ =	sdelay $0x1  }
0x1ea: {  	[tilespmem:s18+$0x8B80] =	vst v0  }
0x1eb: {  	v0 =	vld [tilespmem:s0+$0xB90]  }
0x1ec: {  	_ =	sdelay $0x3  }
0x1ed: {  	s0 =	simm.s32 $0x300;
	[tilespmem:s18+$0x8B90] =	vst v0  }
0x1ee: {  	[tilespmem:s8], [sflag:$0x1] =	stream.indirect.gather [hbm4b:s3+s7], $0x80, s0, s7, $0xb8;
	[tilespmem:$0x14400] =	vst v63  }
0x1ef: {  	_ =	swait.ge [sflag:s11], $0x4000  }
0x1f0: {  	[sflag:s11] =	ssyncset.done $0x0  }
0x1f1: {  	s17 =	simm.s32 $0x100;
	[sflag:s11] =	ssyncadd.s32 $0xFFFFC000  }
0x1f2: {  	v0 =	vld [tilespmem:s17+$0x0];
	_ =	sdelay $0x4  }
0x1f3: {  	(v2sf) =	vpush v0, $0x0;
	_ =	sdelay $0xb  }
0x1f4: {  	(v2sf) =	vpush v0, $0x1;
	_ =	sdelay $0x2  }
0x1f5: {  	s1 =	spop (v2sf)  }
0x1f6: {  	s0 =	sand.u32 $0x3, s1  }
0x1f7: {  	s0 =	sshll.u32 s0, $0x5  }
0x1f8: {  	s0 =	sadd.s32 $0x0, s0  }
0x1f9: {  	v1 =	vld [tilespmem:s0+$0x400];
	_ =	sdelay $0x3  }
0x1fa: {  	s18 =	simm.s32 $0x0  }
0x1fb: {  	(v2sf) =	vpush v0, $0x2;
	[tilespmem:s18+$0xC400] =	vst v1  }
0x1fc: {  	v1 =	vld [tilespmem:s0+$0x410];
	_ =	sdelay $0x1  }
0x1fd: {  	s10 =	spop (v2sf)  }
0x1fe: {  	s0 =	sand.u32 $0x3, s10  }
0x1ff: {  	s0 =	sshll.u32 s0, $0x5  }
0x200: {  	s0 =	sadd.s32 $0x0, s0;
	[tilespmem:s18+$0xC410] =	vst v1  }
0x201: {  	v1 =	vld [tilespmem:s0+$0x480];
	_ =	sdelay $0x4  }
0x202: {  	(v2sf) =	vpush v0, $0x3;
	[tilespmem:s18+$0xC480] =	vst v1  }
0x203: {  	v1 =	vld [tilespmem:s0+$0x490];
	_ =	sdelay $0x1  }
0x204: {  	s12 =	spop (v2sf)  }
0x205: {  	s0 =	sand.u32 $0x3, s12  }
0x206: {  	s0 =	sshll.u32 s0, $0x5  }
0x207: {  	s0 =	sadd.s32 $0x0, s0;
	[tilespmem:s18+$0xC490] =	vst v1  }
0x208: {  	v1 =	vld [tilespmem:s0+$0x500];
	_ =	sdelay $0x4  }
0x209: {  	(v2sf) =	vpush v0, $0x4;
	[tilespmem:s18+$0xC500] =	vst v1  }
0x20a: {  	v1 =	vld [tilespmem:s0+$0x510];
	_ =	sdelay $0x1  }
0x20b: {  	s13 =	spop (v2sf)  }
0x20c: {  	s0 =	sand.u32 $0x3, s13  }
0x20d: {  	s0 =	sshll.u32 s0, $0x5  }
0x20e: {  	s0 =	sadd.s32 $0x0, s0;
	[tilespmem:s18+$0xC510] =	vst v1  }
0x20f: {  	v1 =	vld [tilespmem:s0+$0x580];
	_ =	sdelay $0x4  }
0x210: {  	(v2sf) =	vpush v0, $0x5;
	[tilespmem:s18+$0xC580] =	vst v1  }
0x211: {  	v1 =	vld [tilespmem:s0+$0x590];
	_ =	sdelay $0x1  }
0x212: {  	s19 =	spop (v2sf)  }
0x213: {  	s0 =	sand.u32 $0x3, s19  }
0x214: {  	s0 =	sshll.u32 s0, $0x5  }
0x215: {  	s0 =	sadd.s32 $0x0, s0;
	[tilespmem:s18+$0xC590] =	vst v1  }
0x216: {  	v1 =	vld [tilespmem:s0+$0x600];
	_ =	sdelay $0x4  }
0x217: {  	(v2sf) =	vpush v0, $0x6;
	[tilespmem:s18+$0xC600] =	vst v1  }
0x218: {  	v1 =	vld [tilespmem:s0+$0x610];
	_ =	sdelay $0x1  }
0x219: {  	s20 =	spop (v2sf)  }
0x21a: {  	s0 =	sand.u32 $0x3, s20  }
0x21b: {  	s0 =	sshll.u32 s0, $0x5  }
0x21c: {  	s0 =	sadd.s32 $0x0, s0;
	[tilespmem:s18+$0xC610] =	vst v1  }
0x21d: {  	v1 =	vld [tilespmem:s0+$0x680];
	_ =	sdelay $0x4  }
0x21e: {  	(v2sf) =	vpush v0, $0x7;
	[tilespmem:s18+$0xC680] =	vst v1  }
0x21f: {  	v1 =	vld [tilespmem:s0+$0x690];
	_ =	sdelay $0x1  }
0x220: {  	s21 =	spop (v2sf)  }
0x221: {  	s0 =	sand.u32 $0x3, s21  }
0x222: {  	s0 =	sshll.u32 s0, $0x5  }
0x223: {  	s0 =	sadd.s32 $0x0, s0;
	[tilespmem:s18+$0xC690] =	vst v1  }
0x224: {  	v1 =	vld [tilespmem:s0+$0x700];
	_ =	sdelay $0x4  }
0x225: {  	(v2sf) =	vpush v0, $0x8;
	[tilespmem:s18+$0xC700] =	vst v1  }
0x226: {  	v1 =	vld [tilespmem:s0+$0x710];
	_ =	sdelay $0x1  }
0x227: {  	s22 =	spop (v2sf)  }
0x228: {  	s0 =	sand.u32 $0x3, s22  }
0x229: {  	s0 =	sshll.u32 s0, $0x5  }
0x22a: {  	s0 =	sadd.s32 $0x0, s0;
	[tilespmem:s18+$0xC710] =	vst v1  }
0x22b: {  	v1 =	vld [tilespmem:s0+$0x780];
	_ =	sdelay $0x4  }
0x22c: {  	(v2sf) =	vpush v0, $0x9;
	[tilespmem:s18+$0xC780] =	vst v1  }
0x22d: {  	v1 =	vld [tilespmem:s0+$0x790];
	_ =	sdelay $0x1  }
0x22e: {  	s23 =	spop (v2sf)  }
0x22f: {  	s0 =	sand.u32 $0x3, s23  }
0x230: {  	s0 =	sshll.u32 s0, $0x5  }
0x231: {  	s0 =	sadd.s32 $0x0, s0;
	[tilespmem:s18+$0xC790] =	vst v1  }
0x232: {  	v1 =	vld [tilespmem:s0+$0x800];
	_ =	sdelay $0x4  }
0x233: {  	(v2sf) =	vpush v0, $0xA;
	[tilespmem:s18+$0xC800] =	vst v1  }
0x234: {  	v1 =	vld [tilespmem:s0+$0x810];
	_ =	sdelay $0x1  }
0x235: {  	s24 =	spop (v2sf)  }
0x236: {  	s0 =	sand.u32 $0x3, s24  }
0x237: {  	s0 =	sshll.u32 s0, $0x5  }
0x238: {  	s0 =	sadd.s32 $0x0, s0;
	[tilespmem:s18+$0xC810] =	vst v1  }
0x239: {  	v1 =	vld [tilespmem:s0+$0x880];
	_ =	sdelay $0x4  }
0x23a: {  	(v2sf) =	vpush v0, $0xB;
	[tilespmem:s18+$0xC880] =	vst v1  }
0x23b: {  	v1 =	vld [tilespmem:s0+$0x890];
	_ =	sdelay $0x1  }
0x23c: {  	s25 =	spop (v2sf)  }
0x23d: {  	s0 =	sand.u32 $0x3, s25  }
0x23e: {  	s0 =	sshll.u32 s0, $0x5  }
0x23f: {  	s0 =	sadd.s32 $0x0, s0;
	[tilespmem:s18+$0xC890] =	vst v1  }
0x240: {  	v1 =	vld [tilespmem:s0+$0x900];
	_ =	sdelay $0x4  }
0x241: {  	(v2sf) =	vpush v0, $0xC;
	[tilespmem:s18+$0xC900] =	vst v1  }
0x242: {  	v1 =	vld [tilespmem:s0+$0x910];
	_ =	sdelay $0x1  }
0x243: {  	s26 =	spop (v2sf)  }
0x244: {  	s0 =	sand.u32 $0x3, s26  }
0x245: {  	s0 =	sshll.u32 s0, $0x5  }
0x246: {  	s0 =	sadd.s32 $0x0, s0;
	[tilespmem:s18+$0xC910] =	vst v1  }
0x247: {  	v1 =	vld [tilespmem:s0+$0x980];
	_ =	sdelay $0x4  }
0x248: {  	(v2sf) =	vpush v0, $0xD;
	[tilespmem:s18+$0xC980] =	vst v1  }
0x249: {  	v1 =	vld [tilespmem:s0+$0x990];
	_ =	sdelay $0x1  }
0x24a: {  	s28 =	spop (v2sf)  }
0x24b: {  	s0 =	sand.u32 $0x3, s28  }
0x24c: {  	s0 =	sshll.u32 s0, $0x5  }
0x24d: {  	s0 =	sadd.s32 $0x0, s0;
	[tilespmem:s18+$0xC990] =	vst v1  }
0x24e: {  	v1 =	vld [tilespmem:s0+$0xA00];
	_ =	sdelay $0x4  }
0x24f: {  	(v2sf) =	vpush v0, $0xE;
	[tilespmem:s18+$0xCA00] =	vst v1  }
0x250: {  	v1 =	vld [tilespmem:s0+$0xA10];
	_ =	sdelay $0x1  }
0x251: {  	s29 =	spop (v2sf)  }
0x252: {  	s0 =	sand.u32 $0x3, s29  }
0x253: {  	s0 =	sshll.u32 s0, $0x5  }
0x254: {  	s0 =	sadd.s32 $0x0, s0;
	[tilespmem:s18+$0xCA10] =	vst v1  }
0x255: {  	v1 =	vld [tilespmem:s0+$0xA80];
	_ =	sdelay $0x4  }
0x256: {  	(v2sf) =	vpush v0, $0xF;
	[tilespmem:s18+$0xCA80] =	vst v1  }
0x257: {  	v0 =	vld [tilespmem:s0+$0xA90];
	_ =	sdelay $0x1  }
0x258: {  	s30 =	spop (v2sf)  }
0x259: {  	s0 =	sand.u32 $0x3, s30  }
0x25a: {  	s0 =	sshll.u32 s0, $0x5  }
0x25b: {  	s0 =	sadd.s32 $0x0, s0;
	[tilespmem:s18+$0xCA90] =	vst v0  }
0x25c: {  	v0 =	vld [tilespmem:s0+$0xB00];
	_ =	sdelay $0x4  }
0x25d: {  	[tilespmem:s18+$0xCB00] =	vst v0  }
0x25e: {  	v0 =	vld [tilespmem:s0+$0xB10];
	_ =	sdelay $0x1  }
0x25f: {  	s31 =	spop (v2sf)  }
0x260: {  	s0 =	sand.u32 $0x3, s31  }
0x261: {  	s0 =	sshll.u32 s0, $0x5  }
0x262: {  	s0 =	sadd.s32 $0x0, s0;
	[tilespmem:s18+$0xCB10] =	vst v0  }
0x263: {  	v0 =	vld [tilespmem:s0+$0xB80];
	_ =	sdelay $0x4  }
0x264: {  	[tilespmem:s18+$0xCB80] =	vst v0  }
0x265: {  	s19 =	simm.s32 $0x2000;
	v0 =	vld [tilespmem:s0+$0xB90]  }
.LBB2_6:
0x266: {  	_ =	sdelay $0x2  }
0x267: {  	p0 =	sne.s32 s19, $0xE000  }
0x268: {  	s17 =	sadd.s32 $0x10, s17;
	s0 =	smov.u32 s19;
	s19 =	sadd.s32 $0x2000, s19;
	[tilespmem:s18+$0xCB90] =	vst v0  }
0x269: {  	v0 =	vld [tilespmem:s17+$0x0];
	_ =	sdelay $0x4  }
0x26a: {  	(v2sf) =	vpush v0, $0x0  }
0x26b: {  	(v2sf) =	vpush v0, $0x1;
	_ =	sdelay $0x1  }
0x26c: {  	(v2sf) =	vpush v0, $0x2  }
0x26d: {  	(v2sf) =	vpush v0, $0x3  }
0x26e: {  	(v2sf) =	vpush v0, $0x4  }
0x26f: {  	(v2sf) =	vpush v0, $0x5  }
0x270: {  	(v2sf) =	vpush v0, $0x6  }
0x271: {  	(v2sf) =	vpush v0, $0x7  }
0x272: {  	(v2sf) =	vpush v0, $0x8  }
0x273: {  	(v2sf) =	vpush v0, $0x9  }
0x274: {  	(v2sf) =	vpush v0, $0xA  }
0x275: {  	(v2sf) =	vpush v0, $0xB  }
0x276: {  	(v2sf) =	vpush v0, $0xC  }
0x277: {  	(v2sf) =	vpush v0, $0xD  }
0x278: {  	s1 =	spop (v2sf)  }
0x279: {  	s1 =	sand.u32 $0x3, s1;
	s10 =	spop (v2sf);
	(v2sf) =	vpush v0, $0xE  }
0x27a: {  	s18 =	sshra.s32 s0, $0x2;
	s1 =	sshll.u32 s1, $0x5;
	s0 =	sand.u32 $0x3, s10;
	(v2sf) =	vpush v0, $0xF  }
0x27b: {  	s12 =	sadd.s32 s18, s1;
	s13 =	sshll.u32 s0, $0x5;
	s0 =	spop (v2sf)  }
0x27c: {  	v0 =	vld [tilespmem:s12+$0x400];
	s0 =	sand.u32 $0x3, s0;
	s1 =	spop (v2sf)  }
0x27d: {  	s10 =	sshll.u32 s0, $0x5;
	s0 =	sand.u32 $0x3, s1;
	s20 =	spop (v2sf)  }
0x27e: {  	s1 =	sshll.u32 s0, $0x5;
	s0 =	sand.u32 $0x3, s20;
	s20 =	spop (v2sf)  }
0x27f: {  	s0 =	sshll.u32 s0, $0x5;
	s20 =	sand.u32 $0x3, s20;
	s21 =	spop (v2sf)  }
0x280: {  	s31 =	sshll.u32 s20, $0x5;
	s20 =	sand.u32 $0x3, s21;
	s21 =	spop (v2sf)  }
0x281: {  	[tilespmem:s18+$0xC400] =	vst v0;
	s30 =	sshll.u32 s20, $0x5;
	s20 =	sand.u32 $0x3, s21;
	s21 =	spop (v2sf)  }
0x282: {  	v0 =	vld [tilespmem:s12+$0x410];
	s29 =	sshll.u32 s20, $0x5;
	s12 =	sand.u32 $0x3, s21;
	s20 =	spop (v2sf)  }
0x283: {  	s28 =	sshll.u32 s12, $0x5;
	s12 =	sand.u32 $0x3, s20;
	s20 =	spop (v2sf)  }
0x284: {  	s26 =	sshll.u32 s12, $0x5;
	s12 =	sand.u32 $0x3, s20;
	s20 =	spop (v2sf)  }
0x285: {  	s25 =	sshll.u32 s12, $0x5;
	s12 =	sand.u32 $0x3, s20;
	s20 =	spop (v2sf)  }
0x286: {  	s24 =	sshll.u32 s12, $0x5;
	s12 =	sand.u32 $0x3, s20;
	s20 =	spop (v2sf)  }
0x287: {  	s13 =	sadd.s32 s18, s13;
	[tilespmem:s18+$0xC410] =	vst v0;
	s23 =	sshll.u32 s12, $0x5;
	s12 =	sand.u32 $0x3, s20  }
0x288: {  	v0 =	vld [tilespmem:s13+$0x480];
	s22 =	sshll.u32 s12, $0x5;
	s12 =	spop (v2sf)  }
0x289: {  	s12 =	sand.u32 $0x3, s12;
	s20 =	spop (v2sf)  }
0x28a: {  	s21 =	sshll.u32 s12, $0x5;
	s12 =	sand.u32 $0x3, s20  }
0x28b: {  	s20 =	sshll.u32 s12, $0x5;
	_ =	sdelay $0x1  }
0x28c: {  	[tilespmem:s18+$0xC480] =	vst v0  }
0x28d: {  	v0 =	vld [tilespmem:s13+$0x490];
	_ =	sdelay $0x4  }
0x28e: {  	s10 =	sadd.s32 s18, s10;
	[tilespmem:s18+$0xC490] =	vst v0  }
0x28f: {  	v0 =	vld [tilespmem:s10+$0x500];
	_ =	sdelay $0x4  }
0x290: {  	[tilespmem:s18+$0xC500] =	vst v0  }
0x291: {  	v0 =	vld [tilespmem:s10+$0x510];
	_ =	sdelay $0x4  }
0x292: {  	s1 =	sadd.s32 s18, s1;
	[tilespmem:s18+$0xC510] =	vst v0  }
0x293: {  	v0 =	vld [tilespmem:s1+$0x580];
	_ =	sdelay $0x4  }
0x294: {  	[tilespmem:s18+$0xC580] =	vst v0  }
0x295: {  	v0 =	vld [tilespmem:s1+$0x590];
	_ =	sdelay $0x4  }
0x296: {  	s0 =	sadd.s32 s18, s0;
	[tilespmem:s18+$0xC590] =	vst v0  }
0x297: {  	v0 =	vld [tilespmem:s0+$0x600];
	_ =	sdelay $0x4  }
0x298: {  	[tilespmem:s18+$0xC600] =	vst v0  }
0x299: {  	v0 =	vld [tilespmem:s0+$0x610];
	_ =	sdelay $0x4  }
0x29a: {  	s0 =	sadd.s32 s18, s31;
	[tilespmem:s18+$0xC610] =	vst v0  }
0x29b: {  	v0 =	vld [tilespmem:s0+$0x680];
	_ =	sdelay $0x4  }
0x29c: {  	[tilespmem:s18+$0xC680] =	vst v0  }
0x29d: {  	v0 =	vld [tilespmem:s0+$0x690];
	_ =	sdelay $0x4  }
0x29e: {  	s0 =	sadd.s32 s18, s30;
	[tilespmem:s18+$0xC690] =	vst v0  }
0x29f: {  	v0 =	vld [tilespmem:s0+$0x700];
	_ =	sdelay $0x4  }
0x2a0: {  	[tilespmem:s18+$0xC700] =	vst v0  }
0x2a1: {  	v0 =	vld [tilespmem:s0+$0x710];
	_ =	sdelay $0x4  }
0x2a2: {  	s0 =	sadd.s32 s18, s29;
	[tilespmem:s18+$0xC710] =	vst v0  }
0x2a3: {  	v0 =	vld [tilespmem:s0+$0x780];
	_ =	sdelay $0x4  }
0x2a4: {  	[tilespmem:s18+$0xC780] =	vst v0  }
0x2a5: {  	v0 =	vld [tilespmem:s0+$0x790];
	_ =	sdelay $0x4  }
0x2a6: {  	s0 =	sadd.s32 s18, s28;
	[tilespmem:s18+$0xC790] =	vst v0  }
0x2a7: {  	v0 =	vld [tilespmem:s0+$0x800];
	_ =	sdelay $0x4  }
0x2a8: {  	[tilespmem:s18+$0xC800] =	vst v0  }
0x2a9: {  	v0 =	vld [tilespmem:s0+$0x810];
	_ =	sdelay $0x4  }
0x2aa: {  	s0 =	sadd.s32 s18, s26;
	[tilespmem:s18+$0xC810] =	vst v0  }
0x2ab: {  	v0 =	vld [tilespmem:s0+$0x880];
	_ =	sdelay $0x4  }
0x2ac: {  	[tilespmem:s18+$0xC880] =	vst v0  }
0x2ad: {  	v0 =	vld [tilespmem:s0+$0x890];
	_ =	sdelay $0x4  }
0x2ae: {  	s0 =	sadd.s32 s18, s25;
	[tilespmem:s18+$0xC890] =	vst v0  }
0x2af: {  	v0 =	vld [tilespmem:s0+$0x900];
	_ =	sdelay $0x4  }
0x2b0: {  	[tilespmem:s18+$0xC900] =	vst v0  }
0x2b1: {  	v0 =	vld [tilespmem:s0+$0x910];
	_ =	sdelay $0x4  }
0x2b2: {  	s0 =	sadd.s32 s18, s24;
	[tilespmem:s18+$0xC910] =	vst v0  }
0x2b3: {  	v0 =	vld [tilespmem:s0+$0x980];
	_ =	sdelay $0x4  }
0x2b4: {  	[tilespmem:s18+$0xC980] =	vst v0  }
0x2b5: {  	v0 =	vld [tilespmem:s0+$0x990];
	_ =	sdelay $0x4  }
0x2b6: {  	s0 =	sadd.s32 s18, s23;
	[tilespmem:s18+$0xC990] =	vst v0  }
0x2b7: {  	v0 =	vld [tilespmem:s0+$0xA00];
	_ =	sdelay $0x4  }
0x2b8: {  	[tilespmem:s18+$0xCA00] =	vst v0  }
0x2b9: {  	v0 =	vld [tilespmem:s0+$0xA10];
	_ =	sdelay $0x4  }
0x2ba: {  	s0 =	sadd.s32 s18, s22;
	[tilespmem:s18+$0xCA10] =	vst v0  }
0x2bb: {  	v0 =	vld [tilespmem:s0+$0xA80];
	_ =	sdelay $0x4  }
0x2bc: {  	[tilespmem:s18+$0xCA80] =	vst v0  }
0x2bd: {  	v0 =	vld [tilespmem:s0+$0xA90];
	_ =	sdelay $0x4  }
0x2be: {  	s0 =	sadd.s32 s18, s21;
	[tilespmem:s18+$0xCA90] =	vst v0  }
0x2bf: {  	v0 =	vld [tilespmem:s0+$0xB00];
	_ =	sdelay $0x4  }
0x2c0: {  	[tilespmem:s18+$0xCB00] =	vst v0  }
0x2c1: {  	v0 =	vld [tilespmem:s0+$0xB10];
	_ =	sdelay $0x4  }
0x2c2: {  	s0 =	sadd.s32 s18, s20;
	[tilespmem:s18+$0xCB10] =	vst v0  }
0x2c3: {  	v0 =	vld [tilespmem:s0+$0xB80];
	_ =	sdelay $0x1  }
.Ltmp2:
0x2c4: {  	(pc) =	sbr.rel @p0 .LBB2_6-.Ltmp2, $3  }
0x2c5: {  	_ =	sdelay $0x1  }
0x2c6: {  	[tilespmem:s18+$0xCB80] =	vst v0  }
0x2c7: {  	v0 =	vld [tilespmem:s0+$0xB90]  }
0x2c8: {  	_ =	sdelay $0x3  }
0x2c9: {  	[tilespmem:s18+$0xCB90] =	vst v0  }
0x2ca: {  	[tilespmem:s8], [sflag:$0x1] =	stream.indirect.gather [hbm4b:s3+s7], $0x80, s14, s7, $0xb8;
	[tilespmem:$0x14400] =	vst v63  }
0x2cb: {  	_ =	swait.ge [sflag:s11], $0x4000  }
0x2cc: {  	[sflag:s11] =	ssyncset.done $0x0  }
0x2cd: {  	s17 =	simm.s32 $0x180;
	[sflag:s11] =	ssyncadd.s32 $0xFFFFC000  }
0x2ce: {  	v0 =	vld [tilespmem:s17+$0x0];
	_ =	sdelay $0x4  }
0x2cf: {  	(v2sf) =	vpush v0, $0x0;
	_ =	sdelay $0xb  }
0x2d0: {  	(v2sf) =	vpush v0, $0x1;
	_ =	sdelay $0x2  }
0x2d1: {  	s0 =	spop (v2sf)  }
0x2d2: {  	s0 =	sand.u32 $0x3, s0  }
0x2d3: {  	s0 =	sshll.u32 s0, $0x5  }
0x2d4: {  	s0 =	sadd.s32 $0x0, s0  }
0x2d5: {  	v1 =	vld [tilespmem:s0+$0x400];
	_ =	sdelay $0x3  }
0x2d6: {  	s18 =	simm.s32 $0x0  }
0x2d7: {  	(v2sf) =	vpush v0, $0x2;
	[tilespmem:s18+$0x10400] =	vst v1  }
0x2d8: {  	v1 =	vld [tilespmem:s0+$0x410];
	_ =	sdelay $0x1  }
0x2d9: {  	s10 =	spop (v2sf)  }
0x2da: {  	s0 =	sand.u32 $0x3, s10  }
0x2db: {  	s0 =	sshll.u32 s0, $0x5  }
0x2dc: {  	s0 =	sadd.s32 $0x0, s0;
	[tilespmem:s18+$0x10410] =	vst v1  }
0x2dd: {  	v1 =	vld [tilespmem:s0+$0x480];
	_ =	sdelay $0x4  }
0x2de: {  	(v2sf) =	vpush v0, $0x3;
	[tilespmem:s18+$0x10480] =	vst v1  }
0x2df: {  	v1 =	vld [tilespmem:s0+$0x490];
	_ =	sdelay $0x1  }
0x2e0: {  	s12 =	spop (v2sf)  }
0x2e1: {  	s0 =	sand.u32 $0x3, s12  }
0x2e2: {  	s0 =	sshll.u32 s0, $0x5  }
0x2e3: {  	s0 =	sadd.s32 $0x0, s0;
	[tilespmem:s18+$0x10490] =	vst v1  }
0x2e4: {  	v1 =	vld [tilespmem:s0+$0x500];
	_ =	sdelay $0x4  }
0x2e5: {  	(v2sf) =	vpush v0, $0x4;
	[tilespmem:s18+$0x10500] =	vst v1  }
0x2e6: {  	v1 =	vld [tilespmem:s0+$0x510];
	_ =	sdelay $0x1  }
0x2e7: {  	s13 =	spop (v2sf)  }
0x2e8: {  	s0 =	sand.u32 $0x3, s13  }
0x2e9: {  	s0 =	sshll.u32 s0, $0x5  }
0x2ea: {  	s0 =	sadd.s32 $0x0, s0;
	[tilespmem:s18+$0x10510] =	vst v1  }
0x2eb: {  	v1 =	vld [tilespmem:s0+$0x580];
	_ =	sdelay $0x4  }
0x2ec: {  	(v2sf) =	vpush v0, $0x5;
	[tilespmem:s18+$0x10580] =	vst v1  }
0x2ed: {  	v1 =	vld [tilespmem:s0+$0x590];
	_ =	sdelay $0x1  }
0x2ee: {  	s19 =	spop (v2sf)  }
0x2ef: {  	s0 =	sand.u32 $0x3, s19  }
0x2f0: {  	s0 =	sshll.u32 s0, $0x5  }
0x2f1: {  	s0 =	sadd.s32 $0x0, s0;
	[tilespmem:s18+$0x10590] =	vst v1  }
0x2f2: {  	v1 =	vld [tilespmem:s0+$0x600];
	_ =	sdelay $0x4  }
0x2f3: {  	(v2sf) =	vpush v0, $0x6;
	[tilespmem:s18+$0x10600] =	vst v1  }
0x2f4: {  	v1 =	vld [tilespmem:s0+$0x610];
	_ =	sdelay $0x1  }
0x2f5: {  	s20 =	spop (v2sf)  }
0x2f6: {  	s0 =	sand.u32 $0x3, s20  }
0x2f7: {  	s0 =	sshll.u32 s0, $0x5  }
0x2f8: {  	s0 =	sadd.s32 $0x0, s0;
	[tilespmem:s18+$0x10610] =	vst v1  }
0x2f9: {  	v1 =	vld [tilespmem:s0+$0x680];
	_ =	sdelay $0x4  }
0x2fa: {  	(v2sf) =	vpush v0, $0x7;
	[tilespmem:s18+$0x10680] =	vst v1  }
0x2fb: {  	v1 =	vld [tilespmem:s0+$0x690];
	_ =	sdelay $0x1  }
0x2fc: {  	s21 =	spop (v2sf)  }
0x2fd: {  	s0 =	sand.u32 $0x3, s21  }
0x2fe: {  	s0 =	sshll.u32 s0, $0x5  }
0x2ff: {  	s0 =	sadd.s32 $0x0, s0;
	[tilespmem:s18+$0x10690] =	vst v1  }
0x300: {  	v1 =	vld [tilespmem:s0+$0x700];
	_ =	sdelay $0x4  }
0x301: {  	(v2sf) =	vpush v0, $0x8;
	[tilespmem:s18+$0x10700] =	vst v1  }
0x302: {  	v1 =	vld [tilespmem:s0+$0x710];
	_ =	sdelay $0x1  }
0x303: {  	s22 =	spop (v2sf)  }
0x304: {  	s0 =	sand.u32 $0x3, s22  }
0x305: {  	s0 =	sshll.u32 s0, $0x5  }
0x306: {  	s0 =	sadd.s32 $0x0, s0;
	[tilespmem:s18+$0x10710] =	vst v1  }
0x307: {  	v1 =	vld [tilespmem:s0+$0x780];
	_ =	sdelay $0x4  }
0x308: {  	(v2sf) =	vpush v0, $0x9;
	[tilespmem:s18+$0x10780] =	vst v1  }
0x309: {  	v1 =	vld [tilespmem:s0+$0x790];
	_ =	sdelay $0x1  }
0x30a: {  	s23 =	spop (v2sf)  }
0x30b: {  	s0 =	sand.u32 $0x3, s23  }
0x30c: {  	s0 =	sshll.u32 s0, $0x5  }
0x30d: {  	s0 =	sadd.s32 $0x0, s0;
	[tilespmem:s18+$0x10790] =	vst v1  }
0x30e: {  	v1 =	vld [tilespmem:s0+$0x800];
	_ =	sdelay $0x4  }
0x30f: {  	(v2sf) =	vpush v0, $0xA;
	[tilespmem:s18+$0x10800] =	vst v1  }
0x310: {  	v1 =	vld [tilespmem:s0+$0x810];
	_ =	sdelay $0x1  }
0x311: {  	s24 =	spop (v2sf)  }
0x312: {  	s0 =	sand.u32 $0x3, s24  }
0x313: {  	s0 =	sshll.u32 s0, $0x5  }
0x314: {  	s0 =	sadd.s32 $0x0, s0;
	[tilespmem:s18+$0x10810] =	vst v1  }
0x315: {  	v1 =	vld [tilespmem:s0+$0x880];
	_ =	sdelay $0x4  }
0x316: {  	(v2sf) =	vpush v0, $0xB;
	[tilespmem:s18+$0x10880] =	vst v1  }
0x317: {  	v1 =	vld [tilespmem:s0+$0x890];
	_ =	sdelay $0x1  }
0x318: {  	s25 =	spop (v2sf)  }
0x319: {  	s0 =	sand.u32 $0x3, s25  }
0x31a: {  	s0 =	sshll.u32 s0, $0x5  }
0x31b: {  	s0 =	sadd.s32 $0x0, s0;
	[tilespmem:s18+$0x10890] =	vst v1  }
0x31c: {  	v1 =	vld [tilespmem:s0+$0x900];
	_ =	sdelay $0x4  }
0x31d: {  	(v2sf) =	vpush v0, $0xC;
	[tilespmem:s18+$0x10900] =	vst v1  }
0x31e: {  	v1 =	vld [tilespmem:s0+$0x910];
	_ =	sdelay $0x1  }
0x31f: {  	s26 =	spop (v2sf)  }
0x320: {  	s0 =	sand.u32 $0x3, s26  }
0x321: {  	s0 =	sshll.u32 s0, $0x5  }
0x322: {  	s0 =	sadd.s32 $0x0, s0;
	[tilespmem:s18+$0x10910] =	vst v1  }
0x323: {  	v1 =	vld [tilespmem:s0+$0x980];
	_ =	sdelay $0x4  }
0x324: {  	(v2sf) =	vpush v0, $0xD;
	[tilespmem:s18+$0x10980] =	vst v1  }
0x325: {  	v1 =	vld [tilespmem:s0+$0x990];
	_ =	sdelay $0x1  }
0x326: {  	s28 =	spop (v2sf)  }
0x327: {  	s0 =	sand.u32 $0x3, s28  }
0x328: {  	s0 =	sshll.u32 s0, $0x5  }
0x329: {  	s0 =	sadd.s32 $0x0, s0;
	[tilespmem:s18+$0x10990] =	vst v1  }
0x32a: {  	v1 =	vld [tilespmem:s0+$0xA00];
	_ =	sdelay $0x4  }
0x32b: {  	(v2sf) =	vpush v0, $0xE;
	[tilespmem:s18+$0x10A00] =	vst v1  }
0x32c: {  	v1 =	vld [tilespmem:s0+$0xA10];
	_ =	sdelay $0x1  }
0x32d: {  	s29 =	spop (v2sf)  }
0x32e: {  	s0 =	sand.u32 $0x3, s29  }
0x32f: {  	s0 =	sshll.u32 s0, $0x5  }
0x330: {  	s0 =	sadd.s32 $0x0, s0;
	[tilespmem:s18+$0x10A10] =	vst v1  }
0x331: {  	v1 =	vld [tilespmem:s0+$0xA80];
	_ =	sdelay $0x4  }
0x332: {  	(v2sf) =	vpush v0, $0xF;
	[tilespmem:s18+$0x10A80] =	vst v1  }
0x333: {  	v0 =	vld [tilespmem:s0+$0xA90];
	_ =	sdelay $0x1  }
0x334: {  	s30 =	spop (v2sf)  }
0x335: {  	s0 =	sand.u32 $0x3, s30  }
0x336: {  	s0 =	sshll.u32 s0, $0x5  }
0x337: {  	s0 =	sadd.s32 $0x0, s0;
	[tilespmem:s18+$0x10A90] =	vst v0  }
0x338: {  	v0 =	vld [tilespmem:s0+$0xB00];
	_ =	sdelay $0x4  }
0x339: {  	[tilespmem:s18+$0x10B00] =	vst v0  }
0x33a: {  	v0 =	vld [tilespmem:s0+$0xB10];
	_ =	sdelay $0x1  }
0x33b: {  	s31 =	spop (v2sf)  }
0x33c: {  	s0 =	sand.u32 $0x3, s31  }
0x33d: {  	s0 =	sshll.u32 s0, $0x5  }
0x33e: {  	s0 =	sadd.s32 $0x0, s0;
	[tilespmem:s18+$0x10B10] =	vst v0  }
0x33f: {  	v0 =	vld [tilespmem:s0+$0xB80];
	_ =	sdelay $0x4  }
0x340: {  	[tilespmem:s18+$0x10B80] =	vst v0  }
0x341: {  	s19 =	simm.s32 $0x2000;
	v0 =	vld [tilespmem:s0+$0xB90]  }
.LBB2_8:
0x342: {  	_ =	sdelay $0x2  }
0x343: {  	p0 =	sne.s32 s19, $0xE000  }
0x344: {  	s17 =	sadd.s32 $0x10, s17;
	s0 =	smov.u32 s19;
	s19 =	sadd.s32 $0x2000, s19;
	[tilespmem:s18+$0x10B90] =	vst v0  }
0x345: {  	v0 =	vld [tilespmem:s17+$0x0];
	_ =	sdelay $0x4  }
0x346: {  	(v2sf) =	vpush v0, $0x0  }
0x347: {  	(v2sf) =	vpush v0, $0x1;
	_ =	sdelay $0x1  }
0x348: {  	(v2sf) =	vpush v0, $0x2  }
0x349: {  	(v2sf) =	vpush v0, $0x3  }
0x34a: {  	(v2sf) =	vpush v0, $0x4  }
0x34b: {  	(v2sf) =	vpush v0, $0x5  }
0x34c: {  	(v2sf) =	vpush v0, $0x6  }
0x34d: {  	(v2sf) =	vpush v0, $0x7  }
0x34e: {  	(v2sf) =	vpush v0, $0x8  }
0x34f: {  	(v2sf) =	vpush v0, $0x9  }
0x350: {  	(v2sf) =	vpush v0, $0xA  }
0x351: {  	(v2sf) =	vpush v0, $0xB  }
0x352: {  	(v2sf) =	vpush v0, $0xC  }
0x353: {  	(v2sf) =	vpush v0, $0xD  }
0x354: {  	s1 =	spop (v2sf)  }
0x355: {  	s1 =	sand.u32 $0x3, s1;
	s10 =	spop (v2sf);
	(v2sf) =	vpush v0, $0xE  }
0x356: {  	s18 =	sshra.s32 s0, $0x2;
	s1 =	sshll.u32 s1, $0x5;
	s0 =	sand.u32 $0x3, s10;
	(v2sf) =	vpush v0, $0xF  }
0x357: {  	s12 =	sadd.s32 s18, s1;
	s13 =	sshll.u32 s0, $0x5;
	s0 =	spop (v2sf)  }
0x358: {  	v0 =	vld [tilespmem:s12+$0x400];
	s0 =	sand.u32 $0x3, s0;
	s1 =	spop (v2sf)  }
0x359: {  	s10 =	sshll.u32 s0, $0x5;
	s0 =	sand.u32 $0x3, s1;
	s20 =	spop (v2sf)  }
0x35a: {  	s1 =	sshll.u32 s0, $0x5;
	s0 =	sand.u32 $0x3, s20;
	s20 =	spop (v2sf)  }
0x35b: {  	s0 =	sshll.u32 s0, $0x5;
	s20 =	sand.u32 $0x3, s20;
	s21 =	spop (v2sf)  }
0x35c: {  	s31 =	sshll.u32 s20, $0x5;
	s20 =	sand.u32 $0x3, s21;
	s21 =	spop (v2sf)  }
0x35d: {  	[tilespmem:s18+$0x10400] =	vst v0;
	s30 =	sshll.u32 s20, $0x5;
	s20 =	sand.u32 $0x3, s21;
	s21 =	spop (v2sf)  }
0x35e: {  	v0 =	vld [tilespmem:s12+$0x410];
	s29 =	sshll.u32 s20, $0x5;
	s12 =	sand.u32 $0x3, s21;
	s20 =	spop (v2sf)  }
0x35f: {  	s28 =	sshll.u32 s12, $0x5;
	s12 =	sand.u32 $0x3, s20;
	s20 =	spop (v2sf)  }
0x360: {  	s26 =	sshll.u32 s12, $0x5;
	s12 =	sand.u32 $0x3, s20;
	s20 =	spop (v2sf)  }
0x361: {  	s25 =	sshll.u32 s12, $0x5;
	s12 =	sand.u32 $0x3, s20;
	s20 =	spop (v2sf)  }
0x362: {  	s24 =	sshll.u32 s12, $0x5;
	s12 =	sand.u32 $0x3, s20;
	s20 =	spop (v2sf)  }
0x363: {  	s13 =	sadd.s32 s18, s13;
	[tilespmem:s18+$0x10410] =	vst v0;
	s23 =	sshll.u32 s12, $0x5;
	s12 =	sand.u32 $0x3, s20  }
0x364: {  	v0 =	vld [tilespmem:s13+$0x480];
	s22 =	sshll.u32 s12, $0x5;
	s12 =	spop (v2sf)  }
0x365: {  	s12 =	sand.u32 $0x3, s12;
	s20 =	spop (v2sf)  }
0x366: {  	s21 =	sshll.u32 s12, $0x5;
	s12 =	sand.u32 $0x3, s20  }
0x367: {  	s20 =	sshll.u32 s12, $0x5;
	_ =	sdelay $0x1  }
0x368: {  	[tilespmem:s18+$0x10480] =	vst v0  }
0x369: {  	v0 =	vld [tilespmem:s13+$0x490];
	_ =	sdelay $0x4  }
0x36a: {  	s10 =	sadd.s32 s18, s10;
	[tilespmem:s18+$0x10490] =	vst v0  }
0x36b: {  	v0 =	vld [tilespmem:s10+$0x500];
	_ =	sdelay $0x4  }
0x36c: {  	[tilespmem:s18+$0x10500] =	vst v0  }
0x36d: {  	v0 =	vld [tilespmem:s10+$0x510];
	_ =	sdelay $0x4  }
0x36e: {  	s1 =	sadd.s32 s18, s1;
	[tilespmem:s18+$0x10510] =	vst v0  }
0x36f: {  	v0 =	vld [tilespmem:s1+$0x580];
	_ =	sdelay $0x4  }
0x370: {  	[tilespmem:s18+$0x10580] =	vst v0  }
0x371: {  	v0 =	vld [tilespmem:s1+$0x590];
	_ =	sdelay $0x4  }
0x372: {  	s0 =	sadd.s32 s18, s0;
	[tilespmem:s18+$0x10590] =	vst v0  }
0x373: {  	v0 =	vld [tilespmem:s0+$0x600];
	_ =	sdelay $0x4  }
0x374: {  	[tilespmem:s18+$0x10600] =	vst v0  }
0x375: {  	v0 =	vld [tilespmem:s0+$0x610];
	_ =	sdelay $0x4  }
0x376: {  	s0 =	sadd.s32 s18, s31;
	[tilespmem:s18+$0x10610] =	vst v0  }
0x377: {  	v0 =	vld [tilespmem:s0+$0x680];
	_ =	sdelay $0x4  }
0x378: {  	[tilespmem:s18+$0x10680] =	vst v0  }
0x379: {  	v0 =	vld [tilespmem:s0+$0x690];
	_ =	sdelay $0x4  }
0x37a: {  	s0 =	sadd.s32 s18, s30;
	[tilespmem:s18+$0x10690] =	vst v0  }
0x37b: {  	v0 =	vld [tilespmem:s0+$0x700];
	_ =	sdelay $0x4  }
0x37c: {  	[tilespmem:s18+$0x10700] =	vst v0  }
0x37d: {  	v0 =	vld [tilespmem:s0+$0x710];
	_ =	sdelay $0x4  }
0x37e: {  	s0 =	sadd.s32 s18, s29;
	[tilespmem:s18+$0x10710] =	vst v0  }
0x37f: {  	v0 =	vld [tilespmem:s0+$0x780];
	_ =	sdelay $0x4  }
0x380: {  	[tilespmem:s18+$0x10780] =	vst v0  }
0x381: {  	v0 =	vld [tilespmem:s0+$0x790];
	_ =	sdelay $0x4  }
0x382: {  	s0 =	sadd.s32 s18, s28;
	[tilespmem:s18+$0x10790] =	vst v0  }
0x383: {  	v0 =	vld [tilespmem:s0+$0x800];
	_ =	sdelay $0x4  }
0x384: {  	[tilespmem:s18+$0x10800] =	vst v0  }
0x385: {  	v0 =	vld [tilespmem:s0+$0x810];
	_ =	sdelay $0x4  }
0x386: {  	s0 =	sadd.s32 s18, s26;
	[tilespmem:s18+$0x10810] =	vst v0  }
0x387: {  	v0 =	vld [tilespmem:s0+$0x880];
	_ =	sdelay $0x4  }
0x388: {  	[tilespmem:s18+$0x10880] =	vst v0  }
0x389: {  	v0 =	vld [tilespmem:s0+$0x890];
	_ =	sdelay $0x4  }
0x38a: {  	s0 =	sadd.s32 s18, s25;
	[tilespmem:s18+$0x10890] =	vst v0  }
0x38b: {  	v0 =	vld [tilespmem:s0+$0x900];
	_ =	sdelay $0x4  }
0x38c: {  	[tilespmem:s18+$0x10900] =	vst v0  }
0x38d: {  	v0 =	vld [tilespmem:s0+$0x910];
	_ =	sdelay $0x4  }
0x38e: {  	s0 =	sadd.s32 s18, s24;
	[tilespmem:s18+$0x10910] =	vst v0  }
0x38f: {  	v0 =	vld [tilespmem:s0+$0x980];
	_ =	sdelay $0x4  }
0x390: {  	[tilespmem:s18+$0x10980] =	vst v0  }
0x391: {  	v0 =	vld [tilespmem:s0+$0x990];
	_ =	sdelay $0x4  }
0x392: {  	s0 =	sadd.s32 s18, s23;
	[tilespmem:s18+$0x10990] =	vst v0  }
0x393: {  	v0 =	vld [tilespmem:s0+$0xA00];
	_ =	sdelay $0x4  }
0x394: {  	[tilespmem:s18+$0x10A00] =	vst v0  }
0x395: {  	v0 =	vld [tilespmem:s0+$0xA10];
	_ =	sdelay $0x4  }
0x396: {  	s0 =	sadd.s32 s18, s22;
	[tilespmem:s18+$0x10A10] =	vst v0  }
0x397: {  	v0 =	vld [tilespmem:s0+$0xA80];
	_ =	sdelay $0x4  }
0x398: {  	[tilespmem:s18+$0x10A80] =	vst v0  }
0x399: {  	v0 =	vld [tilespmem:s0+$0xA90];
	_ =	sdelay $0x4  }
0x39a: {  	s0 =	sadd.s32 s18, s21;
	[tilespmem:s18+$0x10A90] =	vst v0  }
0x39b: {  	v0 =	vld [tilespmem:s0+$0xB00];
	_ =	sdelay $0x4  }
0x39c: {  	[tilespmem:s18+$0x10B00] =	vst v0  }
0x39d: {  	v0 =	vld [tilespmem:s0+$0xB10];
	_ =	sdelay $0x4  }
0x39e: {  	s0 =	sadd.s32 s18, s20;
	[tilespmem:s18+$0x10B10] =	vst v0  }
0x39f: {  	v0 =	vld [tilespmem:s0+$0xB80];
	_ =	sdelay $0x1  }
.Ltmp3:
0x3a0: {  	(pc) =	sbr.rel @p0 .LBB2_8-.Ltmp3, $3  }
0x3a1: {  	_ =	sdelay $0x1  }
0x3a2: {  	[tilespmem:s18+$0x10B80] =	vst v0  }
0x3a3: {  	v0 =	vld [tilespmem:s0+$0xB90]  }
0x3a4: {  	_ =	sdelay $0x1  }
0x3a5: {  	s16 =	sadd.s32 $0x1, s16  }
0x3a6: {  	p0 =	sne.s32 s16, s6  }
.Ltmp4:
0x3a7: {  	[tilespmem:s18+$0x10B90] =	vst v0;
	(pc) =	sbr.rel @p0 .LBB2_1-.Ltmp4, $4  }
0x3a8: {  	[hbm4b:s5+s2] =	stream.linear.scatter [tilespmem:s15], [sflag:$0x2], $0x10000, $0x38;
	[tilespmem:$0x14400] =	vst v63  }
0x3a9: {  	_ =	swait.ge [sflag:s9], $0x10000  }
0x3aa: {  	[sflag:s9] =	ssyncset.done $0x0  }
0x3ab: {  	[sflag:s9] =	ssyncadd.s32 $0xFFFF0000  }
0x3ac: {  	_ =	sfence.sel $0x180000  }
0x3ad: {  	[bflag:$0x0] =	sbarrier.arrive $0xFFFF  }
0x3ae: {  	_ =	strace $0x90000047  }
0x3af: {  	s0 =	stileid.u32;
	[bflag:$0x2] =	sbarrier.arrive $0xFFFF  }
0x3b0: {  	p0 =	sne.s32 s0, $0x0;
	s0 =	rddreg [dreg:$0x2]  }
0x3b1: {  	s0 =	sadd.s32 @!p0 $0x100000, s0  }
0x3b2: {  	[sflag:s0] =	ssyncadd.tile.s32 @!p0 $0x1;
	_ =	shalt  }
.Lfunc_end2:
_tile_overlayer_lowered:
.L_overlay_start_2:
0x3b3: {  	(tag) =	ssettag $0x2  }
0x3b4: {  	s0 =	rddreg [dreg:$0x0];
	s2 =	stileid.u32  }
0x3b5: {  	s1 =	rddreg [dreg:$0x1];
	p0 =	sne.s32 s2, $0x0  }
0x3b6: {  	s3 =	rddreg [dreg:$0x2];
	[bflag:$0x3] =	sbarrier.arrive $0xFFFF;
	s2 =	simm.s32 @!p0 $0x1C02  }
0x3b7: {  	[timem:s3], [sflag:s2] =	dma.local @!p0 [hbm:s0], s1  }
0x3b8: {  	s0 =	simm.s32 @!p0 $0x2  }
0x3b9: {  	_ =	swait.ge @!p0 [sflag:s0], s1  }
0x3ba: {  	s1 =	ssub.s32 @!p0 $0x0, s1;
	[sflag:s0] =	ssyncset.done @!p0 $0x0  }
0x3bb: {  	[sflag:s0] =	ssyncadd.s32 @!p0 s1  }
0x3bc: {  	[bflag:$0x3] =	sbarrier.arrive $0xFFFF  }
0x3bd: {  	_ =	shalt  }

</sc_bundles>
